<compile_context>
chip_gen: v7x
topology: tpu7x:2x2x1
jax: 0.10.2.dev20260603
libtpu: 0.0.44.dev20260713+nightly
codegen_flags: <defaults>
</compile_context>

<pallas_src>
import functools

import jax
import jax.numpy as jnp
from jax import lax
from jax.experimental import pallas as pl
from jax.experimental.pallas import tpu as pltpu
from jax.experimental.pallas import tpu_sc as plsc

B = 16
N = 100000
UP = 1
EPS = 0.01

NC = 2
NS = 16
L = 16
R = B // NC

W = 6272
WLAST = 5888
CA = 2944
NVA = CA // L
NVB = (W - CA) // L
NVBLAST = (WLAST - CA) // L
TAIL0 = (N // 128) * 128
TAIL = N - TAIL0
NT = TAIL // L


def _body(src_hbm, def_hbm, tail_hbm, out_hbm,
          cache_s, cache_d, tail_c, min_buf, grid_buf,
          shared_min, shared_acc, shared_cnt, vec_buf,
          sem_sa, sem_sb, sem_d):
    c = lax.axis_index("c")
    s = lax.axis_index("s")
    band = c
    col0 = s * W
    lane = lax.iota(jnp.int32, L)
    rows = pl.ds(band * R, R)
    is_last = s == NS - 1

    @pl.when(jnp.logical_not(is_last))
    def _():
        pltpu.async_copy(src_hbm.at[UP, rows, pl.ds(col0, CA)],
                         cache_s.at[:, pl.ds(0, CA)], sem_sa)
        pltpu.async_copy(src_hbm.at[UP, rows, pl.ds(col0 + CA, W - CA)],
                         cache_s.at[:, pl.ds(CA, W - CA)], sem_sb)
        pltpu.async_copy(def_hbm.at[UP, rows, pl.ds(col0, W)],
                         cache_d.at[:, pl.ds(0, W)], sem_d)

    @pl.when(is_last)
    def _():
        pltpu.async_copy(src_hbm.at[UP, rows, pl.ds(col0, CA)],
                         cache_s.at[:, pl.ds(0, CA)], sem_sa)
        pltpu.async_copy(src_hbm.at[UP, rows, pl.ds(col0 + CA, WLAST - CA)],
                         cache_s.at[:, pl.ds(CA, WLAST - CA)], sem_sb)
        pltpu.async_copy(def_hbm.at[UP, rows, pl.ds(col0, WLAST)],
                         cache_d.at[:, pl.ds(0, WLAST)], sem_d)
        pltpu.sync_copy(tail_hbm.at[0, rows, :], tail_c.at[pl.ds(0, R), :])
        pltpu.sync_copy(tail_hbm.at[1, rows, :], tail_c.at[pl.ds(R, R), :])

    inf = jnp.full((L,), jnp.inf, jnp.float32)

    U = 1

    def phase1(j, vm):
        vm = list(vm)
        for u in range(U):
            o = (j * U + u) * L
            for r in range(R):
                vm[r] = jnp.minimum(vm[r], cache_s[r, pl.ds(o, L)])
        return tuple(vm)

    pltpu.make_async_copy(src_hbm.at[UP, rows, pl.ds(col0, CA)],
                          cache_s.at[:, pl.ds(0, CA)], sem_sa).wait()
    vmin = lax.fori_loop(0, NVA // U, phase1, (inf,) * R)

    @pl.when(jnp.logical_not(is_last))
    def _():
        pltpu.make_async_copy(src_hbm.at[UP, rows, pl.ds(col0 + CA, W - CA)],
                              cache_s.at[:, pl.ds(CA, W - CA)], sem_sb).wait()

    @pl.when(is_last)
    def _():
        pltpu.make_async_copy(src_hbm.at[UP, rows, pl.ds(col0 + CA, WLAST - CA)],
                              cache_s.at[:, pl.ds(CA, WLAST - CA)], sem_sb).wait()

    def phase1b(j, vm):
        vm = list(vm)
        for u in range(U):
            o = CA + (j * U + u) * L
            for r in range(R):
                vm[r] = jnp.minimum(vm[r], cache_s[r, pl.ds(o, L)])
        return tuple(vm)

    nvb = jnp.where(is_last, NVBLAST // U, NVB // U)
    vmin = list(lax.fori_loop(0, nvb, phase1b, tuple(vmin)))

    for r in range(R):
        for g in range(NT):
            tv = tail_c[r, pl.ds(g * L, L)]
            vmin[r] = jnp.where(is_last, jnp.minimum(vmin[r], tv), vmin[r])

    for r in range(R):
        min_buf[pl.ds(r * L, L)] = vmin[r]
    pltpu.sync_copy(min_buf, shared_min.at[pl.ds(s * (R * L), R * L)])
    plsc.subcore_barrier()
    pltpu.sync_copy(shared_min, grid_buf)
    ground = []
    for r in range(R):
        red = inf
        for w in range(NS):
            red = jnp.minimum(red, grid_buf[pl.ds(w * (R * L) + r * L, L)])
        ground.append(jnp.min(red))

    @pl.when(jnp.logical_not(is_last))
    def _():
        pltpu.make_async_copy(def_hbm.at[UP, rows, pl.ds(col0, W)],
                              cache_d.at[:, pl.ds(0, W)], sem_d).wait()

    @pl.when(is_last)
    def _():
        pltpu.make_async_copy(def_hbm.at[UP, rows, pl.ds(col0, WLAST)],
                              cache_d.at[:, pl.ds(0, WLAST)], sem_d).wait()

    U2 = 1

    def phase2(j, carry):
        acc, cnt = list(carry[0]), list(carry[1])
        for u in range(U2):
            o = (j * U2 + u) * L
            for r in range(R):
                sv = cache_s[r, pl.ds(o, L)]
                dv = cache_d[r, pl.ds(o, L)]
                m = jnp.abs(sv - ground[r]) < EPS
                acc[r] = acc[r] + jnp.where(m, jnp.abs(sv - dv), 0.0)
                cnt[r] = cnt[r] + jnp.where(m, 1.0, 0.0)
        return tuple(acc), tuple(cnt)

    nv = jnp.where(is_last, WLAST // L // U2, W // L // U2)
    zero = jnp.zeros((L,), jnp.float32)
    acc, cnt = lax.fori_loop(0, nv, phase2, ((zero,) * R, (zero,) * R))
    tot_acc = zero
    tot_cnt = zero
    for r in range(R):
        tot_acc = tot_acc + acc[r]
        tot_cnt = tot_cnt + cnt[r]

    for r in range(R):
        for g in range(NT):
            sv = tail_c[r, pl.ds(g * L, L)]
            dv = tail_c[R + r, pl.ds(g * L, L)]
            m = (jnp.abs(sv - ground[r]) < EPS) & is_last
            tot_acc = tot_acc + jnp.where(m, jnp.abs(sv - dv), 0.0)
            tot_cnt = tot_cnt + jnp.where(m, 1.0, 0.0)

    vec_buf[...] = tot_acc
    pltpu.sync_copy(vec_buf, shared_acc.at[pl.ds(s * L, L)])
    vec_buf[...] = tot_cnt
    pltpu.sync_copy(vec_buf, shared_cnt.at[pl.ds(s * L, L)])
    plsc.subcore_barrier()

    @pl.when(s == 0)
    def _():
        ta = jnp.zeros((L,), jnp.float32)
        tc = jnp.zeros((L,), jnp.float32)
        pltpu.sync_copy(shared_acc, grid_buf.at[pl.ds(0, NS * L)])
        for w in range(NS):
            ta = ta + grid_buf[pl.ds(w * L, L)]
        pltpu.sync_copy(shared_cnt, grid_buf.at[pl.ds(0, NS * L)])
        for w in range(NS):
            tc = tc + grid_buf[pl.ds(w * L, L)]
        tsum = jnp.sum(ta)
        tcnt = jnp.sum(tc)
        vec_buf[...] = jnp.where(lane == 0, tsum, jnp.where(lane == 1, tcnt, 0.0))
        pltpu.sync_copy(vec_buf, out_hbm.at[c])


@functools.partial(
    pl.kernel,
    out_type=jax.ShapeDtypeStruct((NC, L), jnp.float32),
    mesh=plsc.VectorSubcoreMesh(core_axis_name="c", subcore_axis_name="s",
                                num_cores=NC, num_subcores=NS),
    scratch_types=[
        pltpu.VMEM((R, W), jnp.float32),
        pltpu.VMEM((R, W), jnp.float32),
        pltpu.VMEM((2 * R, TAIL), jnp.float32),
        pltpu.VMEM((R * L,), jnp.float32),
        pltpu.VMEM((NS * R * L,), jnp.float32),
        pltpu.VMEM_SHARED((NS * R * L,), jnp.float32),
        pltpu.VMEM_SHARED((NS * L,), jnp.float32),
        pltpu.VMEM_SHARED((NS * L,), jnp.float32),
        pltpu.VMEM((L,), jnp.float32),
        pltpu.SemaphoreType.DMA,
        pltpu.SemaphoreType.DMA,
        pltpu.SemaphoreType.DMA,
    ],
    compiler_params=pltpu.CompilerParams(needs_layout_passes=False,
                                         use_tc_tiling_on_sc=True),
)
def _grounding_sc(src_hbm, def_hbm, tail_hbm, out_hbm, *scratch):
    _body(src_hbm, def_hbm, tail_hbm, out_hbm, *scratch)


def kernel(source, deformed):
    st = jnp.transpose(source, (2, 0, 1))
    dt = jnp.transpose(deformed, (2, 0, 1))
    tails = jnp.stack([source[:, TAIL0:, UP], deformed[:, TAIL0:, UP]])
    partials = _grounding_sc(st, dt, tails)
    return (partials[0, 0] + partials[1, 0]) / (partials[0, 1] + partials[1, 1])

# --- scband reference (transcript-rebuilt; emitter-appended) ---
"""Pipeline reference for scband-grounding-loss-9758165696602 (READ-ONLY COPY).

The authoritative reference and input builder live on the scoring server;
editing this copy changes nothing except your own understanding.
"""

import jax, jax.numpy as jnp
import numpy as np

UP_DIM = 1

def setup_inputs(seed: int = 0) -> dict:
    key = jax.random.key(seed)
    k1, k2 = jax.random.split(key)
    source = jax.random.normal(k1, (16, 100000, 3), dtype=jnp.float32)
    deformed = jax.random.normal(k2, (16, 100000, 3), dtype=jnp.float32)
    return {"source": source, "deformed": deformed}

def reference(source, deformed):
    eps = 0.01
    src_up = source[:, :, UP_DIM]                       # (B, N)
    def_up = deformed[:, :, UP_DIM]                     # (B, N)
    ground_level = jnp.min(src_up, axis=1)              # (B,)
    ground_point_mask = jnp.abs(src_up - ground_level[:, None]) < eps  # (B, N) bool
    # torch.masked_select keeps the same positions for both tensors, so
    # mean(|sel(src) - sel(def)|) == sum(mask * |src - def|) / sum(mask)
    diff = jnp.abs(src_up - def_up)
    masked_sum = jnp.sum(jnp.where(ground_point_mask, diff, 0.0))
    count = jnp.sum(ground_point_mask.astype(jnp.float32))
    return masked_sum / count

if __name__ == "__main__":
    import jax
    _d = setup_inputs()
    print(jax.jit(kernel)(*tuple(_d.values())))

</pallas_src>

<mosaic_0001>
#map = affine_map<(d0, d1) -> (0, 0, 0)>
#map1 = affine_map<(d0, d1) -> (0, 0)>
module attributes {stable_mosaic.version = 14 : i64} {
  func.func @_grounding_sc(%arg0: i32, %arg1: i32, %arg2: memref<3x16x100000xf32, #tpu.memory_space<hbm>>, %arg3: memref<3x16x100000xf32, #tpu.memory_space<hbm>>, %arg4: memref<2x16x32xf32, #tpu.memory_space<hbm>>, %arg5: memref<2x16xf32, #tpu.memory_space<hbm>>, %arg6: memref<8x6272xf32, #tpu.memory_space<vmem>>, %arg7: memref<8x6272xf32, #tpu.memory_space<vmem>>, %arg8: memref<16x32xf32, #tpu.memory_space<vmem>>, %arg9: memref<128xf32, #tpu.memory_space<vmem>>, %arg10: memref<2048xf32, #tpu.memory_space<vmem>>, %arg11: memref<2048xf32, #tpu.memory_space<vmem_shared>>, %arg12: memref<256xf32, #tpu.memory_space<vmem_shared>>, %arg13: memref<256xf32, #tpu.memory_space<vmem_shared>>, %arg14: memref<16xf32, #tpu.memory_space<vmem>>, %arg15: memref<!tpu.dma_semaphore, #tpu.memory_space<semaphore_mem>>, %arg16: memref<!tpu.dma_semaphore, #tpu.memory_space<semaphore_mem>>, %arg17: memref<!tpu.dma_semaphore, #tpu.memory_space<semaphore_mem>>) attributes {dimension_semantics = [#tpu.dimension_semantics<core_parallel>, #tpu.dimension_semantics<subcore_parallel>], iteration_bounds = array<i64: 2, 16>, scalar_prefetch = 0 : i64, scratch_operands = 12 : i64, tpu.core_type = #tpu.core_type<sc_vector_subcore>, window_params = [{transform_indices = #map}, {transform_indices = #map}, {transform_indices = #map}, {transform_indices = #map1}]} {
    %mul3A = arith.constant 6272 : i32
    %mul3A_0 = arith.muli %arg1, %mul3A : i32
    %iota3A = tpu.iota {dimensions = array<i32: 0>} : vector<16xi32>
    %mul3A_1 = arith.constant 8 : i32
    %mul3A_2 = arith.muli %arg0, %mul3A_1 : i32
    %eq3A = arith.constant 15 : i32
    %eq3A_3 = arith.cmpi eq, %arg1, %eq3A : i32
    %not3A = arith.constant true
    %not3A_4 = arith.xori %eq3A_3, %not3A : i1
    %convert_element_type3A = arith.extui %not3A_4 : i1 to i32
    %cond3A = arith.constant 0 : i32
    %cond3A_5 = arith.cmpi ne, %convert_element_type3A, %cond3A : i32
    scf.if %cond3A_5 {
      %dma_start3A = arith.constant 1 : i32
      %dma_start3A_1067 = arith.constant 0 : i32
      %dma_start3A_1068 = arith.constant 0 : i32
      %dma_start3A_1069 = tpu.memref_slice %arg6[%dma_start3A_1067, %dma_start3A_1068] : memref<8x6272xf32, #tpu.memory_space<vmem>> -> memref<8x2944xf32, #tpu.memory_space<vmem>>
      %dma_start3A_1070 = tpu.memref_slice %arg2[%dma_start3A, %mul3A_2, %mul3A_0] : memref<3x16x100000xf32, #tpu.memory_space<hbm>> -> memref<1x8x2944xf32, #tpu.memory_space<hbm>>
      %dma_start3A_1071 = tpu.memref_squeeze %dma_start3A_1070 : memref<1x8x2944xf32, #tpu.memory_space<hbm>> -> memref<8x2944xf32, #tpu.memory_space<hbm>>
      %dma_start3A_1072 = arith.constant 0 : i32
      %dma_start3A_1073 = arith.constant 0 : i32
      %dma_start3A_1074 = tpu.memref_slice %arg6[%dma_start3A_1072, %dma_start3A_1073] : memref<8x6272xf32, #tpu.memory_space<vmem>> -> memref<8x2944xf32, #tpu.memory_space<vmem>>
      %dma_start3A_1075 = tpu.memref_slice %arg2[%dma_start3A, %mul3A_2, %mul3A_0] : memref<3x16x100000xf32, #tpu.memory_space<hbm>> -> memref<1x8x2944xf32, #tpu.memory_space<hbm>>
      %dma_start3A_1076 = tpu.memref_squeeze %dma_start3A_1075 : memref<1x8x2944xf32, #tpu.memory_space<hbm>> -> memref<8x2944xf32, #tpu.memory_space<hbm>>
      tpu.enqueue_dma source(%dma_start3A_1076 : memref<8x2944xf32, #tpu.memory_space<hbm>>) target(%dma_start3A_1074 : memref<8x2944xf32, #tpu.memory_space<vmem>>) target_semaphore(%arg15 : memref<!tpu.dma_semaphore, #tpu.memory_space<semaphore_mem>>)
      %add3A_1077 = arith.constant 2944 : i32
      %add3A_1078 = arith.addi %mul3A_0, %add3A_1077 : i32
      %dma_start3A_1079 = arith.constant 1 : i32
      %dma_start3A_1080 = arith.constant 0 : i32
      %dma_start3A_1081 = arith.constant 2944 : i32
      %dma_start3A_1082 = tpu.memref_slice %arg6[%dma_start3A_1080, %dma_start3A_1081] : memref<8x6272xf32, #tpu.memory_space<vmem>> -> memref<8x3328xf32, #tpu.memory_space<vmem>>
      %dma_start3A_1083 = tpu.memref_slice %arg2[%dma_start3A_1079, %mul3A_2, %add3A_1078] : memref<3x16x100000xf32, #tpu.memory_space<hbm>> -> memref<1x8x3328xf32, #tpu.memory_space<hbm>>
      %dma_start3A_1084 = tpu.memref_squeeze %dma_start3A_1083 : memref<1x8x3328xf32, #tpu.memory_space<hbm>> -> memref<8x3328xf32, #tpu.memory_space<hbm>>
      %dma_start3A_1085 = arith.constant 0 : i32
      %dma_start3A_1086 = arith.constant 2944 : i32
      %dma_start3A_1087 = tpu.memref_slice %arg6[%dma_start3A_1085, %dma_start3A_1086] : memref<8x6272xf32, #tpu.memory_space<vmem>> -> memref<8x3328xf32, #tpu.memory_space<vmem>>
      %dma_start3A_1088 = tpu.memref_slice %arg2[%dma_start3A_1079, %mul3A_2, %add3A_1078] : memref<3x16x100000xf32, #tpu.memory_space<hbm>> -> memref<1x8x3328xf32, #tpu.memory_space<hbm>>
      %dma_start3A_1089 = tpu.memref_squeeze %dma_start3A_1088 : memref<1x8x3328xf32, #tpu.memory_space<hbm>> -> memref<8x3328xf32, #tpu.memory_space<hbm>>
      tpu.enqueue_dma source(%dma_start3A_1089 : memref<8x3328xf32, #tpu.memory_space<hbm>>) target(%dma_start3A_1087 : memref<8x3328xf32, #tpu.memory_space<vmem>>) target_semaphore(%arg16 : memref<!tpu.dma_semaphore, #tpu.memory_space<semaphore_mem>>)
      %dma_start3A_1090 = arith.constant 1 : i32
      %dma_start3A_1091 = arith.constant 0 : i32
      %dma_start3A_1092 = arith.constant 0 : i32
      %dma_start3A_1093 = tpu.memref_slice %arg7[%dma_start3A_1091, %dma_start3A_1092] : memref<8x6272xf32, #tpu.memory_space<vmem>> -> memref<8x6272xf32, #tpu.memory_space<vmem>>
      %dma_start3A_1094 = tpu.memref_slice %arg3[%dma_start3A_1090, %mul3A_2, %mul3A_0] : memref<3x16x100000xf32, #tpu.memory_space<hbm>> -> memref<1x8x6272xf32, #tpu.memory_space<hbm>>
      %dma_start3A_1095 = tpu.memref_squeeze %dma_start3A_1094 : memref<1x8x6272xf32, #tpu.memory_space<hbm>> -> memref<8x6272xf32, #tpu.memory_space<hbm>>
      %dma_start3A_1096 = arith.constant 0 : i32
      %dma_start3A_1097 = arith.constant 0 : i32
      %dma_start3A_1098 = tpu.memref_slice %arg7[%dma_start3A_1096, %dma_start3A_1097] : memref<8x6272xf32, #tpu.memory_space<vmem>> -> memref<8x6272xf32, #tpu.memory_space<vmem>>
      %dma_start3A_1099 = tpu.memref_slice %arg3[%dma_start3A_1090, %mul3A_2, %mul3A_0] : memref<3x16x100000xf32, #tpu.memory_space<hbm>> -> memref<1x8x6272xf32, #tpu.memory_space<hbm>>
      %dma_start3A_1100 = tpu.memref_squeeze %dma_start3A_1099 : memref<1x8x6272xf32, #tpu.memory_space<hbm>> -> memref<8x6272xf32, #tpu.memory_space<hbm>>
      tpu.enqueue_dma source(%dma_start3A_1100 : memref<8x6272xf32, #tpu.memory_space<hbm>>) target(%dma_start3A_1098 : memref<8x6272xf32, #tpu.memory_space<vmem>>) target_semaphore(%arg17 : memref<!tpu.dma_semaphore, #tpu.memory_space<semaphore_mem>>)
    } else {
    }
    %convert_element_type3A_6 = arith.extui %eq3A_3 : i1 to i32
    %cond3A_7 = arith.constant 0 : i32
    %cond3A_8 = arith.cmpi ne, %convert_element_type3A_6, %cond3A_7 : i32
    scf.if %cond3A_8 {
      %dma_start3A = arith.constant 1 : i32
      %dma_start3A_1067 = arith.constant 0 : i32
      %dma_start3A_1068 = arith.constant 0 : i32
      %dma_start3A_1069 = tpu.memref_slice %arg6[%dma_start3A_1067, %dma_start3A_1068] : memref<8x6272xf32, #tpu.memory_space<vmem>> -> memref<8x2944xf32, #tpu.memory_space<vmem>>
      %dma_start3A_1070 = tpu.memref_slice %arg2[%dma_start3A, %mul3A_2, %mul3A_0] : memref<3x16x100000xf32, #tpu.memory_space<hbm>> -> memref<1x8x2944xf32, #tpu.memory_space<hbm>>
      %dma_start3A_1071 = tpu.memref_squeeze %dma_start3A_1070 : memref<1x8x2944xf32, #tpu.memory_space<hbm>> -> memref<8x2944xf32, #tpu.memory_space<hbm>>
      %dma_start3A_1072 = arith.constant 0 : i32
      %dma_start3A_1073 = arith.constant 0 : i32
      %dma_start3A_1074 = tpu.memref_slice %arg6[%dma_start3A_1072, %dma_start3A_1073] : memref<8x6272xf32, #tpu.memory_space<vmem>> -> memref<8x2944xf32, #tpu.memory_space<vmem>>
      %dma_start3A_1075 = tpu.memref_slice %arg2[%dma_start3A, %mul3A_2, %mul3A_0] : memref<3x16x100000xf32, #tpu.memory_space<hbm>> -> memref<1x8x2944xf32, #tpu.memory_space<hbm>>
      %dma_start3A_1076 = tpu.memref_squeeze %dma_start3A_1075 : memref<1x8x2944xf32, #tpu.memory_space<hbm>> -> memref<8x2944xf32, #tpu.memory_space<hbm>>
      tpu.enqueue_dma source(%dma_start3A_1076 : memref<8x2944xf32, #tpu.memory_space<hbm>>) target(%dma_start3A_1074 : memref<8x2944xf32, #tpu.memory_space<vmem>>) target_semaphore(%arg15 : memref<!tpu.dma_semaphore, #tpu.memory_space<semaphore_mem>>)
      %add3A_1077 = arith.constant 2944 : i32
      %add3A_1078 = arith.addi %mul3A_0, %add3A_1077 : i32
      %dma_start3A_1079 = arith.constant 1 : i32
      %dma_start3A_1080 = arith.constant 0 : i32
      %dma_start3A_1081 = arith.constant 2944 : i32
      %dma_start3A_1082 = tpu.memref_slice %arg6[%dma_start3A_1080, %dma_start3A_1081] : memref<8x6272xf32, #tpu.memory_space<vmem>> -> memref<8x2944xf32, #tpu.memory_space<vmem>>
      %dma_start3A_1083 = tpu.memref_slice %arg2[%dma_start3A_1079, %mul3A_2, %add3A_1078] : memref<3x16x100000xf32, #tpu.memory_space<hbm>> -> memref<1x8x2944xf32, #tpu.memory_space<hbm>>
      %dma_start3A_1084 = tpu.memref_squeeze %dma_start3A_1083 : memref<1x8x2944xf32, #tpu.memory_space<hbm>> -> memref<8x2944xf32, #tpu.memory_space<hbm>>
      %dma_start3A_1085 = arith.constant 0 : i32
      %dma_start3A_1086 = arith.constant 2944 : i32
      %dma_start3A_1087 = tpu.memref_slice %arg6[%dma_start3A_1085, %dma_start3A_1086] : memref<8x6272xf32, #tpu.memory_space<vmem>> -> memref<8x2944xf32, #tpu.memory_space<vmem>>
      %dma_start3A_1088 = tpu.memref_slice %arg2[%dma_start3A_1079, %mul3A_2, %add3A_1078] : memref<3x16x100000xf32, #tpu.memory_space<hbm>> -> memref<1x8x2944xf32, #tpu.memory_space<hbm>>
      %dma_start3A_1089 = tpu.memref_squeeze %dma_start3A_1088 : memref<1x8x2944xf32, #tpu.memory_space<hbm>> -> memref<8x2944xf32, #tpu.memory_space<hbm>>
      tpu.enqueue_dma source(%dma_start3A_1089 : memref<8x2944xf32, #tpu.memory_space<hbm>>) target(%dma_start3A_1087 : memref<8x2944xf32, #tpu.memory_space<vmem>>) target_semaphore(%arg16 : memref<!tpu.dma_semaphore, #tpu.memory_space<semaphore_mem>>)
      %dma_start3A_1090 = arith.constant 1 : i32
      %dma_start3A_1091 = arith.constant 0 : i32
      %dma_start3A_1092 = arith.constant 0 : i32
      %dma_start3A_1093 = tpu.memref_slice %arg7[%dma_start3A_1091, %dma_start3A_1092] : memref<8x6272xf32, #tpu.memory_space<vmem>> -> memref<8x5888xf32, #tpu.memory_space<vmem>>
      %dma_start3A_1094 = tpu.memref_slice %arg3[%dma_start3A_1090, %mul3A_2, %mul3A_0] : memref<3x16x100000xf32, #tpu.memory_space<hbm>> -> memref<1x8x5888xf32, #tpu.memory_space<hbm>>
      %dma_start3A_1095 = tpu.memref_squeeze %dma_start3A_1094 : memref<1x8x5888xf32, #tpu.memory_space<hbm>> -> memref<8x5888xf32, #tpu.memory_space<hbm>>
      %dma_start3A_1096 = arith.constant 0 : i32
      %dma_start3A_1097 = arith.constant 0 : i32
      %dma_start3A_1098 = tpu.memref_slice %arg7[%dma_start3A_1096, %dma_start3A_1097] : memref<8x6272xf32, #tpu.memory_space<vmem>> -> memref<8x5888xf32, #tpu.memory_space<vmem>>
      %dma_start3A_1099 = tpu.memref_slice %arg3[%dma_start3A_1090, %mul3A_2, %mul3A_0] : memref<3x16x100000xf32, #tpu.memory_space<hbm>> -> memref<1x8x5888xf32, #tpu.memory_space<hbm>>
      %dma_start3A_1100 = tpu.memref_squeeze %dma_start3A_1099 : memref<1x8x5888xf32, #tpu.memory_space<hbm>> -> memref<8x5888xf32, #tpu.memory_space<hbm>>
      tpu.enqueue_dma source(%dma_start3A_1100 : memref<8x5888xf32, #tpu.memory_space<hbm>>) target(%dma_start3A_1098 : memref<8x5888xf32, #tpu.memory_space<vmem>>) target_semaphore(%arg17 : memref<!tpu.dma_semaphore, #tpu.memory_space<semaphore_mem>>)
      %run_scoped3A = arith.constant 0 : i32
      "tpu.region"() ({
        %run_scoped3A_1102 = tpu.sem_alloc : memref<!tpu.dma_semaphore, #tpu.memory_space<semaphore_mem>>
        %dma_start3A_1103 = arith.constant 0 : i32
        %dma_start3A_1104 = arith.constant 0 : i32
        %dma_start3A_1105 = tpu.memref_slice %arg8[%dma_start3A_1103, %dma_start3A_1104] : memref<16x32xf32, #tpu.memory_space<vmem>> -> memref<8x32xf32, #tpu.memory_space<vmem>>
        %dma_start3A_1106 = arith.constant 0 : i32
        %dma_start3A_1107 = tpu.memref_slice %arg4[%run_scoped3A, %mul3A_2, %dma_start3A_1106] : memref<2x16x32xf32, #tpu.memory_space<hbm>> -> memref<1x8x32xf32, #tpu.memory_space<hbm>>
        %dma_start3A_1108 = tpu.memref_squeeze %dma_start3A_1107 : memref<1x8x32xf32, #tpu.memory_space<hbm>> -> memref<8x32xf32, #tpu.memory_space<hbm>>
        %dma_start3A_1109 = arith.constant 0 : i32
        %dma_start3A_1110 = arith.constant 0 : i32
        %dma_start3A_1111 = tpu.memref_slice %arg8[%dma_start3A_1109, %dma_start3A_1110] : memref<16x32xf32, #tpu.memory_space<vmem>> -> memref<8x32xf32, #tpu.memory_space<vmem>>
        %dma_start3A_1112 = arith.constant 0 : i32
        %dma_start3A_1113 = tpu.memref_slice %arg4[%run_scoped3A, %mul3A_2, %dma_start3A_1112] : memref<2x16x32xf32, #tpu.memory_space<hbm>> -> memref<1x8x32xf32, #tpu.memory_space<hbm>>
        %dma_start3A_1114 = tpu.memref_squeeze %dma_start3A_1113 : memref<1x8x32xf32, #tpu.memory_space<hbm>> -> memref<8x32xf32, #tpu.memory_space<hbm>>
        tpu.enqueue_dma source(%dma_start3A_1114 : memref<8x32xf32, #tpu.memory_space<hbm>>) target(%dma_start3A_1111 : memref<8x32xf32, #tpu.memory_space<vmem>>) target_semaphore(%run_scoped3A_1102 : memref<!tpu.dma_semaphore, #tpu.memory_space<semaphore_mem>>)
        %dma_wait3A_1115 = arith.constant 0 : i32
        %dma_wait3A_1116 = arith.constant 0 : i32
        %dma_wait3A_1117 = tpu.memref_slice %arg8[%dma_wait3A_1115, %dma_wait3A_1116] : memref<16x32xf32, #tpu.memory_space<vmem>> -> memref<8x32xf32, #tpu.memory_space<vmem>>
        %dma_wait3A_1118 = arith.constant 0 : i32
        %dma_wait3A_1119 = tpu.memref_slice %arg4[%run_scoped3A, %mul3A_2, %dma_wait3A_1118] : memref<2x16x32xf32, #tpu.memory_space<hbm>> -> memref<1x8x32xf32, #tpu.memory_space<hbm>>
        %dma_wait3A_1120 = tpu.memref_squeeze %dma_wait3A_1119 : memref<1x8x32xf32, #tpu.memory_space<hbm>> -> memref<8x32xf32, #tpu.memory_space<hbm>>
        %dma_wait3A_1121 = arith.constant 0 : i32
        %dma_wait3A_1122 = arith.constant 0 : i32
        %dma_wait3A_1123 = tpu.memref_slice %arg8[%dma_wait3A_1121, %dma_wait3A_1122] : memref<16x32xf32, #tpu.memory_space<vmem>> -> memref<8x32xf32, #tpu.memory_space<vmem>>
        %dma_wait3A_1124 = arith.constant 0 : i32
        %dma_wait3A_1125 = tpu.memref_slice %arg4[%run_scoped3A, %mul3A_2, %dma_wait3A_1124] : memref<2x16x32xf32, #tpu.memory_space<hbm>> -> memref<1x8x32xf32, #tpu.memory_space<hbm>>
        %dma_wait3A_1126 = tpu.memref_squeeze %dma_wait3A_1125 : memref<1x8x32xf32, #tpu.memory_space<hbm>> -> memref<8x32xf32, #tpu.memory_space<hbm>>
        tpu.wait_dma2 semaphore(%run_scoped3A_1102 : memref<!tpu.dma_semaphore, #tpu.memory_space<semaphore_mem>>) src(%dma_wait3A_1126 : memref<8x32xf32, #tpu.memory_space<hbm>>) dst(%dma_wait3A_1123 : memref<8x32xf32, #tpu.memory_space<vmem>>)
        tpu.yield
      }) : () -> ()
      %run_scoped3A_1101 = arith.constant 1 : i32
      "tpu.region"() ({
        %run_scoped3A_1102 = tpu.sem_alloc : memref<!tpu.dma_semaphore, #tpu.memory_space<semaphore_mem>>
        %dma_start3A_1103 = arith.constant 8 : i32
        %dma_start3A_1104 = arith.constant 0 : i32
        %dma_start3A_1105 = tpu.memref_slice %arg8[%dma_start3A_1103, %dma_start3A_1104] : memref<16x32xf32, #tpu.memory_space<vmem>> -> memref<8x32xf32, #tpu.memory_space<vmem>>
        %dma_start3A_1106 = arith.constant 0 : i32
        %dma_start3A_1107 = tpu.memref_slice %arg4[%run_scoped3A_1101, %mul3A_2, %dma_start3A_1106] : memref<2x16x32xf32, #tpu.memory_space<hbm>> -> memref<1x8x32xf32, #tpu.memory_space<hbm>>
        %dma_start3A_1108 = tpu.memref_squeeze %dma_start3A_1107 : memref<1x8x32xf32, #tpu.memory_space<hbm>> -> memref<8x32xf32, #tpu.memory_space<hbm>>
        %dma_start3A_1109 = arith.constant 8 : i32
        %dma_start3A_1110 = arith.constant 0 : i32
        %dma_start3A_1111 = tpu.memref_slice %arg8[%dma_start3A_1109, %dma_start3A_1110] : memref<16x32xf32, #tpu.memory_space<vmem>> -> memref<8x32xf32, #tpu.memory_space<vmem>>
        %dma_start3A_1112 = arith.constant 0 : i32
        %dma_start3A_1113 = tpu.memref_slice %arg4[%run_scoped3A_1101, %mul3A_2, %dma_start3A_1112] : memref<2x16x32xf32, #tpu.memory_space<hbm>> -> memref<1x8x32xf32, #tpu.memory_space<hbm>>
        %dma_start3A_1114 = tpu.memref_squeeze %dma_start3A_1113 : memref<1x8x32xf32, #tpu.memory_space<hbm>> -> memref<8x32xf32, #tpu.memory_space<hbm>>
        tpu.enqueue_dma source(%dma_start3A_1114 : memref<8x32xf32, #tpu.memory_space<hbm>>) target(%dma_start3A_1111 : memref<8x32xf32, #tpu.memory_space<vmem>>) target_semaphore(%run_scoped3A_1102 : memref<!tpu.dma_semaphore, #tpu.memory_space<semaphore_mem>>)
        %dma_wait3A_1115 = arith.constant 8 : i32
        %dma_wait3A_1116 = arith.constant 0 : i32
        %dma_wait3A_1117 = tpu.memref_slice %arg8[%dma_wait3A_1115, %dma_wait3A_1116] : memref<16x32xf32, #tpu.memory_space<vmem>> -> memref<8x32xf32, #tpu.memory_space<vmem>>
        %dma_wait3A_1118 = arith.constant 0 : i32
        %dma_wait3A_1119 = tpu.memref_slice %arg4[%run_scoped3A_1101, %mul3A_2, %dma_wait3A_1118] : memref<2x16x32xf32, #tpu.memory_space<hbm>> -> memref<1x8x32xf32, #tpu.memory_space<hbm>>
        %dma_wait3A_1120 = tpu.memref_squeeze %dma_wait3A_1119 : memref<1x8x32xf32, #tpu.memory_space<hbm>> -> memref<8x32xf32, #tpu.memory_space<hbm>>
        %dma_wait3A_1121 = arith.constant 8 : i32
        %dma_wait3A_1122 = arith.constant 0 : i32
        %dma_wait3A_1123 = tpu.memref_slice %arg8[%dma_wait3A_1121, %dma_wait3A_1122] : memref<16x32xf32, #tpu.memory_space<vmem>> -> memref<8x32xf32, #tpu.memory_space<vmem>>
        %dma_wait3A_1124 = arith.constant 0 : i32
        %dma_wait3A_1125 = tpu.memref_slice %arg4[%run_scoped3A_1101, %mul3A_2, %dma_wait3A_1124] : memref<2x16x32xf32, #tpu.memory_space<hbm>> -> memref<1x8x32xf32, #tpu.memory_space<hbm>>
        %dma_wait3A_1126 = tpu.memref_squeeze %dma_wait3A_1125 : memref<1x8x32xf32, #tpu.memory_space<hbm>> -> memref<8x32xf32, #tpu.memory_space<hbm>>
        tpu.wait_dma2 semaphore(%run_scoped3A_1102 : memref<!tpu.dma_semaphore, #tpu.memory_space<semaphore_mem>>) src(%dma_wait3A_1126 : memref<8x32xf32, #tpu.memory_space<hbm>>) dst(%dma_wait3A_1123 : memref<8x32xf32, #tpu.memory_space<vmem>>)
        tpu.yield
      }) : () -> ()
    } else {
    }
    %broadcast_in_dim3A = arith.constant 0x7F800000 : f32
    %broadcast_in_dim3A_9 = vector.broadcast %broadcast_in_dim3A : f32 to vector<16xf32>
    %dma_wait3A = arith.constant 1 : i32
    %dma_wait3A_10 = arith.constant 0 : i32
    %dma_wait3A_11 = arith.constant 0 : i32
    %dma_wait3A_12 = tpu.memref_slice %arg6[%dma_wait3A_10, %dma_wait3A_11] : memref<8x6272xf32, #tpu.memory_space<vmem>> -> memref<8x2944xf32, #tpu.memory_space<vmem>>
    %dma_wait3A_13 = tpu.memref_slice %arg2[%dma_wait3A, %mul3A_2, %mul3A_0] : memref<3x16x100000xf32, #tpu.memory_space<hbm>> -> memref<1x8x2944xf32, #tpu.memory_space<hbm>>
    %dma_wait3A_14 = tpu.memref_squeeze %dma_wait3A_13 : memref<1x8x2944xf32, #tpu.memory_space<hbm>> -> memref<8x2944xf32, #tpu.memory_space<hbm>>
    %dma_wait3A_15 = arith.constant 0 : i32
    %dma_wait3A_16 = arith.constant 0 : i32
    %dma_wait3A_17 = tpu.memref_slice %arg6[%dma_wait3A_15, %dma_wait3A_16] : memref<8x6272xf32, #tpu.memory_space<vmem>> -> memref<8x2944xf32, #tpu.memory_space<vmem>>
    %dma_wait3A_18 = tpu.memref_slice %arg2[%dma_wait3A, %mul3A_2, %mul3A_0] : memref<3x16x100000xf32, #tpu.memory_space<hbm>> -> memref<1x8x2944xf32, #tpu.memory_space<hbm>>
    %dma_wait3A_19 = tpu.memref_squeeze %dma_wait3A_18 : memref<1x8x2944xf32, #tpu.memory_space<hbm>> -> memref<8x2944xf32, #tpu.memory_space<hbm>>
    tpu.wait_dma2 semaphore(%arg15 : memref<!tpu.dma_semaphore, #tpu.memory_space<semaphore_mem>>) src(%dma_wait3A_19 : memref<8x2944xf32, #tpu.memory_space<hbm>>) dst(%dma_wait3A_17 : memref<8x2944xf32, #tpu.memory_space<vmem>>)
    %scan3A = arith.constant 0 : i32
    %scan3A_20 = arith.constant 184 : i32
    %scan3A_21 = arith.addi %scan3A, %scan3A_20 : i32
    %scan3A_22 = arith.constant 1 : i32
    %scan3A_23:8 = scf.for %scan3A_1067 = %scan3A to %scan3A_21 step %scan3A_22 iter_args(%scan3A_1068 = %broadcast_in_dim3A_9, %scan3A_1069 = %broadcast_in_dim3A_9, %scan3A_1070 = %broadcast_in_dim3A_9, %scan3A_1071 = %broadcast_in_dim3A_9, %scan3A_1072 = %broadcast_in_dim3A_9, %scan3A_1073 = %broadcast_in_dim3A_9, %scan3A_1074 = %broadcast_in_dim3A_9, %scan3A_1075 = %broadcast_in_dim3A_9) -> (vector<16xf32>, vector<16xf32>, vector<16xf32>, vector<16xf32>, vector<16xf32>, vector<16xf32>, vector<16xf32>, vector<16xf32>)  : i32 {
      %mul3A_1076 = arith.constant 1 : i32
      %mul3A_1077 = arith.muli %scan3A_1067, %mul3A_1076 : i32
      %add3A_1078 = arith.constant 0 : i32
      %add3A_1079 = arith.addi %mul3A_1077, %add3A_1078 : i32
      %mul3A_1080 = arith.constant 16 : i32
      %mul3A_1081 = arith.muli %add3A_1079, %mul3A_1080 : i32
      %get3A_1082 = arith.constant 0 : i32
      %get3A_1083 = arith.index_cast %get3A_1082 : i32 to index
      %get3A_1084 = arith.index_cast %mul3A_1081 : i32 to index
      %get3A_1085 = tpu.vector_load %arg6[%get3A_1083, %get3A_1084] {strides = array<i32>} : memref<8x6272xf32, #tpu.memory_space<vmem>>, vector<16xf32>,
      %min3A_1086 = arith.minimumf %scan3A_1068, %get3A_1085 : vector<16xf32>
      %get3A_1087 = arith.constant 1 : i32
      %get3A_1088 = arith.index_cast %get3A_1087 : i32 to index
      %get3A_1089 = arith.index_cast %mul3A_1081 : i32 to index
      %get3A_1090 = tpu.vector_load %arg6[%get3A_1088, %get3A_1089] {strides = array<i32>} : memref<8x6272xf32, #tpu.memory_space<vmem>>, vector<16xf32>,
      %min3A_1091 = arith.minimumf %scan3A_1069, %get3A_1090 : vector<16xf32>
      %get3A_1092 = arith.constant 2 : i32
      %get3A_1093 = arith.index_cast %get3A_1092 : i32 to index
      %get3A_1094 = arith.index_cast %mul3A_1081 : i32 to index
      %get3A_1095 = tpu.vector_load %arg6[%get3A_1093, %get3A_1094] {strides = array<i32>} : memref<8x6272xf32, #tpu.memory_space<vmem>>, vector<16xf32>,
      %min3A_1096 = arith.minimumf %scan3A_1070, %get3A_1095 : vector<16xf32>
      %get3A_1097 = arith.constant 3 : i32
      %get3A_1098 = arith.index_cast %get3A_1097 : i32 to index
      %get3A_1099 = arith.index_cast %mul3A_1081 : i32 to index
      %get3A_1100 = tpu.vector_load %arg6[%get3A_1098, %get3A_1099] {strides = array<i32>} : memref<8x6272xf32, #tpu.memory_space<vmem>>, vector<16xf32>,
      %min3A_1101 = arith.minimumf %scan3A_1071, %get3A_1100 : vector<16xf32>
      %get3A_1102 = arith.constant 4 : i32
      %get3A_1103 = arith.index_cast %get3A_1102 : i32 to index
      %get3A_1104 = arith.index_cast %mul3A_1081 : i32 to index
      %get3A_1105 = tpu.vector_load %arg6[%get3A_1103, %get3A_1104] {strides = array<i32>} : memref<8x6272xf32, #tpu.memory_space<vmem>>, vector<16xf32>,
      %min3A_1106 = arith.minimumf %scan3A_1072, %get3A_1105 : vector<16xf32>
      %get3A_1107 = arith.constant 5 : i32
      %get3A_1108 = arith.index_cast %get3A_1107 : i32 to index
      %get3A_1109 = arith.index_cast %mul3A_1081 : i32 to index
      %get3A_1110 = tpu.vector_load %arg6[%get3A_1108, %get3A_1109] {strides = array<i32>} : memref<8x6272xf32, #tpu.memory_space<vmem>>, vector<16xf32>,
      %min3A_1111 = arith.minimumf %scan3A_1073, %get3A_1110 : vector<16xf32>
      %get3A_1112 = arith.constant 6 : i32
      %get3A_1113 = arith.index_cast %get3A_1112 : i32 to index
      %get3A_1114 = arith.index_cast %mul3A_1081 : i32 to index
      %get3A_1115 = tpu.vector_load %arg6[%get3A_1113, %get3A_1114] {strides = array<i32>} : memref<8x6272xf32, #tpu.memory_space<vmem>>, vector<16xf32>,
      %min3A_1116 = arith.minimumf %scan3A_1074, %get3A_1115 : vector<16xf32>
      %get3A_1117 = arith.constant 7 : i32
      %get3A_1118 = arith.index_cast %get3A_1117 : i32 to index
      %get3A_1119 = arith.index_cast %mul3A_1081 : i32 to index
      %get3A_1120 = tpu.vector_load %arg6[%get3A_1118, %get3A_1119] {strides = array<i32>} : memref<8x6272xf32, #tpu.memory_space<vmem>>, vector<16xf32>,
      %min3A_1121 = arith.minimumf %scan3A_1075, %get3A_1120 : vector<16xf32>
      scf.yield %min3A_1086, %min3A_1091, %min3A_1096, %min3A_1101, %min3A_1106, %min3A_1111, %min3A_1116, %min3A_1121 : vector<16xf32>, vector<16xf32>, vector<16xf32>, vector<16xf32>, vector<16xf32>, vector<16xf32>, vector<16xf32>, vector<16xf32>
    }
    %scan3A_24 = arith.constant 184 : i32
    %not3A_25 = arith.constant true
    %not3A_26 = arith.xori %eq3A_3, %not3A_25 : i1
    %convert_element_type3A_27 = arith.extui %not3A_26 : i1 to i32
    %cond3A_28 = arith.constant 0 : i32
    %cond3A_29 = arith.cmpi ne, %convert_element_type3A_27, %cond3A_28 : i32
    scf.if %cond3A_29 {
      %add3A_1067 = arith.constant 2944 : i32
      %add3A_1068 = arith.addi %mul3A_0, %add3A_1067 : i32
      %dma_wait3A_1069 = arith.constant 1 : i32
      %dma_wait3A_1070 = arith.constant 0 : i32
      %dma_wait3A_1071 = arith.constant 2944 : i32
      %dma_wait3A_1072 = tpu.memref_slice %arg6[%dma_wait3A_1070, %dma_wait3A_1071] : memref<8x6272xf32, #tpu.memory_space<vmem>> -> memref<8x3328xf32, #tpu.memory_space<vmem>>
      %dma_wait3A_1073 = tpu.memref_slice %arg2[%dma_wait3A_1069, %mul3A_2, %add3A_1068] : memref<3x16x100000xf32, #tpu.memory_space<hbm>> -> memref<1x8x3328xf32, #tpu.memory_space<hbm>>
      %dma_wait3A_1074 = tpu.memref_squeeze %dma_wait3A_1073 : memref<1x8x3328xf32, #tpu.memory_space<hbm>> -> memref<8x3328xf32, #tpu.memory_space<hbm>>
      %dma_wait3A_1075 = arith.constant 0 : i32
      %dma_wait3A_1076 = arith.constant 2944 : i32
      %dma_wait3A_1077 = tpu.memref_slice %arg6[%dma_wait3A_1075, %dma_wait3A_1076] : memref<8x6272xf32, #tpu.memory_space<vmem>> -> memref<8x3328xf32, #tpu.memory_space<vmem>>
      %dma_wait3A_1078 = tpu.memref_slice %arg2[%dma_wait3A_1069, %mul3A_2, %add3A_1068] : memref<3x16x100000xf32, #tpu.memory_space<hbm>> -> memref<1x8x3328xf32, #tpu.memory_space<hbm>>
      %dma_wait3A_1079 = tpu.memref_squeeze %dma_wait3A_1078 : memref<1x8x3328xf32, #tpu.memory_space<hbm>> -> memref<8x3328xf32, #tpu.memory_space<hbm>>
      tpu.wait_dma2 semaphore(%arg16 : memref<!tpu.dma_semaphore, #tpu.memory_space<semaphore_mem>>) src(%dma_wait3A_1079 : memref<8x3328xf32, #tpu.memory_space<hbm>>) dst(%dma_wait3A_1077 : memref<8x3328xf32, #tpu.memory_space<vmem>>)
    } else {
    }
    %convert_element_type3A_30 = arith.extui %eq3A_3 : i1 to i32
    %cond3A_31 = arith.constant 0 : i32
    %cond3A_32 = arith.cmpi ne, %convert_element_type3A_30, %cond3A_31 : i32
    scf.if %cond3A_32 {
      %add3A_1067 = arith.constant 2944 : i32
      %add3A_1068 = arith.addi %mul3A_0, %add3A_1067 : i32
      %dma_wait3A_1069 = arith.constant 1 : i32
      %dma_wait3A_1070 = arith.constant 0 : i32
      %dma_wait3A_1071 = arith.constant 2944 : i32
      %dma_wait3A_1072 = tpu.memref_slice %arg6[%dma_wait3A_1070, %dma_wait3A_1071] : memref<8x6272xf32, #tpu.memory_space<vmem>> -> memref<8x2944xf32, #tpu.memory_space<vmem>>
      %dma_wait3A_1073 = tpu.memref_slice %arg2[%dma_wait3A_1069, %mul3A_2, %add3A_1068] : memref<3x16x100000xf32, #tpu.memory_space<hbm>> -> memref<1x8x2944xf32, #tpu.memory_space<hbm>>
      %dma_wait3A_1074 = tpu.memref_squeeze %dma_wait3A_1073 : memref<1x8x2944xf32, #tpu.memory_space<hbm>> -> memref<8x2944xf32, #tpu.memory_space<hbm>>
      %dma_wait3A_1075 = arith.constant 0 : i32
      %dma_wait3A_1076 = arith.constant 2944 : i32
      %dma_wait3A_1077 = tpu.memref_slice %arg6[%dma_wait3A_1075, %dma_wait3A_1076] : memref<8x6272xf32, #tpu.memory_space<vmem>> -> memref<8x2944xf32, #tpu.memory_space<vmem>>
      %dma_wait3A_1078 = tpu.memref_slice %arg2[%dma_wait3A_1069, %mul3A_2, %add3A_1068] : memref<3x16x100000xf32, #tpu.memory_space<hbm>> -> memref<1x8x2944xf32, #tpu.memory_space<hbm>>
      %dma_wait3A_1079 = tpu.memref_squeeze %dma_wait3A_1078 : memref<1x8x2944xf32, #tpu.memory_space<hbm>> -> memref<8x2944xf32, #tpu.memory_space<hbm>>
      tpu.wait_dma2 semaphore(%arg16 : memref<!tpu.dma_semaphore, #tpu.memory_space<semaphore_mem>>) src(%dma_wait3A_1079 : memref<8x2944xf32, #tpu.memory_space<hbm>>) dst(%dma_wait3A_1077 : memref<8x2944xf32, #tpu.memory_space<vmem>>)
    } else {
    }
    %jit3A = arith.constant 184 : i32
    %jit3A_33 = arith.constant 208 : i32
    %select_n3A = arith.select %eq3A_3, %jit3A, %jit3A_33 : i32
    %while3A = arith.constant 0 : i32
    %while3A_34 = arith.subi %select_n3A, %while3A : i32
    %while3A_35 = arith.addi %while3A, %while3A_34 : i32
    %while3A_36 = arith.constant 1 : i32
    %while3A_37 = arith.divsi %while3A_34, %while3A_36 : i32
    %while3A_38 = arith.muli %while3A_37, %while3A_36 : i32
    %while3A_39 = arith.addi %while3A, %while3A_38 : i32
    %while3A_40 = arith.constant 1 : i32
    %while3A_41:8 = scf.for %while3A_1067 = %while3A to %while3A_39 step %while3A_40 iter_args(%while3A_1068 = %scan3A_23#0, %while3A_1069 = %scan3A_23#1, %while3A_1070 = %scan3A_23#2, %while3A_1071 = %scan3A_23#3, %while3A_1072 = %scan3A_23#4, %while3A_1073 = %scan3A_23#5, %while3A_1074 = %scan3A_23#6, %while3A_1075 = %scan3A_23#7) -> (vector<16xf32>, vector<16xf32>, vector<16xf32>, vector<16xf32>, vector<16xf32>, vector<16xf32>, vector<16xf32>, vector<16xf32>)  : i32 {
      %mul3A_1076 = arith.constant 1 : i32
      %mul3A_1077 = arith.muli %while3A_1067, %mul3A_1076 : i32
      %add3A_1078 = arith.constant 0 : i32
      %add3A_1079 = arith.addi %mul3A_1077, %add3A_1078 : i32
      %mul3A_1080 = arith.constant 16 : i32
      %mul3A_1081 = arith.muli %add3A_1079, %mul3A_1080 : i32
      %add3A_1082 = arith.constant 2944 : i32
      %add3A_1083 = arith.addi %add3A_1082, %mul3A_1081 : i32
      %get3A_1084 = arith.constant 0 : i32
      %get3A_1085 = arith.index_cast %get3A_1084 : i32 to index
      %get3A_1086 = arith.index_cast %add3A_1083 : i32 to index
      %get3A_1087 = tpu.vector_load %arg6[%get3A_1085, %get3A_1086] {strides = array<i32>} : memref<8x6272xf32, #tpu.memory_space<vmem>>, vector<16xf32>,
      %min3A_1088 = arith.minimumf %while3A_1068, %get3A_1087 : vector<16xf32>
      %get3A_1089 = arith.constant 1 : i32
      %get3A_1090 = arith.index_cast %get3A_1089 : i32 to index
      %get3A_1091 = arith.index_cast %add3A_1083 : i32 to index
      %get3A_1092 = tpu.vector_load %arg6[%get3A_1090, %get3A_1091] {strides = array<i32>} : memref<8x6272xf32, #tpu.memory_space<vmem>>, vector<16xf32>,
      %min3A_1093 = arith.minimumf %while3A_1069, %get3A_1092 : vector<16xf32>
      %get3A_1094 = arith.constant 2 : i32
      %get3A_1095 = arith.index_cast %get3A_1094 : i32 to index
      %get3A_1096 = arith.index_cast %add3A_1083 : i32 to index
      %get3A_1097 = tpu.vector_load %arg6[%get3A_1095, %get3A_1096] {strides = array<i32>} : memref<8x6272xf32, #tpu.memory_space<vmem>>, vector<16xf32>,
      %min3A_1098 = arith.minimumf %while3A_1070, %get3A_1097 : vector<16xf32>
      %get3A_1099 = arith.constant 3 : i32
      %get3A_1100 = arith.index_cast %get3A_1099 : i32 to index
      %get3A_1101 = arith.index_cast %add3A_1083 : i32 to index
      %get3A_1102 = tpu.vector_load %arg6[%get3A_1100, %get3A_1101] {strides = array<i32>} : memref<8x6272xf32, #tpu.memory_space<vmem>>, vector<16xf32>,
      %min3A_1103 = arith.minimumf %while3A_1071, %get3A_1102 : vector<16xf32>
      %get3A_1104 = arith.constant 4 : i32
      %get3A_1105 = arith.index_cast %get3A_1104 : i32 to index
      %get3A_1106 = arith.index_cast %add3A_1083 : i32 to index
      %get3A_1107 = tpu.vector_load %arg6[%get3A_1105, %get3A_1106] {strides = array<i32>} : memref<8x6272xf32, #tpu.memory_space<vmem>>, vector<16xf32>,
      %min3A_1108 = arith.minimumf %while3A_1072, %get3A_1107 : vector<16xf32>
      %get3A_1109 = arith.constant 5 : i32
      %get3A_1110 = arith.index_cast %get3A_1109 : i32 to index
      %get3A_1111 = arith.index_cast %add3A_1083 : i32 to index
      %get3A_1112 = tpu.vector_load %arg6[%get3A_1110, %get3A_1111] {strides = array<i32>} : memref<8x6272xf32, #tpu.memory_space<vmem>>, vector<16xf32>,
      %min3A_1113 = arith.minimumf %while3A_1073, %get3A_1112 : vector<16xf32>
      %get3A_1114 = arith.constant 6 : i32
      %get3A_1115 = arith.index_cast %get3A_1114 : i32 to index
      %get3A_1116 = arith.index_cast %add3A_1083 : i32 to index
      %get3A_1117 = tpu.vector_load %arg6[%get3A_1115, %get3A_1116] {strides = array<i32>} : memref<8x6272xf32, #tpu.memory_space<vmem>>, vector<16xf32>,
      %min3A_1118 = arith.minimumf %while3A_1074, %get3A_1117 : vector<16xf32>
      %get3A_1119 = arith.constant 7 : i32
      %get3A_1120 = arith.index_cast %get3A_1119 : i32 to index
      %get3A_1121 = arith.index_cast %add3A_1083 : i32 to index
      %get3A_1122 = tpu.vector_load %arg6[%get3A_1120, %get3A_1121] {strides = array<i32>} : memref<8x6272xf32, #tpu.memory_space<vmem>>, vector<16xf32>,
      %min3A_1123 = arith.minimumf %while3A_1075, %get3A_1122 : vector<16xf32>
      scf.yield %min3A_1088, %min3A_1093, %min3A_1098, %min3A_1103, %min3A_1108, %min3A_1113, %min3A_1118, %min3A_1123 : vector<16xf32>, vector<16xf32>, vector<16xf32>, vector<16xf32>, vector<16xf32>, vector<16xf32>, vector<16xf32>, vector<16xf32>
    }
    %while3A_42 = arith.constant 1 : i32
    %while3A_43:8 = scf.for %while3A_1067 = %while3A_39 to %while3A_35 step %while3A_42 iter_args(%while3A_1068 = %while3A_41#0, %while3A_1069 = %while3A_41#1, %while3A_1070 = %while3A_41#2, %while3A_1071 = %while3A_41#3, %while3A_1072 = %while3A_41#4, %while3A_1073 = %while3A_41#5, %while3A_1074 = %while3A_41#6, %while3A_1075 = %while3A_41#7) -> (vector<16xf32>, vector<16xf32>, vector<16xf32>, vector<16xf32>, vector<16xf32>, vector<16xf32>, vector<16xf32>, vector<16xf32>)  : i32 {
      %mul3A_1076 = arith.constant 1 : i32
      %mul3A_1077 = arith.muli %while3A_1067, %mul3A_1076 : i32
      %add3A_1078 = arith.constant 0 : i32
      %add3A_1079 = arith.addi %mul3A_1077, %add3A_1078 : i32
      %mul3A_1080 = arith.constant 16 : i32
      %mul3A_1081 = arith.muli %add3A_1079, %mul3A_1080 : i32
      %add3A_1082 = arith.constant 2944 : i32
      %add3A_1083 = arith.addi %add3A_1082, %mul3A_1081 : i32
      %get3A_1084 = arith.constant 0 : i32
      %get3A_1085 = arith.index_cast %get3A_1084 : i32 to index
      %get3A_1086 = arith.index_cast %add3A_1083 : i32 to index
      %get3A_1087 = tpu.vector_load %arg6[%get3A_1085, %get3A_1086] {strides = array<i32>} : memref<8x6272xf32, #tpu.memory_space<vmem>>, vector<16xf32>,
      %min3A_1088 = arith.minimumf %while3A_1068, %get3A_1087 : vector<16xf32>
      %get3A_1089 = arith.constant 1 : i32
      %get3A_1090 = arith.index_cast %get3A_1089 : i32 to index
      %get3A_1091 = arith.index_cast %add3A_1083 : i32 to index
      %get3A_1092 = tpu.vector_load %arg6[%get3A_1090, %get3A_1091] {strides = array<i32>} : memref<8x6272xf32, #tpu.memory_space<vmem>>, vector<16xf32>,
      %min3A_1093 = arith.minimumf %while3A_1069, %get3A_1092 : vector<16xf32>
      %get3A_1094 = arith.constant 2 : i32
      %get3A_1095 = arith.index_cast %get3A_1094 : i32 to index
      %get3A_1096 = arith.index_cast %add3A_1083 : i32 to index
      %get3A_1097 = tpu.vector_load %arg6[%get3A_1095, %get3A_1096] {strides = array<i32>} : memref<8x6272xf32, #tpu.memory_space<vmem>>, vector<16xf32>,
      %min3A_1098 = arith.minimumf %while3A_1070, %get3A_1097 : vector<16xf32>
      %get3A_1099 = arith.constant 3 : i32
      %get3A_1100 = arith.index_cast %get3A_1099 : i32 to index
      %get3A_1101 = arith.index_cast %add3A_1083 : i32 to index
      %get3A_1102 = tpu.vector_load %arg6[%get3A_1100, %get3A_1101] {strides = array<i32>} : memref<8x6272xf32, #tpu.memory_space<vmem>>, vector<16xf32>,
      %min3A_1103 = arith.minimumf %while3A_1071, %get3A_1102 : vector<16xf32>
      %get3A_1104 = arith.constant 4 : i32
      %get3A_1105 = arith.index_cast %get3A_1104 : i32 to index
      %get3A_1106 = arith.index_cast %add3A_1083 : i32 to index
      %get3A_1107 = tpu.vector_load %arg6[%get3A_1105, %get3A_1106] {strides = array<i32>} : memref<8x6272xf32, #tpu.memory_space<vmem>>, vector<16xf32>,
      %min3A_1108 = arith.minimumf %while3A_1072, %get3A_1107 : vector<16xf32>
      %get3A_1109 = arith.constant 5 : i32
      %get3A_1110 = arith.index_cast %get3A_1109 : i32 to index
      %get3A_1111 = arith.index_cast %add3A_1083 : i32 to index
      %get3A_1112 = tpu.vector_load %arg6[%get3A_1110, %get3A_1111] {strides = array<i32>} : memref<8x6272xf32, #tpu.memory_space<vmem>>, vector<16xf32>,
      %min3A_1113 = arith.minimumf %while3A_1073, %get3A_1112 : vector<16xf32>
      %get3A_1114 = arith.constant 6 : i32
      %get3A_1115 = arith.index_cast %get3A_1114 : i32 to index
      %get3A_1116 = arith.index_cast %add3A_1083 : i32 to index
      %get3A_1117 = tpu.vector_load %arg6[%get3A_1115, %get3A_1116] {strides = array<i32>} : memref<8x6272xf32, #tpu.memory_space<vmem>>, vector<16xf32>,
      %min3A_1118 = arith.minimumf %while3A_1074, %get3A_1117 : vector<16xf32>
      %get3A_1119 = arith.constant 7 : i32
      %get3A_1120 = arith.index_cast %get3A_1119 : i32 to index
      %get3A_1121 = arith.index_cast %add3A_1083 : i32 to index
      %get3A_1122 = tpu.vector_load %arg6[%get3A_1120, %get3A_1121] {strides = array<i32>} : memref<8x6272xf32, #tpu.memory_space<vmem>>, vector<16xf32>,
      %min3A_1123 = arith.minimumf %while3A_1075, %get3A_1122 : vector<16xf32>
      scf.yield %min3A_1088, %min3A_1093, %min3A_1098, %min3A_1103, %min3A_1108, %min3A_1113, %min3A_1118, %min3A_1123 : vector<16xf32>, vector<16xf32>, vector<16xf32>, vector<16xf32>, vector<16xf32>, vector<16xf32>, vector<16xf32>, vector<16xf32>
    }
    %get3A = arith.constant 0 : i32
    %get3A_44 = arith.index_cast %get3A : i32 to index
    %get3A_45 = arith.constant 0 : index
    %get3A_46 = tpu.vector_load %arg8[%get3A_44, %get3A_45] {strides = array<i32>} : memref<16x32xf32, #tpu.memory_space<vmem>>, vector<16xf32>,
    %min3A = arith.minimumf %while3A_43#0, %get3A_46 : vector<16xf32>
    %select_n3A_47 = arith.select %eq3A_3, %min3A, %while3A_43#0 : vector<16xf32>
    %get3A_48 = arith.constant 0 : i32
    %get3A_49 = arith.index_cast %get3A_48 : i32 to index
    %get3A_50 = arith.constant 16 : index
    %get3A_51 = tpu.vector_load %arg8[%get3A_49, %get3A_50] {strides = array<i32>} : memref<16x32xf32, #tpu.memory_space<vmem>>, vector<16xf32>,
    %min3A_52 = arith.minimumf %select_n3A_47, %get3A_51 : vector<16xf32>
    %select_n3A_53 = arith.select %eq3A_3, %min3A_52, %select_n3A_47 : vector<16xf32>
    %get3A_54 = arith.constant 1 : i32
    %get3A_55 = arith.index_cast %get3A_54 : i32 to index
    %get3A_56 = arith.constant 0 : index
    %get3A_57 = tpu.vector_load %arg8[%get3A_55, %get3A_56] {strides = array<i32>} : memref<16x32xf32, #tpu.memory_space<vmem>>, vector<16xf32>,
    %min3A_58 = arith.minimumf %while3A_43#1, %get3A_57 : vector<16xf32>
    %select_n3A_59 = arith.select %eq3A_3, %min3A_58, %while3A_43#1 : vector<16xf32>
    %get3A_60 = arith.constant 1 : i32
    %get3A_61 = arith.index_cast %get3A_60 : i32 to index
    %get3A_62 = arith.constant 16 : index
    %get3A_63 = tpu.vector_load %arg8[%get3A_61, %get3A_62] {strides = array<i32>} : memref<16x32xf32, #tpu.memory_space<vmem>>, vector<16xf32>,
    %min3A_64 = arith.minimumf %select_n3A_59, %get3A_63 : vector<16xf32>
    %select_n3A_65 = arith.select %eq3A_3, %min3A_64, %select_n3A_59 : vector<16xf32>
    %get3A_66 = arith.constant 2 : i32
    %get3A_67 = arith.index_cast %get3A_66 : i32 to index
    %get3A_68 = arith.constant 0 : index
    %get3A_69 = tpu.vector_load %arg8[%get3A_67, %get3A_68] {strides = array<i32>} : memref<16x32xf32, #tpu.memory_space<vmem>>, vector<16xf32>,
    %min3A_70 = arith.minimumf %while3A_43#2, %get3A_69 : vector<16xf32>
    %select_n3A_71 = arith.select %eq3A_3, %min3A_70, %while3A_43#2 : vector<16xf32>
    %get3A_72 = arith.constant 2 : i32
    %get3A_73 = arith.index_cast %get3A_72 : i32 to index
    %get3A_74 = arith.constant 16 : index
    %get3A_75 = tpu.vector_load %arg8[%get3A_73, %get3A_74] {strides = array<i32>} : memref<16x32xf32, #tpu.memory_space<vmem>>, vector<16xf32>,
    %min3A_76 = arith.minimumf %select_n3A_71, %get3A_75 : vector<16xf32>
    %select_n3A_77 = arith.select %eq3A_3, %min3A_76, %select_n3A_71 : vector<16xf32>
    %get3A_78 = arith.constant 3 : i32
    %get3A_79 = arith.index_cast %get3A_78 : i32 to index
    %get3A_80 = arith.constant 0 : index
    %get3A_81 = tpu.vector_load %arg8[%get3A_79, %get3A_80] {strides = array<i32>} : memref<16x32xf32, #tpu.memory_space<vmem>>, vector<16xf32>,
    %min3A_82 = arith.minimumf %while3A_43#3, %get3A_81 : vector<16xf32>
    %select_n3A_83 = arith.select %eq3A_3, %min3A_82, %while3A_43#3 : vector<16xf32>
    %get3A_84 = arith.constant 3 : i32
    %get3A_85 = arith.index_cast %get3A_84 : i32 to index
    %get3A_86 = arith.constant 16 : index
    %get3A_87 = tpu.vector_load %arg8[%get3A_85, %get3A_86] {strides = array<i32>} : memref<16x32xf32, #tpu.memory_space<vmem>>, vector<16xf32>,
    %min3A_88 = arith.minimumf %select_n3A_83, %get3A_87 : vector<16xf32>
    %select_n3A_89 = arith.select %eq3A_3, %min3A_88, %select_n3A_83 : vector<16xf32>
    %get3A_90 = arith.constant 4 : i32
    %get3A_91 = arith.index_cast %get3A_90 : i32 to index
    %get3A_92 = arith.constant 0 : index
    %get3A_93 = tpu.vector_load %arg8[%get3A_91, %get3A_92] {strides = array<i32>} : memref<16x32xf32, #tpu.memory_space<vmem>>, vector<16xf32>,
    %min3A_94 = arith.minimumf %while3A_43#4, %get3A_93 : vector<16xf32>
    %select_n3A_95 = arith.select %eq3A_3, %min3A_94, %while3A_43#4 : vector<16xf32>
    %get3A_96 = arith.constant 4 : i32
    %get3A_97 = arith.index_cast %get3A_96 : i32 to index
    %get3A_98 = arith.constant 16 : index
    %get3A_99 = tpu.vector_load %arg8[%get3A_97, %get3A_98] {strides = array<i32>} : memref<16x32xf32, #tpu.memory_space<vmem>>, vector<16xf32>,
    %min3A_100 = arith.minimumf %select_n3A_95, %get3A_99 : vector<16xf32>
    %select_n3A_101 = arith.select %eq3A_3, %min3A_100, %select_n3A_95 : vector<16xf32>
    %get3A_102 = arith.constant 5 : i32
    %get3A_103 = arith.index_cast %get3A_102 : i32 to index
    %get3A_104 = arith.constant 0 : index
    %get3A_105 = tpu.vector_load %arg8[%get3A_103, %get3A_104] {strides = array<i32>} : memref<16x32xf32, #tpu.memory_space<vmem>>, vector<16xf32>,
    %min3A_106 = arith.minimumf %while3A_43#5, %get3A_105 : vector<16xf32>
    %select_n3A_107 = arith.select %eq3A_3, %min3A_106, %while3A_43#5 : vector<16xf32>
    %get3A_108 = arith.constant 5 : i32
    %get3A_109 = arith.index_cast %get3A_108 : i32 to index
    %get3A_110 = arith.constant 16 : index
    %get3A_111 = tpu.vector_load %arg8[%get3A_109, %get3A_110] {strides = array<i32>} : memref<16x32xf32, #tpu.memory_space<vmem>>, vector<16xf32>,
    %min3A_112 = arith.minimumf %select_n3A_107, %get3A_111 : vector<16xf32>
    %select_n3A_113 = arith.select %eq3A_3, %min3A_112, %select_n3A_107 : vector<16xf32>
    %get3A_114 = arith.constant 6 : i32
    %get3A_115 = arith.index_cast %get3A_114 : i32 to index
    %get3A_116 = arith.constant 0 : index
    %get3A_117 = tpu.vector_load %arg8[%get3A_115, %get3A_116] {strides = array<i32>} : memref<16x32xf32, #tpu.memory_space<vmem>>, vector<16xf32>,
    %min3A_118 = arith.minimumf %while3A_43#6, %get3A_117 : vector<16xf32>
    %select_n3A_119 = arith.select %eq3A_3, %min3A_118, %while3A_43#6 : vector<16xf32>
    %get3A_120 = arith.constant 6 : i32
    %get3A_121 = arith.index_cast %get3A_120 : i32 to index
    %get3A_122 = arith.constant 16 : index
    %get3A_123 = tpu.vector_load %arg8[%get3A_121, %get3A_122] {strides = array<i32>} : memref<16x32xf32, #tpu.memory_space<vmem>>, vector<16xf32>,
    %min3A_124 = arith.minimumf %select_n3A_119, %get3A_123 : vector<16xf32>
    %select_n3A_125 = arith.select %eq3A_3, %min3A_124, %select_n3A_119 : vector<16xf32>
    %get3A_126 = arith.constant 7 : i32
    %get3A_127 = arith.index_cast %get3A_126 : i32 to index
    %get3A_128 = arith.constant 0 : index
    %get3A_129 = tpu.vector_load %arg8[%get3A_127, %get3A_128] {strides = array<i32>} : memref<16x32xf32, #tpu.memory_space<vmem>>, vector<16xf32>,
    %min3A_130 = arith.minimumf %while3A_43#7, %get3A_129 : vector<16xf32>
    %select_n3A_131 = arith.select %eq3A_3, %min3A_130, %while3A_43#7 : vector<16xf32>
    %get3A_132 = arith.constant 7 : i32
    %get3A_133 = arith.index_cast %get3A_132 : i32 to index
    %get3A_134 = arith.constant 16 : index
    %get3A_135 = tpu.vector_load %arg8[%get3A_133, %get3A_134] {strides = array<i32>} : memref<16x32xf32, #tpu.memory_space<vmem>>, vector<16xf32>,
    %min3A_136 = arith.minimumf %select_n3A_131, %get3A_135 : vector<16xf32>
    %select_n3A_137 = arith.select %eq3A_3, %min3A_136, %select_n3A_131 : vector<16xf32>
    %swap3A = arith.constant 0 : index
    %swap3A_138 = tpu.vector_load %arg9[%swap3A] {strides = array<i32>} : memref<128xf32, #tpu.memory_space<vmem>>, vector<16xf32>,
    tpu.vector_store %arg9[%swap3A], %select_n3A_53 {strides = array<i32>} : memref<128xf32, #tpu.memory_space<vmem>>, vector<16xf32>,
    %swap3A_139 = arith.constant 16 : index
    %swap3A_140 = tpu.vector_load %arg9[%swap3A_139] {strides = array<i32>} : memref<128xf32, #tpu.memory_space<vmem>>, vector<16xf32>,
    tpu.vector_store %arg9[%swap3A_139], %select_n3A_65 {strides = array<i32>} : memref<128xf32, #tpu.memory_space<vmem>>, vector<16xf32>,
    %swap3A_141 = arith.constant 32 : index
    %swap3A_142 = tpu.vector_load %arg9[%swap3A_141] {strides = array<i32>} : memref<128xf32, #tpu.memory_space<vmem>>, vector<16xf32>,
    tpu.vector_store %arg9[%swap3A_141], %select_n3A_77 {strides = array<i32>} : memref<128xf32, #tpu.memory_space<vmem>>, vector<16xf32>,
    %swap3A_143 = arith.constant 48 : index
    %swap3A_144 = tpu.vector_load %arg9[%swap3A_143] {strides = array<i32>} : memref<128xf32, #tpu.memory_space<vmem>>, vector<16xf32>,
    tpu.vector_store %arg9[%swap3A_143], %select_n3A_89 {strides = array<i32>} : memref<128xf32, #tpu.memory_space<vmem>>, vector<16xf32>,
    %swap3A_145 = arith.constant 64 : index
    %swap3A_146 = tpu.vector_load %arg9[%swap3A_145] {strides = array<i32>} : memref<128xf32, #tpu.memory_space<vmem>>, vector<16xf32>,
    tpu.vector_store %arg9[%swap3A_145], %select_n3A_101 {strides = array<i32>} : memref<128xf32, #tpu.memory_space<vmem>>, vector<16xf32>,
    %swap3A_147 = arith.constant 80 : index
    %swap3A_148 = tpu.vector_load %arg9[%swap3A_147] {strides = array<i32>} : memref<128xf32, #tpu.memory_space<vmem>>, vector<16xf32>,
    tpu.vector_store %arg9[%swap3A_147], %select_n3A_113 {strides = array<i32>} : memref<128xf32, #tpu.memory_space<vmem>>, vector<16xf32>,
    %swap3A_149 = arith.constant 96 : index
    %swap3A_150 = tpu.vector_load %arg9[%swap3A_149] {strides = array<i32>} : memref<128xf32, #tpu.memory_space<vmem>>, vector<16xf32>,
    tpu.vector_store %arg9[%swap3A_149], %select_n3A_125 {strides = array<i32>} : memref<128xf32, #tpu.memory_space<vmem>>, vector<16xf32>,
    %swap3A_151 = arith.constant 112 : index
    %swap3A_152 = tpu.vector_load %arg9[%swap3A_151] {strides = array<i32>} : memref<128xf32, #tpu.memory_space<vmem>>, vector<16xf32>,
    tpu.vector_store %arg9[%swap3A_151], %select_n3A_137 {strides = array<i32>} : memref<128xf32, #tpu.memory_space<vmem>>, vector<16xf32>,
    %mul3A_153 = arith.constant 128 : i32
    %mul3A_154 = arith.muli %arg1, %mul3A_153 : i32
    "tpu.region"() ({
      %run_scoped3A = tpu.sem_alloc : memref<!tpu.dma_semaphore, #tpu.memory_space<semaphore_mem>>
      %dma_start3A = tpu.memref_slice %arg11[%mul3A_154] : memref<2048xf32, #tpu.memory_space<vmem_shared>> -> memref<128xf32, #tpu.memory_space<vmem_shared>>
      %dma_start3A_1067 = tpu.memref_slice %arg11[%mul3A_154] : memref<2048xf32, #tpu.memory_space<vmem_shared>> -> memref<128xf32, #tpu.memory_space<vmem_shared>>
      tpu.enqueue_dma source(%arg9 : memref<128xf32, #tpu.memory_space<vmem>>) target(%dma_start3A_1067 : memref<128xf32, #tpu.memory_space<vmem_shared>>) target_semaphore(%run_scoped3A : memref<!tpu.dma_semaphore, #tpu.memory_space<semaphore_mem>>)
      %dma_wait3A_1068 = tpu.memref_slice %arg11[%mul3A_154] : memref<2048xf32, #tpu.memory_space<vmem_shared>> -> memref<128xf32, #tpu.memory_space<vmem_shared>>
      %dma_wait3A_1069 = tpu.memref_slice %arg11[%mul3A_154] : memref<2048xf32, #tpu.memory_space<vmem_shared>> -> memref<128xf32, #tpu.memory_space<vmem_shared>>
      tpu.wait_dma2 semaphore(%run_scoped3A : memref<!tpu.dma_semaphore, #tpu.memory_space<semaphore_mem>>) src(%arg9 : memref<128xf32, #tpu.memory_space<vmem>>) dst(%dma_wait3A_1069 : memref<128xf32, #tpu.memory_space<vmem_shared>>)
      tpu.yield
    }) : () -> ()
    %barrier3A = arith.constant 0 : index
    tpu.barrier barrier_id(%barrier3A)
    "tpu.region"() ({
      %run_scoped3A = tpu.sem_alloc : memref<!tpu.dma_semaphore, #tpu.memory_space<semaphore_mem>>
      tpu.enqueue_dma source(%arg11 : memref<2048xf32, #tpu.memory_space<vmem_shared>>) target(%arg10 : memref<2048xf32, #tpu.memory_space<vmem>>) target_semaphore(%run_scoped3A : memref<!tpu.dma_semaphore, #tpu.memory_space<semaphore_mem>>)
      tpu.wait_dma2 semaphore(%run_scoped3A : memref<!tpu.dma_semaphore, #tpu.memory_space<semaphore_mem>>) src(%arg11 : memref<2048xf32, #tpu.memory_space<vmem_shared>>) dst(%arg10 : memref<2048xf32, #tpu.memory_space<vmem>>)
      tpu.yield
    }) : () -> ()
    %get3A_155 = arith.constant 0 : index
    %get3A_156 = tpu.vector_load %arg10[%get3A_155] {strides = array<i32>} : memref<2048xf32, #tpu.memory_space<vmem>>, vector<16xf32>,
    %min3A_157 = arith.minimumf %broadcast_in_dim3A_9, %get3A_156 : vector<16xf32>
    %get3A_158 = arith.constant 128 : index
    %get3A_159 = tpu.vector_load %arg10[%get3A_158] {strides = array<i32>} : memref<2048xf32, #tpu.memory_space<vmem>>, vector<16xf32>,
    %min3A_160 = arith.minimumf %min3A_157, %get3A_159 : vector<16xf32>
    %get3A_161 = arith.constant 256 : index
    %get3A_162 = tpu.vector_load %arg10[%get3A_161] {strides = array<i32>} : memref<2048xf32, #tpu.memory_space<vmem>>, vector<16xf32>,
    %min3A_163 = arith.minimumf %min3A_160, %get3A_162 : vector<16xf32>
    %get3A_164 = arith.constant 384 : index
    %get3A_165 = tpu.vector_load %arg10[%get3A_164] {strides = array<i32>} : memref<2048xf32, #tpu.memory_space<vmem>>, vector<16xf32>,
    %min3A_166 = arith.minimumf %min3A_163, %get3A_165 : vector<16xf32>
    %get3A_167 = arith.constant 512 : index
    %get3A_168 = tpu.vector_load %arg10[%get3A_167] {strides = array<i32>} : memref<2048xf32, #tpu.memory_space<vmem>>, vector<16xf32>,
    %min3A_169 = arith.minimumf %min3A_166, %get3A_168 : vector<16xf32>
    %get3A_170 = arith.constant 640 : index
    %get3A_171 = tpu.vector_load %arg10[%get3A_170] {strides = array<i32>} : memref<2048xf32, #tpu.memory_space<vmem>>, vector<16xf32>,
    %min3A_172 = arith.minimumf %min3A_169, %get3A_171 : vector<16xf32>
    %get3A_173 = arith.constant 768 : index
    %get3A_174 = tpu.vector_load %arg10[%get3A_173] {strides = array<i32>} : memref<2048xf32, #tpu.memory_space<vmem>>, vector<16xf32>,
    %min3A_175 = arith.minimumf %min3A_172, %get3A_174 : vector<16xf32>
    %get3A_176 = arith.constant 896 : index
    %get3A_177 = tpu.vector_load %arg10[%get3A_176] {strides = array<i32>} : memref<2048xf32, #tpu.memory_space<vmem>>, vector<16xf32>,
    %min3A_178 = arith.minimumf %min3A_175, %get3A_177 : vector<16xf32>
    %get3A_179 = arith.constant 1024 : index
    %get3A_180 = tpu.vector_load %arg10[%get3A_179] {strides = array<i32>} : memref<2048xf32, #tpu.memory_space<vmem>>, vector<16xf32>,
    %min3A_181 = arith.minimumf %min3A_178, %get3A_180 : vector<16xf32>
    %get3A_182 = arith.constant 1152 : index
    %get3A_183 = tpu.vector_load %arg10[%get3A_182] {strides = array<i32>} : memref<2048xf32, #tpu.memory_space<vmem>>, vector<16xf32>,
    %min3A_184 = arith.minimumf %min3A_181, %get3A_183 : vector<16xf32>
    %get3A_185 = arith.constant 1280 : index
    %get3A_186 = tpu.vector_load %arg10[%get3A_185] {strides = array<i32>} : memref<2048xf32, #tpu.memory_space<vmem>>, vector<16xf32>,
    %min3A_187 = arith.minimumf %min3A_184, %get3A_186 : vector<16xf32>
    %get3A_188 = arith.constant 1408 : index
    %get3A_189 = tpu.vector_load %arg10[%get3A_188] {strides = array<i32>} : memref<2048xf32, #tpu.memory_space<vmem>>, vector<16xf32>,
    %min3A_190 = arith.minimumf %min3A_187, %get3A_189 : vector<16xf32>
    %get3A_191 = arith.constant 1536 : index
    %get3A_192 = tpu.vector_load %arg10[%get3A_191] {strides = array<i32>} : memref<2048xf32, #tpu.memory_space<vmem>>, vector<16xf32>,
    %min3A_193 = arith.minimumf %min3A_190, %get3A_192 : vector<16xf32>
    %get3A_194 = arith.constant 1664 : index
    %get3A_195 = tpu.vector_load %arg10[%get3A_194] {strides = array<i32>} : memref<2048xf32, #tpu.memory_space<vmem>>, vector<16xf32>,
    %min3A_196 = arith.minimumf %min3A_193, %get3A_195 : vector<16xf32>
    %get3A_197 = arith.constant 1792 : index
    %get3A_198 = tpu.vector_load %arg10[%get3A_197] {strides = array<i32>} : memref<2048xf32, #tpu.memory_space<vmem>>, vector<16xf32>,
    %min3A_199 = arith.minimumf %min3A_196, %get3A_198 : vector<16xf32>
    %get3A_200 = arith.constant 1920 : index
    %get3A_201 = tpu.vector_load %arg10[%get3A_200] {strides = array<i32>} : memref<2048xf32, #tpu.memory_space<vmem>>, vector<16xf32>,
    %min3A_202 = arith.minimumf %min3A_199, %get3A_201 : vector<16xf32>
    %reduce_min3A = arith.constant true
    %reduce_min3A_203 = vector.broadcast %reduce_min3A : i1 to vector<16xi1>
    %reduce_min3A_204 = tpu.scan <min>, %min3A_202 masked %reduce_min3A_203 : vector<16xf32>, vector<16xi1> -> vector<16xf32>
    %reduce_min3A_205 = vector.extract %reduce_min3A_204[15] : f32 from vector<16xf32>
    %get3A_206 = arith.constant 16 : index
    %get3A_207 = tpu.vector_load %arg10[%get3A_206] {strides = array<i32>} : memref<2048xf32, #tpu.memory_space<vmem>>, vector<16xf32>,
    %min3A_208 = arith.minimumf %broadcast_in_dim3A_9, %get3A_207 : vector<16xf32>
    %get3A_209 = arith.constant 144 : index
    %get3A_210 = tpu.vector_load %arg10[%get3A_209] {strides = array<i32>} : memref<2048xf32, #tpu.memory_space<vmem>>, vector<16xf32>,
    %min3A_211 = arith.minimumf %min3A_208, %get3A_210 : vector<16xf32>
    %get3A_212 = arith.constant 272 : index
    %get3A_213 = tpu.vector_load %arg10[%get3A_212] {strides = array<i32>} : memref<2048xf32, #tpu.memory_space<vmem>>, vector<16xf32>,
    %min3A_214 = arith.minimumf %min3A_211, %get3A_213 : vector<16xf32>
    %get3A_215 = arith.constant 400 : index
    %get3A_216 = tpu.vector_load %arg10[%get3A_215] {strides = array<i32>} : memref<2048xf32, #tpu.memory_space<vmem>>, vector<16xf32>,
    %min3A_217 = arith.minimumf %min3A_214, %get3A_216 : vector<16xf32>
    %get3A_218 = arith.constant 528 : index
    %get3A_219 = tpu.vector_load %arg10[%get3A_218] {strides = array<i32>} : memref<2048xf32, #tpu.memory_space<vmem>>, vector<16xf32>,
    %min3A_220 = arith.minimumf %min3A_217, %get3A_219 : vector<16xf32>
    %get3A_221 = arith.constant 656 : index
    %get3A_222 = tpu.vector_load %arg10[%get3A_221] {strides = array<i32>} : memref<2048xf32, #tpu.memory_space<vmem>>, vector<16xf32>,
    %min3A_223 = arith.minimumf %min3A_220, %get3A_222 : vector<16xf32>
    %get3A_224 = arith.constant 784 : index
    %get3A_225 = tpu.vector_load %arg10[%get3A_224] {strides = array<i32>} : memref<2048xf32, #tpu.memory_space<vmem>>, vector<16xf32>,
    %min3A_226 = arith.minimumf %min3A_223, %get3A_225 : vector<16xf32>
    %get3A_227 = arith.constant 912 : index
    %get3A_228 = tpu.vector_load %arg10[%get3A_227] {strides = array<i32>} : memref<2048xf32, #tpu.memory_space<vmem>>, vector<16xf32>,
    %min3A_229 = arith.minimumf %min3A_226, %get3A_228 : vector<16xf32>
    %get3A_230 = arith.constant 1040 : index
    %get3A_231 = tpu.vector_load %arg10[%get3A_230] {strides = array<i32>} : memref<2048xf32, #tpu.memory_space<vmem>>, vector<16xf32>,
    %min3A_232 = arith.minimumf %min3A_229, %get3A_231 : vector<16xf32>
    %get3A_233 = arith.constant 1168 : index
    %get3A_234 = tpu.vector_load %arg10[%get3A_233] {strides = array<i32>} : memref<2048xf32, #tpu.memory_space<vmem>>, vector<16xf32>,
    %min3A_235 = arith.minimumf %min3A_232, %get3A_234 : vector<16xf32>
    %get3A_236 = arith.constant 1296 : index
    %get3A_237 = tpu.vector_load %arg10[%get3A_236] {strides = array<i32>} : memref<2048xf32, #tpu.memory_space<vmem>>, vector<16xf32>,
    %min3A_238 = arith.minimumf %min3A_235, %get3A_237 : vector<16xf32>
    %get3A_239 = arith.constant 1424 : index
    %get3A_240 = tpu.vector_load %arg10[%get3A_239] {strides = array<i32>} : memref<2048xf32, #tpu.memory_space<vmem>>, vector<16xf32>,
    %min3A_241 = arith.minimumf %min3A_238, %get3A_240 : vector<16xf32>
    %get3A_242 = arith.constant 1552 : index
    %get3A_243 = tpu.vector_load %arg10[%get3A_242] {strides = array<i32>} : memref<2048xf32, #tpu.memory_space<vmem>>, vector<16xf32>,
    %min3A_244 = arith.minimumf %min3A_241, %get3A_243 : vector<16xf32>
    %get3A_245 = arith.constant 1680 : index
    %get3A_246 = tpu.vector_load %arg10[%get3A_245] {strides = array<i32>} : memref<2048xf32, #tpu.memory_space<vmem>>, vector<16xf32>,
    %min3A_247 = arith.minimumf %min3A_244, %get3A_246 : vector<16xf32>
    %get3A_248 = arith.constant 1808 : index
    %get3A_249 = tpu.vector_load %arg10[%get3A_248] {strides = array<i32>} : memref<2048xf32, #tpu.memory_space<vmem>>, vector<16xf32>,
    %min3A_250 = arith.minimumf %min3A_247, %get3A_249 : vector<16xf32>
    %get3A_251 = arith.constant 1936 : index
    %get3A_252 = tpu.vector_load %arg10[%get3A_251] {strides = array<i32>} : memref<2048xf32, #tpu.memory_space<vmem>>, vector<16xf32>,
    %min3A_253 = arith.minimumf %min3A_250, %get3A_252 : vector<16xf32>
    %reduce_min3A_254 = arith.constant true
    %reduce_min3A_255 = vector.broadcast %reduce_min3A_254 : i1 to vector<16xi1>
    %reduce_min3A_256 = tpu.scan <min>, %min3A_253 masked %reduce_min3A_255 : vector<16xf32>, vector<16xi1> -> vector<16xf32>
    %reduce_min3A_257 = vector.extract %reduce_min3A_256[15] : f32 from vector<16xf32>
    %get3A_258 = arith.constant 32 : index
    %get3A_259 = tpu.vector_load %arg10[%get3A_258] {strides = array<i32>} : memref<2048xf32, #tpu.memory_space<vmem>>, vector<16xf32>,
    %min3A_260 = arith.minimumf %broadcast_in_dim3A_9, %get3A_259 : vector<16xf32>
    %get3A_261 = arith.constant 160 : index
    %get3A_262 = tpu.vector_load %arg10[%get3A_261] {strides = array<i32>} : memref<2048xf32, #tpu.memory_space<vmem>>, vector<16xf32>,
    %min3A_263 = arith.minimumf %min3A_260, %get3A_262 : vector<16xf32>
    %get3A_264 = arith.constant 288 : index
    %get3A_265 = tpu.vector_load %arg10[%get3A_264] {strides = array<i32>} : memref<2048xf32, #tpu.memory_space<vmem>>, vector<16xf32>,
    %min3A_266 = arith.minimumf %min3A_263, %get3A_265 : vector<16xf32>
    %get3A_267 = arith.constant 416 : index
    %get3A_268 = tpu.vector_load %arg10[%get3A_267] {strides = array<i32>} : memref<2048xf32, #tpu.memory_space<vmem>>, vector<16xf32>,
    %min3A_269 = arith.minimumf %min3A_266, %get3A_268 : vector<16xf32>
    %get3A_270 = arith.constant 544 : index
    %get3A_271 = tpu.vector_load %arg10[%get3A_270] {strides = array<i32>} : memref<2048xf32, #tpu.memory_space<vmem>>, vector<16xf32>,
    %min3A_272 = arith.minimumf %min3A_269, %get3A_271 : vector<16xf32>
    %get3A_273 = arith.constant 672 : index
    %get3A_274 = tpu.vector_load %arg10[%get3A_273] {strides = array<i32>} : memref<2048xf32, #tpu.memory_space<vmem>>, vector<16xf32>,
    %min3A_275 = arith.minimumf %min3A_272, %get3A_274 : vector<16xf32>
    %get3A_276 = arith.constant 800 : index
    %get3A_277 = tpu.vector_load %arg10[%get3A_276] {strides = array<i32>} : memref<2048xf32, #tpu.memory_space<vmem>>, vector<16xf32>,
    %min3A_278 = arith.minimumf %min3A_275, %get3A_277 : vector<16xf32>
    %get3A_279 = arith.constant 928 : index
    %get3A_280 = tpu.vector_load %arg10[%get3A_279] {strides = array<i32>} : memref<2048xf32, #tpu.memory_space<vmem>>, vector<16xf32>,
    %min3A_281 = arith.minimumf %min3A_278, %get3A_280 : vector<16xf32>
    %get3A_282 = arith.constant 1056 : index
    %get3A_283 = tpu.vector_load %arg10[%get3A_282] {strides = array<i32>} : memref<2048xf32, #tpu.memory_space<vmem>>, vector<16xf32>,
    %min3A_284 = arith.minimumf %min3A_281, %get3A_283 : vector<16xf32>
    %get3A_285 = arith.constant 1184 : index
    %get3A_286 = tpu.vector_load %arg10[%get3A_285] {strides = array<i32>} : memref<2048xf32, #tpu.memory_space<vmem>>, vector<16xf32>,
    %min3A_287 = arith.minimumf %min3A_284, %get3A_286 : vector<16xf32>
    %get3A_288 = arith.constant 1312 : index
    %get3A_289 = tpu.vector_load %arg10[%get3A_288] {strides = array<i32>} : memref<2048xf32, #tpu.memory_space<vmem>>, vector<16xf32>,
    %min3A_290 = arith.minimumf %min3A_287, %get3A_289 : vector<16xf32>
    %get3A_291 = arith.constant 1440 : index
    %get3A_292 = tpu.vector_load %arg10[%get3A_291] {strides = array<i32>} : memref<2048xf32, #tpu.memory_space<vmem>>, vector<16xf32>,
    %min3A_293 = arith.minimumf %min3A_290, %get3A_292 : vector<16xf32>
    %get3A_294 = arith.constant 1568 : index
    %get3A_295 = tpu.vector_load %arg10[%get3A_294] {strides = array<i32>} : memref<2048xf32, #tpu.memory_space<vmem>>, vector<16xf32>,
    %min3A_296 = arith.minimumf %min3A_293, %get3A_295 : vector<16xf32>
    %get3A_297 = arith.constant 1696 : index
    %get3A_298 = tpu.vector_load %arg10[%get3A_297] {strides = array<i32>} : memref<2048xf32, #tpu.memory_space<vmem>>, vector<16xf32>,
    %min3A_299 = arith.minimumf %min3A_296, %get3A_298 : vector<16xf32>
    %get3A_300 = arith.constant 1824 : index
    %get3A_301 = tpu.vector_load %arg10[%get3A_300] {strides = array<i32>} : memref<2048xf32, #tpu.memory_space<vmem>>, vector<16xf32>,
    %min3A_302 = arith.minimumf %min3A_299, %get3A_301 : vector<16xf32>
    %get3A_303 = arith.constant 1952 : index
    %get3A_304 = tpu.vector_load %arg10[%get3A_303] {strides = array<i32>} : memref<2048xf32, #tpu.memory_space<vmem>>, vector<16xf32>,
    %min3A_305 = arith.minimumf %min3A_302, %get3A_304 : vector<16xf32>
    %reduce_min3A_306 = arith.constant true
    %reduce_min3A_307 = vector.broadcast %reduce_min3A_306 : i1 to vector<16xi1>
    %reduce_min3A_308 = tpu.scan <min>, %min3A_305 masked %reduce_min3A_307 : vector<16xf32>, vector<16xi1> -> vector<16xf32>
    %reduce_min3A_309 = vector.extract %reduce_min3A_308[15] : f32 from vector<16xf32>
    %get3A_310 = arith.constant 48 : index
    %get3A_311 = tpu.vector_load %arg10[%get3A_310] {strides = array<i32>} : memref<2048xf32, #tpu.memory_space<vmem>>, vector<16xf32>,
    %min3A_312 = arith.minimumf %broadcast_in_dim3A_9, %get3A_311 : vector<16xf32>
    %get3A_313 = arith.constant 176 : index
    %get3A_314 = tpu.vector_load %arg10[%get3A_313] {strides = array<i32>} : memref<2048xf32, #tpu.memory_space<vmem>>, vector<16xf32>,
    %min3A_315 = arith.minimumf %min3A_312, %get3A_314 : vector<16xf32>
    %get3A_316 = arith.constant 304 : index
    %get3A_317 = tpu.vector_load %arg10[%get3A_316] {strides = array<i32>} : memref<2048xf32, #tpu.memory_space<vmem>>, vector<16xf32>,
    %min3A_318 = arith.minimumf %min3A_315, %get3A_317 : vector<16xf32>
    %get3A_319 = arith.constant 432 : index
    %get3A_320 = tpu.vector_load %arg10[%get3A_319] {strides = array<i32>} : memref<2048xf32, #tpu.memory_space<vmem>>, vector<16xf32>,
    %min3A_321 = arith.minimumf %min3A_318, %get3A_320 : vector<16xf32>
    %get3A_322 = arith.constant 560 : index
    %get3A_323 = tpu.vector_load %arg10[%get3A_322] {strides = array<i32>} : memref<2048xf32, #tpu.memory_space<vmem>>, vector<16xf32>,
    %min3A_324 = arith.minimumf %min3A_321, %get3A_323 : vector<16xf32>
    %get3A_325 = arith.constant 688 : index
    %get3A_326 = tpu.vector_load %arg10[%get3A_325] {strides = array<i32>} : memref<2048xf32, #tpu.memory_space<vmem>>, vector<16xf32>,
    %min3A_327 = arith.minimumf %min3A_324, %get3A_326 : vector<16xf32>
    %get3A_328 = arith.constant 816 : index
    %get3A_329 = tpu.vector_load %arg10[%get3A_328] {strides = array<i32>} : memref<2048xf32, #tpu.memory_space<vmem>>, vector<16xf32>,
    %min3A_330 = arith.minimumf %min3A_327, %get3A_329 : vector<16xf32>
    %get3A_331 = arith.constant 944 : index
    %get3A_332 = tpu.vector_load %arg10[%get3A_331] {strides = array<i32>} : memref<2048xf32, #tpu.memory_space<vmem>>, vector<16xf32>,
    %min3A_333 = arith.minimumf %min3A_330, %get3A_332 : vector<16xf32>
    %get3A_334 = arith.constant 1072 : index
    %get3A_335 = tpu.vector_load %arg10[%get3A_334] {strides = array<i32>} : memref<2048xf32, #tpu.memory_space<vmem>>, vector<16xf32>,
    %min3A_336 = arith.minimumf %min3A_333, %get3A_335 : vector<16xf32>
    %get3A_337 = arith.constant 1200 : index
    %get3A_338 = tpu.vector_load %arg10[%get3A_337] {strides = array<i32>} : memref<2048xf32, #tpu.memory_space<vmem>>, vector<16xf32>,
    %min3A_339 = arith.minimumf %min3A_336, %get3A_338 : vector<16xf32>
    %get3A_340 = arith.constant 1328 : index
    %get3A_341 = tpu.vector_load %arg10[%get3A_340] {strides = array<i32>} : memref<2048xf32, #tpu.memory_space<vmem>>, vector<16xf32>,
    %min3A_342 = arith.minimumf %min3A_339, %get3A_341 : vector<16xf32>
    %get3A_343 = arith.constant 1456 : index
    %get3A_344 = tpu.vector_load %arg10[%get3A_343] {strides = array<i32>} : memref<2048xf32, #tpu.memory_space<vmem>>, vector<16xf32>,
    %min3A_345 = arith.minimumf %min3A_342, %get3A_344 : vector<16xf32>
    %get3A_346 = arith.constant 1584 : index
    %get3A_347 = tpu.vector_load %arg10[%get3A_346] {strides = array<i32>} : memref<2048xf32, #tpu.memory_space<vmem>>, vector<16xf32>,
    %min3A_348 = arith.minimumf %min3A_345, %get3A_347 : vector<16xf32>
    %get3A_349 = arith.constant 1712 : index
    %get3A_350 = tpu.vector_load %arg10[%get3A_349] {strides = array<i32>} : memref<2048xf32, #tpu.memory_space<vmem>>, vector<16xf32>,
    %min3A_351 = arith.minimumf %min3A_348, %get3A_350 : vector<16xf32>
    %get3A_352 = arith.constant 1840 : index
    %get3A_353 = tpu.vector_load %arg10[%get3A_352] {strides = array<i32>} : memref<2048xf32, #tpu.memory_space<vmem>>, vector<16xf32>,
    %min3A_354 = arith.minimumf %min3A_351, %get3A_353 : vector<16xf32>
    %get3A_355 = arith.constant 1968 : index
    %get3A_356 = tpu.vector_load %arg10[%get3A_355] {strides = array<i32>} : memref<2048xf32, #tpu.memory_space<vmem>>, vector<16xf32>,
    %min3A_357 = arith.minimumf %min3A_354, %get3A_356 : vector<16xf32>
    %reduce_min3A_358 = arith.constant true
    %reduce_min3A_359 = vector.broadcast %reduce_min3A_358 : i1 to vector<16xi1>
    %reduce_min3A_360 = tpu.scan <min>, %min3A_357 masked %reduce_min3A_359 : vector<16xf32>, vector<16xi1> -> vector<16xf32>
    %reduce_min3A_361 = vector.extract %reduce_min3A_360[15] : f32 from vector<16xf32>
    %get3A_362 = arith.constant 64 : index
    %get3A_363 = tpu.vector_load %arg10[%get3A_362] {strides = array<i32>} : memref<2048xf32, #tpu.memory_space<vmem>>, vector<16xf32>,
    %min3A_364 = arith.minimumf %broadcast_in_dim3A_9, %get3A_363 : vector<16xf32>
    %get3A_365 = arith.constant 192 : index
    %get3A_366 = tpu.vector_load %arg10[%get3A_365] {strides = array<i32>} : memref<2048xf32, #tpu.memory_space<vmem>>, vector<16xf32>,
    %min3A_367 = arith.minimumf %min3A_364, %get3A_366 : vector<16xf32>
    %get3A_368 = arith.constant 320 : index
    %get3A_369 = tpu.vector_load %arg10[%get3A_368] {strides = array<i32>} : memref<2048xf32, #tpu.memory_space<vmem>>, vector<16xf32>,
    %min3A_370 = arith.minimumf %min3A_367, %get3A_369 : vector<16xf32>
    %get3A_371 = arith.constant 448 : index
    %get3A_372 = tpu.vector_load %arg10[%get3A_371] {strides = array<i32>} : memref<2048xf32, #tpu.memory_space<vmem>>, vector<16xf32>,
    %min3A_373 = arith.minimumf %min3A_370, %get3A_372 : vector<16xf32>
    %get3A_374 = arith.constant 576 : index
    %get3A_375 = tpu.vector_load %arg10[%get3A_374] {strides = array<i32>} : memref<2048xf32, #tpu.memory_space<vmem>>, vector<16xf32>,
    %min3A_376 = arith.minimumf %min3A_373, %get3A_375 : vector<16xf32>
    %get3A_377 = arith.constant 704 : index
    %get3A_378 = tpu.vector_load %arg10[%get3A_377] {strides = array<i32>} : memref<2048xf32, #tpu.memory_space<vmem>>, vector<16xf32>,
    %min3A_379 = arith.minimumf %min3A_376, %get3A_378 : vector<16xf32>
    %get3A_380 = arith.constant 832 : index
    %get3A_381 = tpu.vector_load %arg10[%get3A_380] {strides = array<i32>} : memref<2048xf32, #tpu.memory_space<vmem>>, vector<16xf32>,
    %min3A_382 = arith.minimumf %min3A_379, %get3A_381 : vector<16xf32>
    %get3A_383 = arith.constant 960 : index
    %get3A_384 = tpu.vector_load %arg10[%get3A_383] {strides = array<i32>} : memref<2048xf32, #tpu.memory_space<vmem>>, vector<16xf32>,
    %min3A_385 = arith.minimumf %min3A_382, %get3A_384 : vector<16xf32>
    %get3A_386 = arith.constant 1088 : index
    %get3A_387 = tpu.vector_load %arg10[%get3A_386] {strides = array<i32>} : memref<2048xf32, #tpu.memory_space<vmem>>, vector<16xf32>,
    %min3A_388 = arith.minimumf %min3A_385, %get3A_387 : vector<16xf32>
    %get3A_389 = arith.constant 1216 : index
    %get3A_390 = tpu.vector_load %arg10[%get3A_389] {strides = array<i32>} : memref<2048xf32, #tpu.memory_space<vmem>>, vector<16xf32>,
    %min3A_391 = arith.minimumf %min3A_388, %get3A_390 : vector<16xf32>
    %get3A_392 = arith.constant 1344 : index
    %get3A_393 = tpu.vector_load %arg10[%get3A_392] {strides = array<i32>} : memref<2048xf32, #tpu.memory_space<vmem>>, vector<16xf32>,
    %min3A_394 = arith.minimumf %min3A_391, %get3A_393 : vector<16xf32>
    %get3A_395 = arith.constant 1472 : index
    %get3A_396 = tpu.vector_load %arg10[%get3A_395] {strides = array<i32>} : memref<2048xf32, #tpu.memory_space<vmem>>, vector<16xf32>,
    %min3A_397 = arith.minimumf %min3A_394, %get3A_396 : vector<16xf32>
    %get3A_398 = arith.constant 1600 : index
    %get3A_399 = tpu.vector_load %arg10[%get3A_398] {strides = array<i32>} : memref<2048xf32, #tpu.memory_space<vmem>>, vector<16xf32>,
    %min3A_400 = arith.minimumf %min3A_397, %get3A_399 : vector<16xf32>
    %get3A_401 = arith.constant 1728 : index
    %get3A_402 = tpu.vector_load %arg10[%get3A_401] {strides = array<i32>} : memref<2048xf32, #tpu.memory_space<vmem>>, vector<16xf32>,
    %min3A_403 = arith.minimumf %min3A_400, %get3A_402 : vector<16xf32>
    %get3A_404 = arith.constant 1856 : index
    %get3A_405 = tpu.vector_load %arg10[%get3A_404] {strides = array<i32>} : memref<2048xf32, #tpu.memory_space<vmem>>, vector<16xf32>,
    %min3A_406 = arith.minimumf %min3A_403, %get3A_405 : vector<16xf32>
    %get3A_407 = arith.constant 1984 : index
    %get3A_408 = tpu.vector_load %arg10[%get3A_407] {strides = array<i32>} : memref<2048xf32, #tpu.memory_space<vmem>>, vector<16xf32>,
    %min3A_409 = arith.minimumf %min3A_406, %get3A_408 : vector<16xf32>
    %reduce_min3A_410 = arith.constant true
    %reduce_min3A_411 = vector.broadcast %reduce_min3A_410 : i1 to vector<16xi1>
    %reduce_min3A_412 = tpu.scan <min>, %min3A_409 masked %reduce_min3A_411 : vector<16xf32>, vector<16xi1> -> vector<16xf32>
    %reduce_min3A_413 = vector.extract %reduce_min3A_412[15] : f32 from vector<16xf32>
    %get3A_414 = arith.constant 80 : index
    %get3A_415 = tpu.vector_load %arg10[%get3A_414] {strides = array<i32>} : memref<2048xf32, #tpu.memory_space<vmem>>, vector<16xf32>,
    %min3A_416 = arith.minimumf %broadcast_in_dim3A_9, %get3A_415 : vector<16xf32>
    %get3A_417 = arith.constant 208 : index
    %get3A_418 = tpu.vector_load %arg10[%get3A_417] {strides = array<i32>} : memref<2048xf32, #tpu.memory_space<vmem>>, vector<16xf32>,
    %min3A_419 = arith.minimumf %min3A_416, %get3A_418 : vector<16xf32>
    %get3A_420 = arith.constant 336 : index
    %get3A_421 = tpu.vector_load %arg10[%get3A_420] {strides = array<i32>} : memref<2048xf32, #tpu.memory_space<vmem>>, vector<16xf32>,
    %min3A_422 = arith.minimumf %min3A_419, %get3A_421 : vector<16xf32>
    %get3A_423 = arith.constant 464 : index
    %get3A_424 = tpu.vector_load %arg10[%get3A_423] {strides = array<i32>} : memref<2048xf32, #tpu.memory_space<vmem>>, vector<16xf32>,
    %min3A_425 = arith.minimumf %min3A_422, %get3A_424 : vector<16xf32>
    %get3A_426 = arith.constant 592 : index
    %get3A_427 = tpu.vector_load %arg10[%get3A_426] {strides = array<i32>} : memref<2048xf32, #tpu.memory_space<vmem>>, vector<16xf32>,
    %min3A_428 = arith.minimumf %min3A_425, %get3A_427 : vector<16xf32>
    %get3A_429 = arith.constant 720 : index
    %get3A_430 = tpu.vector_load %arg10[%get3A_429] {strides = array<i32>} : memref<2048xf32, #tpu.memory_space<vmem>>, vector<16xf32>,
    %min3A_431 = arith.minimumf %min3A_428, %get3A_430 : vector<16xf32>
    %get3A_432 = arith.constant 848 : index
    %get3A_433 = tpu.vector_load %arg10[%get3A_432] {strides = array<i32>} : memref<2048xf32, #tpu.memory_space<vmem>>, vector<16xf32>,
    %min3A_434 = arith.minimumf %min3A_431, %get3A_433 : vector<16xf32>
    %get3A_435 = arith.constant 976 : index
    %get3A_436 = tpu.vector_load %arg10[%get3A_435] {strides = array<i32>} : memref<2048xf32, #tpu.memory_space<vmem>>, vector<16xf32>,
    %min3A_437 = arith.minimumf %min3A_434, %get3A_436 : vector<16xf32>
    %get3A_438 = arith.constant 1104 : index
    %get3A_439 = tpu.vector_load %arg10[%get3A_438] {strides = array<i32>} : memref<2048xf32, #tpu.memory_space<vmem>>, vector<16xf32>,
    %min3A_440 = arith.minimumf %min3A_437, %get3A_439 : vector<16xf32>
    %get3A_441 = arith.constant 1232 : index
    %get3A_442 = tpu.vector_load %arg10[%get3A_441] {strides = array<i32>} : memref<2048xf32, #tpu.memory_space<vmem>>, vector<16xf32>,
    %min3A_443 = arith.minimumf %min3A_440, %get3A_442 : vector<16xf32>
    %get3A_444 = arith.constant 1360 : index
    %get3A_445 = tpu.vector_load %arg10[%get3A_444] {strides = array<i32>} : memref<2048xf32, #tpu.memory_space<vmem>>, vector<16xf32>,
    %min3A_446 = arith.minimumf %min3A_443, %get3A_445 : vector<16xf32>
    %get3A_447 = arith.constant 1488 : index
    %get3A_448 = tpu.vector_load %arg10[%get3A_447] {strides = array<i32>} : memref<2048xf32, #tpu.memory_space<vmem>>, vector<16xf32>,
    %min3A_449 = arith.minimumf %min3A_446, %get3A_448 : vector<16xf32>
    %get3A_450 = arith.constant 1616 : index
    %get3A_451 = tpu.vector_load %arg10[%get3A_450] {strides = array<i32>} : memref<2048xf32, #tpu.memory_space<vmem>>, vector<16xf32>,
    %min3A_452 = arith.minimumf %min3A_449, %get3A_451 : vector<16xf32>
    %get3A_453 = arith.constant 1744 : index
    %get3A_454 = tpu.vector_load %arg10[%get3A_453] {strides = array<i32>} : memref<2048xf32, #tpu.memory_space<vmem>>, vector<16xf32>,
    %min3A_455 = arith.minimumf %min3A_452, %get3A_454 : vector<16xf32>
    %get3A_456 = arith.constant 1872 : index
    %get3A_457 = tpu.vector_load %arg10[%get3A_456] {strides = array<i32>} : memref<2048xf32, #tpu.memory_space<vmem>>, vector<16xf32>,
    %min3A_458 = arith.minimumf %min3A_455, %get3A_457 : vector<16xf32>
    %get3A_459 = arith.constant 2000 : index
    %get3A_460 = tpu.vector_load %arg10[%get3A_459] {strides = array<i32>} : memref<2048xf32, #tpu.memory_space<vmem>>, vector<16xf32>,
    %min3A_461 = arith.minimumf %min3A_458, %get3A_460 : vector<16xf32>
    %reduce_min3A_462 = arith.constant true
    %reduce_min3A_463 = vector.broadcast %reduce_min3A_462 : i1 to vector<16xi1>
    %reduce_min3A_464 = tpu.scan <min>, %min3A_461 masked %reduce_min3A_463 : vector<16xf32>, vector<16xi1> -> vector<16xf32>
    %reduce_min3A_465 = vector.extract %reduce_min3A_464[15] : f32 from vector<16xf32>
    %get3A_466 = arith.constant 96 : index
    %get3A_467 = tpu.vector_load %arg10[%get3A_466] {strides = array<i32>} : memref<2048xf32, #tpu.memory_space<vmem>>, vector<16xf32>,
    %min3A_468 = arith.minimumf %broadcast_in_dim3A_9, %get3A_467 : vector<16xf32>
    %get3A_469 = arith.constant 224 : index
    %get3A_470 = tpu.vector_load %arg10[%get3A_469] {strides = array<i32>} : memref<2048xf32, #tpu.memory_space<vmem>>, vector<16xf32>,
    %min3A_471 = arith.minimumf %min3A_468, %get3A_470 : vector<16xf32>
    %get3A_472 = arith.constant 352 : index
    %get3A_473 = tpu.vector_load %arg10[%get3A_472] {strides = array<i32>} : memref<2048xf32, #tpu.memory_space<vmem>>, vector<16xf32>,
    %min3A_474 = arith.minimumf %min3A_471, %get3A_473 : vector<16xf32>
    %get3A_475 = arith.constant 480 : index
    %get3A_476 = tpu.vector_load %arg10[%get3A_475] {strides = array<i32>} : memref<2048xf32, #tpu.memory_space<vmem>>, vector<16xf32>,
    %min3A_477 = arith.minimumf %min3A_474, %get3A_476 : vector<16xf32>
    %get3A_478 = arith.constant 608 : index
    %get3A_479 = tpu.vector_load %arg10[%get3A_478] {strides = array<i32>} : memref<2048xf32, #tpu.memory_space<vmem>>, vector<16xf32>,
    %min3A_480 = arith.minimumf %min3A_477, %get3A_479 : vector<16xf32>
    %get3A_481 = arith.constant 736 : index
    %get3A_482 = tpu.vector_load %arg10[%get3A_481] {strides = array<i32>} : memref<2048xf32, #tpu.memory_space<vmem>>, vector<16xf32>,
    %min3A_483 = arith.minimumf %min3A_480, %get3A_482 : vector<16xf32>
    %get3A_484 = arith.constant 864 : index
    %get3A_485 = tpu.vector_load %arg10[%get3A_484] {strides = array<i32>} : memref<2048xf32, #tpu.memory_space<vmem>>, vector<16xf32>,
    %min3A_486 = arith.minimumf %min3A_483, %get3A_485 : vector<16xf32>
    %get3A_487 = arith.constant 992 : index
    %get3A_488 = tpu.vector_load %arg10[%get3A_487] {strides = array<i32>} : memref<2048xf32, #tpu.memory_space<vmem>>, vector<16xf32>,
    %min3A_489 = arith.minimumf %min3A_486, %get3A_488 : vector<16xf32>
    %get3A_490 = arith.constant 1120 : index
    %get3A_491 = tpu.vector_load %arg10[%get3A_490] {strides = array<i32>} : memref<2048xf32, #tpu.memory_space<vmem>>, vector<16xf32>,
    %min3A_492 = arith.minimumf %min3A_489, %get3A_491 : vector<16xf32>
    %get3A_493 = arith.constant 1248 : index
    %get3A_494 = tpu.vector_load %arg10[%get3A_493] {strides = array<i32>} : memref<2048xf32, #tpu.memory_space<vmem>>, vector<16xf32>,
    %min3A_495 = arith.minimumf %min3A_492, %get3A_494 : vector<16xf32>
    %get3A_496 = arith.constant 1376 : index
    %get3A_497 = tpu.vector_load %arg10[%get3A_496] {strides = array<i32>} : memref<2048xf32, #tpu.memory_space<vmem>>, vector<16xf32>,
    %min3A_498 = arith.minimumf %min3A_495, %get3A_497 : vector<16xf32>
    %get3A_499 = arith.constant 1504 : index
    %get3A_500 = tpu.vector_load %arg10[%get3A_499] {strides = array<i32>} : memref<2048xf32, #tpu.memory_space<vmem>>, vector<16xf32>,
    %min3A_501 = arith.minimumf %min3A_498, %get3A_500 : vector<16xf32>
    %get3A_502 = arith.constant 1632 : index
    %get3A_503 = tpu.vector_load %arg10[%get3A_502] {strides = array<i32>} : memref<2048xf32, #tpu.memory_space<vmem>>, vector<16xf32>,
    %min3A_504 = arith.minimumf %min3A_501, %get3A_503 : vector<16xf32>
    %get3A_505 = arith.constant 1760 : index
    %get3A_506 = tpu.vector_load %arg10[%get3A_505] {strides = array<i32>} : memref<2048xf32, #tpu.memory_space<vmem>>, vector<16xf32>,
    %min3A_507 = arith.minimumf %min3A_504, %get3A_506 : vector<16xf32>
    %get3A_508 = arith.constant 1888 : index
    %get3A_509 = tpu.vector_load %arg10[%get3A_508] {strides = array<i32>} : memref<2048xf32, #tpu.memory_space<vmem>>, vector<16xf32>,
    %min3A_510 = arith.minimumf %min3A_507, %get3A_509 : vector<16xf32>
    %get3A_511 = arith.constant 2016 : index
    %get3A_512 = tpu.vector_load %arg10[%get3A_511] {strides = array<i32>} : memref<2048xf32, #tpu.memory_space<vmem>>, vector<16xf32>,
    %min3A_513 = arith.minimumf %min3A_510, %get3A_512 : vector<16xf32>
    %reduce_min3A_514 = arith.constant true
    %reduce_min3A_515 = vector.broadcast %reduce_min3A_514 : i1 to vector<16xi1>
    %reduce_min3A_516 = tpu.scan <min>, %min3A_513 masked %reduce_min3A_515 : vector<16xf32>, vector<16xi1> -> vector<16xf32>
    %reduce_min3A_517 = vector.extract %reduce_min3A_516[15] : f32 from vector<16xf32>
    %get3A_518 = arith.constant 112 : index
    %get3A_519 = tpu.vector_load %arg10[%get3A_518] {strides = array<i32>} : memref<2048xf32, #tpu.memory_space<vmem>>, vector<16xf32>,
    %min3A_520 = arith.minimumf %broadcast_in_dim3A_9, %get3A_519 : vector<16xf32>
    %get3A_521 = arith.constant 240 : index
    %get3A_522 = tpu.vector_load %arg10[%get3A_521] {strides = array<i32>} : memref<2048xf32, #tpu.memory_space<vmem>>, vector<16xf32>,
    %min3A_523 = arith.minimumf %min3A_520, %get3A_522 : vector<16xf32>
    %get3A_524 = arith.constant 368 : index
    %get3A_525 = tpu.vector_load %arg10[%get3A_524] {strides = array<i32>} : memref<2048xf32, #tpu.memory_space<vmem>>, vector<16xf32>,
    %min3A_526 = arith.minimumf %min3A_523, %get3A_525 : vector<16xf32>
    %get3A_527 = arith.constant 496 : index
    %get3A_528 = tpu.vector_load %arg10[%get3A_527] {strides = array<i32>} : memref<2048xf32, #tpu.memory_space<vmem>>, vector<16xf32>,
    %min3A_529 = arith.minimumf %min3A_526, %get3A_528 : vector<16xf32>
    %get3A_530 = arith.constant 624 : index
    %get3A_531 = tpu.vector_load %arg10[%get3A_530] {strides = array<i32>} : memref<2048xf32, #tpu.memory_space<vmem>>, vector<16xf32>,
    %min3A_532 = arith.minimumf %min3A_529, %get3A_531 : vector<16xf32>
    %get3A_533 = arith.constant 752 : index
    %get3A_534 = tpu.vector_load %arg10[%get3A_533] {strides = array<i32>} : memref<2048xf32, #tpu.memory_space<vmem>>, vector<16xf32>,
    %min3A_535 = arith.minimumf %min3A_532, %get3A_534 : vector<16xf32>
    %get3A_536 = arith.constant 880 : index
    %get3A_537 = tpu.vector_load %arg10[%get3A_536] {strides = array<i32>} : memref<2048xf32, #tpu.memory_space<vmem>>, vector<16xf32>,
    %min3A_538 = arith.minimumf %min3A_535, %get3A_537 : vector<16xf32>
    %get3A_539 = arith.constant 1008 : index
    %get3A_540 = tpu.vector_load %arg10[%get3A_539] {strides = array<i32>} : memref<2048xf32, #tpu.memory_space<vmem>>, vector<16xf32>,
    %min3A_541 = arith.minimumf %min3A_538, %get3A_540 : vector<16xf32>
    %get3A_542 = arith.constant 1136 : index
    %get3A_543 = tpu.vector_load %arg10[%get3A_542] {strides = array<i32>} : memref<2048xf32, #tpu.memory_space<vmem>>, vector<16xf32>,
    %min3A_544 = arith.minimumf %min3A_541, %get3A_543 : vector<16xf32>
    %get3A_545 = arith.constant 1264 : index
    %get3A_546 = tpu.vector_load %arg10[%get3A_545] {strides = array<i32>} : memref<2048xf32, #tpu.memory_space<vmem>>, vector<16xf32>,
    %min3A_547 = arith.minimumf %min3A_544, %get3A_546 : vector<16xf32>
    %get3A_548 = arith.constant 1392 : index
    %get3A_549 = tpu.vector_load %arg10[%get3A_548] {strides = array<i32>} : memref<2048xf32, #tpu.memory_space<vmem>>, vector<16xf32>,
    %min3A_550 = arith.minimumf %min3A_547, %get3A_549 : vector<16xf32>
    %get3A_551 = arith.constant 1520 : index
    %get3A_552 = tpu.vector_load %arg10[%get3A_551] {strides = array<i32>} : memref<2048xf32, #tpu.memory_space<vmem>>, vector<16xf32>,
    %min3A_553 = arith.minimumf %min3A_550, %get3A_552 : vector<16xf32>
    %get3A_554 = arith.constant 1648 : index
    %get3A_555 = tpu.vector_load %arg10[%get3A_554] {strides = array<i32>} : memref<2048xf32, #tpu.memory_space<vmem>>, vector<16xf32>,
    %min3A_556 = arith.minimumf %min3A_553, %get3A_555 : vector<16xf32>
    %get3A_557 = arith.constant 1776 : index
    %get3A_558 = tpu.vector_load %arg10[%get3A_557] {strides = array<i32>} : memref<2048xf32, #tpu.memory_space<vmem>>, vector<16xf32>,
    %min3A_559 = arith.minimumf %min3A_556, %get3A_558 : vector<16xf32>
    %get3A_560 = arith.constant 1904 : index
    %get3A_561 = tpu.vector_load %arg10[%get3A_560] {strides = array<i32>} : memref<2048xf32, #tpu.memory_space<vmem>>, vector<16xf32>,
    %min3A_562 = arith.minimumf %min3A_559, %get3A_561 : vector<16xf32>
    %get3A_563 = arith.constant 2032 : index
    %get3A_564 = tpu.vector_load %arg10[%get3A_563] {strides = array<i32>} : memref<2048xf32, #tpu.memory_space<vmem>>, vector<16xf32>,
    %min3A_565 = arith.minimumf %min3A_562, %get3A_564 : vector<16xf32>
    %reduce_min3A_566 = arith.constant true
    %reduce_min3A_567 = vector.broadcast %reduce_min3A_566 : i1 to vector<16xi1>
    %reduce_min3A_568 = tpu.scan <min>, %min3A_565 masked %reduce_min3A_567 : vector<16xf32>, vector<16xi1> -> vector<16xf32>
    %reduce_min3A_569 = vector.extract %reduce_min3A_568[15] : f32 from vector<16xf32>
    %not3A_570 = arith.constant true
    %not3A_571 = arith.xori %eq3A_3, %not3A_570 : i1
    %convert_element_type3A_572 = arith.extui %not3A_571 : i1 to i32
    %cond3A_573 = arith.constant 0 : i32
    %cond3A_574 = arith.cmpi ne, %convert_element_type3A_572, %cond3A_573 : i32
    scf.if %cond3A_574 {
      %dma_wait3A_1067 = arith.constant 1 : i32
      %dma_wait3A_1068 = arith.constant 0 : i32
      %dma_wait3A_1069 = arith.constant 0 : i32
      %dma_wait3A_1070 = tpu.memref_slice %arg7[%dma_wait3A_1068, %dma_wait3A_1069] : memref<8x6272xf32, #tpu.memory_space<vmem>> -> memref<8x6272xf32, #tpu.memory_space<vmem>>
      %dma_wait3A_1071 = tpu.memref_slice %arg3[%dma_wait3A_1067, %mul3A_2, %mul3A_0] : memref<3x16x100000xf32, #tpu.memory_space<hbm>> -> memref<1x8x6272xf32, #tpu.memory_space<hbm>>
      %dma_wait3A_1072 = tpu.memref_squeeze %dma_wait3A_1071 : memref<1x8x6272xf32, #tpu.memory_space<hbm>> -> memref<8x6272xf32, #tpu.memory_space<hbm>>
      %dma_wait3A_1073 = arith.constant 0 : i32
      %dma_wait3A_1074 = arith.constant 0 : i32
      %dma_wait3A_1075 = tpu.memref_slice %arg7[%dma_wait3A_1073, %dma_wait3A_1074] : memref<8x6272xf32, #tpu.memory_space<vmem>> -> memref<8x6272xf32, #tpu.memory_space<vmem>>
      %dma_wait3A_1076 = tpu.memref_slice %arg3[%dma_wait3A_1067, %mul3A_2, %mul3A_0] : memref<3x16x100000xf32, #tpu.memory_space<hbm>> -> memref<1x8x6272xf32, #tpu.memory_space<hbm>>
      %dma_wait3A_1077 = tpu.memref_squeeze %dma_wait3A_1076 : memref<1x8x6272xf32, #tpu.memory_space<hbm>> -> memref<8x6272xf32, #tpu.memory_space<hbm>>
      tpu.wait_dma2 semaphore(%arg17 : memref<!tpu.dma_semaphore, #tpu.memory_space<semaphore_mem>>) src(%dma_wait3A_1077 : memref<8x6272xf32, #tpu.memory_space<hbm>>) dst(%dma_wait3A_1075 : memref<8x6272xf32, #tpu.memory_space<vmem>>)
    } else {
    }
    %convert_element_type3A_575 = arith.extui %eq3A_3 : i1 to i32
    %cond3A_576 = arith.constant 0 : i32
    %cond3A_577 = arith.cmpi ne, %convert_element_type3A_575, %cond3A_576 : i32
    scf.if %cond3A_577 {
      %dma_wait3A_1067 = arith.constant 1 : i32
      %dma_wait3A_1068 = arith.constant 0 : i32
      %dma_wait3A_1069 = arith.constant 0 : i32
      %dma_wait3A_1070 = tpu.memref_slice %arg7[%dma_wait3A_1068, %dma_wait3A_1069] : memref<8x6272xf32, #tpu.memory_space<vmem>> -> memref<8x5888xf32, #tpu.memory_space<vmem>>
      %dma_wait3A_1071 = tpu.memref_slice %arg3[%dma_wait3A_1067, %mul3A_2, %mul3A_0] : memref<3x16x100000xf32, #tpu.memory_space<hbm>> -> memref<1x8x5888xf32, #tpu.memory_space<hbm>>
      %dma_wait3A_1072 = tpu.memref_squeeze %dma_wait3A_1071 : memref<1x8x5888xf32, #tpu.memory_space<hbm>> -> memref<8x5888xf32, #tpu.memory_space<hbm>>
      %dma_wait3A_1073 = arith.constant 0 : i32
      %dma_wait3A_1074 = arith.constant 0 : i32
      %dma_wait3A_1075 = tpu.memref_slice %arg7[%dma_wait3A_1073, %dma_wait3A_1074] : memref<8x6272xf32, #tpu.memory_space<vmem>> -> memref<8x5888xf32, #tpu.memory_space<vmem>>
      %dma_wait3A_1076 = tpu.memref_slice %arg3[%dma_wait3A_1067, %mul3A_2, %mul3A_0] : memref<3x16x100000xf32, #tpu.memory_space<hbm>> -> memref<1x8x5888xf32, #tpu.memory_space<hbm>>
      %dma_wait3A_1077 = tpu.memref_squeeze %dma_wait3A_1076 : memref<1x8x5888xf32, #tpu.memory_space<hbm>> -> memref<8x5888xf32, #tpu.memory_space<hbm>>
      tpu.wait_dma2 semaphore(%arg17 : memref<!tpu.dma_semaphore, #tpu.memory_space<semaphore_mem>>) src(%dma_wait3A_1077 : memref<8x5888xf32, #tpu.memory_space<hbm>>) dst(%dma_wait3A_1075 : memref<8x5888xf32, #tpu.memory_space<vmem>>)
    } else {
    }
    %jit3A_578 = arith.constant 368 : i32
    %jit3A_579 = arith.constant 392 : i32
    %select_n3A_580 = arith.select %eq3A_3, %jit3A_578, %jit3A_579 : i32
    %broadcast_in_dim3A_581 = arith.constant 0.000000e+00 : f32
    %broadcast_in_dim3A_582 = vector.broadcast %broadcast_in_dim3A_581 : f32 to vector<16xf32>
    %while3A_583 = arith.constant 0 : i32
    %while3A_584 = arith.subi %select_n3A_580, %while3A_583 : i32
    %while3A_585 = arith.addi %while3A_583, %while3A_584 : i32
    %while3A_586 = arith.constant 1 : i32
    %while3A_587 = arith.divsi %while3A_584, %while3A_586 : i32
    %while3A_588 = arith.muli %while3A_587, %while3A_586 : i32
    %while3A_589 = arith.addi %while3A_583, %while3A_588 : i32
    %while3A_590 = arith.constant 1 : i32
    %while3A_591:16 = scf.for %while3A_1067 = %while3A_583 to %while3A_589 step %while3A_590 iter_args(%while3A_1068 = %broadcast_in_dim3A_582, %while3A_1069 = %broadcast_in_dim3A_582, %while3A_1070 = %broadcast_in_dim3A_582, %while3A_1071 = %broadcast_in_dim3A_582, %while3A_1072 = %broadcast_in_dim3A_582, %while3A_1073 = %broadcast_in_dim3A_582, %while3A_1074 = %broadcast_in_dim3A_582, %while3A_1075 = %broadcast_in_dim3A_582, %while3A_1076 = %broadcast_in_dim3A_582, %while3A_1077 = %broadcast_in_dim3A_582, %while3A_1078 = %broadcast_in_dim3A_582, %while3A_1079 = %broadcast_in_dim3A_582, %while3A_1080 = %broadcast_in_dim3A_582, %while3A_1081 = %broadcast_in_dim3A_582, %while3A_1082 = %broadcast_in_dim3A_582, %while3A_1083 = %broadcast_in_dim3A_582) -> (vector<16xf32>, vector<16xf32>, vector<16xf32>, vector<16xf32>, vector<16xf32>, vector<16xf32>, vector<16xf32>, vector<16xf32>, vector<16xf32>, vector<16xf32>, vector<16xf32>, vector<16xf32>, vector<16xf32>, vector<16xf32>, vector<16xf32>, vector<16xf32>)  : i32 {
      %mul3A_1084 = arith.constant 1 : i32
      %mul3A_1085 = arith.muli %while3A_1067, %mul3A_1084 : i32
      %add3A_1086 = arith.constant 0 : i32
      %add3A_1087 = arith.addi %mul3A_1085, %add3A_1086 : i32
      %mul3A_1088 = arith.constant 16 : i32
      %mul3A_1089 = arith.muli %add3A_1087, %mul3A_1088 : i32
      %get3A_1090 = arith.constant 0 : i32
      %get3A_1091 = arith.index_cast %get3A_1090 : i32 to index
      %get3A_1092 = arith.index_cast %mul3A_1089 : i32 to index
      %get3A_1093 = tpu.vector_load %arg6[%get3A_1091, %get3A_1092] {strides = array<i32>} : memref<8x6272xf32, #tpu.memory_space<vmem>>, vector<16xf32>,
      %get3A_1094 = arith.constant 0 : i32
      %get3A_1095 = arith.index_cast %get3A_1094 : i32 to index
      %get3A_1096 = arith.index_cast %mul3A_1089 : i32 to index
      %get3A_1097 = tpu.vector_load %arg7[%get3A_1095, %get3A_1096] {strides = array<i32>} : memref<8x6272xf32, #tpu.memory_space<vmem>>, vector<16xf32>,
      %sub3A_1098 = vector.broadcast %reduce_min3A_205 : f32 to vector<16xf32>
      %sub3A_1099 = arith.subf %get3A_1093, %sub3A_1098 : vector<16xf32>
      %abs3A_1100 = math.absf %sub3A_1099 : vector<16xf32>
      %lt3A_1101 = arith.constant 0.00999999977 : f32
      %lt3A_1102 = vector.broadcast %lt3A_1101 : f32 to vector<16xf32>
      %lt3A_1103 = arith.cmpf olt, %abs3A_1100, %lt3A_1102 : vector<16xf32>
      %sub3A_1104 = arith.subf %get3A_1093, %get3A_1097 : vector<16xf32>
      %abs3A_1105 = math.absf %sub3A_1104 : vector<16xf32>
      %jit3A_1106 = arith.constant 0.000000e+00 : f32
      %broadcast_in_dim3A_1107 = vector.broadcast %jit3A_1106 : f32 to vector<16xf32>
      %select_n3A_1108 = arith.select %lt3A_1103, %abs3A_1105, %broadcast_in_dim3A_1107 : vector<16xi1>, vector<16xf32>
      %add3A_1109 = arith.addf %while3A_1068, %select_n3A_1108 : vector<16xf32>
      %jit3A_1110 = arith.constant 1.000000e+00 : f32
      %jit3A_1111 = arith.constant 0.000000e+00 : f32
      %broadcast_in_dim3A_1112 = vector.broadcast %jit3A_1110 : f32 to vector<16xf32>
      %broadcast_in_dim3A_1113 = vector.broadcast %jit3A_1111 : f32 to vector<16xf32>
      %select_n3A_1114 = arith.select %lt3A_1103, %broadcast_in_dim3A_1112, %broadcast_in_dim3A_1113 : vector<16xi1>, vector<16xf32>
      %add3A_1115 = arith.addf %while3A_1076, %select_n3A_1114 : vector<16xf32>
      %get3A_1116 = arith.constant 1 : i32
      %get3A_1117 = arith.index_cast %get3A_1116 : i32 to index
      %get3A_1118 = arith.index_cast %mul3A_1089 : i32 to index
      %get3A_1119 = tpu.vector_load %arg6[%get3A_1117, %get3A_1118] {strides = array<i32>} : memref<8x6272xf32, #tpu.memory_space<vmem>>, vector<16xf32>,
      %get3A_1120 = arith.constant 1 : i32
      %get3A_1121 = arith.index_cast %get3A_1120 : i32 to index
      %get3A_1122 = arith.index_cast %mul3A_1089 : i32 to index
      %get3A_1123 = tpu.vector_load %arg7[%get3A_1121, %get3A_1122] {strides = array<i32>} : memref<8x6272xf32, #tpu.memory_space<vmem>>, vector<16xf32>,
      %sub3A_1124 = vector.broadcast %reduce_min3A_257 : f32 to vector<16xf32>
      %sub3A_1125 = arith.subf %get3A_1119, %sub3A_1124 : vector<16xf32>
      %abs3A_1126 = math.absf %sub3A_1125 : vector<16xf32>
      %lt3A_1127 = arith.constant 0.00999999977 : f32
      %lt3A_1128 = vector.broadcast %lt3A_1127 : f32 to vector<16xf32>
      %lt3A_1129 = arith.cmpf olt, %abs3A_1126, %lt3A_1128 : vector<16xf32>
      %sub3A_1130 = arith.subf %get3A_1119, %get3A_1123 : vector<16xf32>
      %abs3A_1131 = math.absf %sub3A_1130 : vector<16xf32>
      %jit3A_1132 = arith.constant 0.000000e+00 : f32
      %broadcast_in_dim3A_1133 = vector.broadcast %jit3A_1132 : f32 to vector<16xf32>
      %select_n3A_1134 = arith.select %lt3A_1129, %abs3A_1131, %broadcast_in_dim3A_1133 : vector<16xi1>, vector<16xf32>
      %add3A_1135 = arith.addf %while3A_1069, %select_n3A_1134 : vector<16xf32>
      %jit3A_1136 = arith.constant 1.000000e+00 : f32
      %jit3A_1137 = arith.constant 0.000000e+00 : f32
      %broadcast_in_dim3A_1138 = vector.broadcast %jit3A_1136 : f32 to vector<16xf32>
      %broadcast_in_dim3A_1139 = vector.broadcast %jit3A_1137 : f32 to vector<16xf32>
      %select_n3A_1140 = arith.select %lt3A_1129, %broadcast_in_dim3A_1138, %broadcast_in_dim3A_1139 : vector<16xi1>, vector<16xf32>
      %add3A_1141 = arith.addf %while3A_1077, %select_n3A_1140 : vector<16xf32>
      %get3A_1142 = arith.constant 2 : i32
      %get3A_1143 = arith.index_cast %get3A_1142 : i32 to index
      %get3A_1144 = arith.index_cast %mul3A_1089 : i32 to index
      %get3A_1145 = tpu.vector_load %arg6[%get3A_1143, %get3A_1144] {strides = array<i32>} : memref<8x6272xf32, #tpu.memory_space<vmem>>, vector<16xf32>,
      %get3A_1146 = arith.constant 2 : i32
      %get3A_1147 = arith.index_cast %get3A_1146 : i32 to index
      %get3A_1148 = arith.index_cast %mul3A_1089 : i32 to index
      %get3A_1149 = tpu.vector_load %arg7[%get3A_1147, %get3A_1148] {strides = array<i32>} : memref<8x6272xf32, #tpu.memory_space<vmem>>, vector<16xf32>,
      %sub3A_1150 = vector.broadcast %reduce_min3A_309 : f32 to vector<16xf32>
      %sub3A_1151 = arith.subf %get3A_1145, %sub3A_1150 : vector<16xf32>
      %abs3A_1152 = math.absf %sub3A_1151 : vector<16xf32>
      %lt3A_1153 = arith.constant 0.00999999977 : f32
      %lt3A_1154 = vector.broadcast %lt3A_1153 : f32 to vector<16xf32>
      %lt3A_1155 = arith.cmpf olt, %abs3A_1152, %lt3A_1154 : vector<16xf32>
      %sub3A_1156 = arith.subf %get3A_1145, %get3A_1149 : vector<16xf32>
      %abs3A_1157 = math.absf %sub3A_1156 : vector<16xf32>
      %jit3A_1158 = arith.constant 0.000000e+00 : f32
      %broadcast_in_dim3A_1159 = vector.broadcast %jit3A_1158 : f32 to vector<16xf32>
      %select_n3A_1160 = arith.select %lt3A_1155, %abs3A_1157, %broadcast_in_dim3A_1159 : vector<16xi1>, vector<16xf32>
      %add3A_1161 = arith.addf %while3A_1070, %select_n3A_1160 : vector<16xf32>
      %jit3A_1162 = arith.constant 1.000000e+00 : f32
      %jit3A_1163 = arith.constant 0.000000e+00 : f32
      %broadcast_in_dim3A_1164 = vector.broadcast %jit3A_1162 : f32 to vector<16xf32>
      %broadcast_in_dim3A_1165 = vector.broadcast %jit3A_1163 : f32 to vector<16xf32>
      %select_n3A_1166 = arith.select %lt3A_1155, %broadcast_in_dim3A_1164, %broadcast_in_dim3A_1165 : vector<16xi1>, vector<16xf32>
      %add3A_1167 = arith.addf %while3A_1078, %select_n3A_1166 : vector<16xf32>
      %get3A_1168 = arith.constant 3 : i32
      %get3A_1169 = arith.index_cast %get3A_1168 : i32 to index
      %get3A_1170 = arith.index_cast %mul3A_1089 : i32 to index
      %get3A_1171 = tpu.vector_load %arg6[%get3A_1169, %get3A_1170] {strides = array<i32>} : memref<8x6272xf32, #tpu.memory_space<vmem>>, vector<16xf32>,
      %get3A_1172 = arith.constant 3 : i32
      %get3A_1173 = arith.index_cast %get3A_1172 : i32 to index
      %get3A_1174 = arith.index_cast %mul3A_1089 : i32 to index
      %get3A_1175 = tpu.vector_load %arg7[%get3A_1173, %get3A_1174] {strides = array<i32>} : memref<8x6272xf32, #tpu.memory_space<vmem>>, vector<16xf32>,
      %sub3A_1176 = vector.broadcast %reduce_min3A_361 : f32 to vector<16xf32>
      %sub3A_1177 = arith.subf %get3A_1171, %sub3A_1176 : vector<16xf32>
      %abs3A_1178 = math.absf %sub3A_1177 : vector<16xf32>
      %lt3A_1179 = arith.constant 0.00999999977 : f32
      %lt3A_1180 = vector.broadcast %lt3A_1179 : f32 to vector<16xf32>
      %lt3A_1181 = arith.cmpf olt, %abs3A_1178, %lt3A_1180 : vector<16xf32>
      %sub3A_1182 = arith.subf %get3A_1171, %get3A_1175 : vector<16xf32>
      %abs3A_1183 = math.absf %sub3A_1182 : vector<16xf32>
      %jit3A_1184 = arith.constant 0.000000e+00 : f32
      %broadcast_in_dim3A_1185 = vector.broadcast %jit3A_1184 : f32 to vector<16xf32>
      %select_n3A_1186 = arith.select %lt3A_1181, %abs3A_1183, %broadcast_in_dim3A_1185 : vector<16xi1>, vector<16xf32>
      %add3A_1187 = arith.addf %while3A_1071, %select_n3A_1186 : vector<16xf32>
      %jit3A_1188 = arith.constant 1.000000e+00 : f32
      %jit3A_1189 = arith.constant 0.000000e+00 : f32
      %broadcast_in_dim3A_1190 = vector.broadcast %jit3A_1188 : f32 to vector<16xf32>
      %broadcast_in_dim3A_1191 = vector.broadcast %jit3A_1189 : f32 to vector<16xf32>
      %select_n3A_1192 = arith.select %lt3A_1181, %broadcast_in_dim3A_1190, %broadcast_in_dim3A_1191 : vector<16xi1>, vector<16xf32>
      %add3A_1193 = arith.addf %while3A_1079, %select_n3A_1192 : vector<16xf32>
      %get3A_1194 = arith.constant 4 : i32
      %get3A_1195 = arith.index_cast %get3A_1194 : i32 to index
      %get3A_1196 = arith.index_cast %mul3A_1089 : i32 to index
      %get3A_1197 = tpu.vector_load %arg6[%get3A_1195, %get3A_1196] {strides = array<i32>} : memref<8x6272xf32, #tpu.memory_space<vmem>>, vector<16xf32>,
      %get3A_1198 = arith.constant 4 : i32
      %get3A_1199 = arith.index_cast %get3A_1198 : i32 to index
      %get3A_1200 = arith.index_cast %mul3A_1089 : i32 to index
      %get3A_1201 = tpu.vector_load %arg7[%get3A_1199, %get3A_1200] {strides = array<i32>} : memref<8x6272xf32, #tpu.memory_space<vmem>>, vector<16xf32>,
      %sub3A_1202 = vector.broadcast %reduce_min3A_413 : f32 to vector<16xf32>
      %sub3A_1203 = arith.subf %get3A_1197, %sub3A_1202 : vector<16xf32>
      %abs3A_1204 = math.absf %sub3A_1203 : vector<16xf32>
      %lt3A_1205 = arith.constant 0.00999999977 : f32
      %lt3A_1206 = vector.broadcast %lt3A_1205 : f32 to vector<16xf32>
      %lt3A_1207 = arith.cmpf olt, %abs3A_1204, %lt3A_1206 : vector<16xf32>
      %sub3A_1208 = arith.subf %get3A_1197, %get3A_1201 : vector<16xf32>
      %abs3A_1209 = math.absf %sub3A_1208 : vector<16xf32>
      %jit3A_1210 = arith.constant 0.000000e+00 : f32
      %broadcast_in_dim3A_1211 = vector.broadcast %jit3A_1210 : f32 to vector<16xf32>
      %select_n3A_1212 = arith.select %lt3A_1207, %abs3A_1209, %broadcast_in_dim3A_1211 : vector<16xi1>, vector<16xf32>
      %add3A_1213 = arith.addf %while3A_1072, %select_n3A_1212 : vector<16xf32>
      %jit3A_1214 = arith.constant 1.000000e+00 : f32
      %jit3A_1215 = arith.constant 0.000000e+00 : f32
      %broadcast_in_dim3A_1216 = vector.broadcast %jit3A_1214 : f32 to vector<16xf32>
      %broadcast_in_dim3A_1217 = vector.broadcast %jit3A_1215 : f32 to vector<16xf32>
      %select_n3A_1218 = arith.select %lt3A_1207, %broadcast_in_dim3A_1216, %broadcast_in_dim3A_1217 : vector<16xi1>, vector<16xf32>
      %add3A_1219 = arith.addf %while3A_1080, %select_n3A_1218 : vector<16xf32>
      %get3A_1220 = arith.constant 5 : i32
      %get3A_1221 = arith.index_cast %get3A_1220 : i32 to index
      %get3A_1222 = arith.index_cast %mul3A_1089 : i32 to index
      %get3A_1223 = tpu.vector_load %arg6[%get3A_1221, %get3A_1222] {strides = array<i32>} : memref<8x6272xf32, #tpu.memory_space<vmem>>, vector<16xf32>,
      %get3A_1224 = arith.constant 5 : i32
      %get3A_1225 = arith.index_cast %get3A_1224 : i32 to index
      %get3A_1226 = arith.index_cast %mul3A_1089 : i32 to index
      %get3A_1227 = tpu.vector_load %arg7[%get3A_1225, %get3A_1226] {strides = array<i32>} : memref<8x6272xf32, #tpu.memory_space<vmem>>, vector<16xf32>,
      %sub3A_1228 = vector.broadcast %reduce_min3A_465 : f32 to vector<16xf32>
      %sub3A_1229 = arith.subf %get3A_1223, %sub3A_1228 : vector<16xf32>
      %abs3A_1230 = math.absf %sub3A_1229 : vector<16xf32>
      %lt3A_1231 = arith.constant 0.00999999977 : f32
      %lt3A_1232 = vector.broadcast %lt3A_1231 : f32 to vector<16xf32>
      %lt3A_1233 = arith.cmpf olt, %abs3A_1230, %lt3A_1232 : vector<16xf32>
      %sub3A_1234 = arith.subf %get3A_1223, %get3A_1227 : vector<16xf32>
      %abs3A_1235 = math.absf %sub3A_1234 : vector<16xf32>
      %jit3A_1236 = arith.constant 0.000000e+00 : f32
      %broadcast_in_dim3A_1237 = vector.broadcast %jit3A_1236 : f32 to vector<16xf32>
      %select_n3A_1238 = arith.select %lt3A_1233, %abs3A_1235, %broadcast_in_dim3A_1237 : vector<16xi1>, vector<16xf32>
      %add3A_1239 = arith.addf %while3A_1073, %select_n3A_1238 : vector<16xf32>
      %jit3A_1240 = arith.constant 1.000000e+00 : f32
      %jit3A_1241 = arith.constant 0.000000e+00 : f32
      %broadcast_in_dim3A_1242 = vector.broadcast %jit3A_1240 : f32 to vector<16xf32>
      %broadcast_in_dim3A_1243 = vector.broadcast %jit3A_1241 : f32 to vector<16xf32>
      %select_n3A_1244 = arith.select %lt3A_1233, %broadcast_in_dim3A_1242, %broadcast_in_dim3A_1243 : vector<16xi1>, vector<16xf32>
      %add3A_1245 = arith.addf %while3A_1081, %select_n3A_1244 : vector<16xf32>
      %get3A_1246 = arith.constant 6 : i32
      %get3A_1247 = arith.index_cast %get3A_1246 : i32 to index
      %get3A_1248 = arith.index_cast %mul3A_1089 : i32 to index
      %get3A_1249 = tpu.vector_load %arg6[%get3A_1247, %get3A_1248] {strides = array<i32>} : memref<8x6272xf32, #tpu.memory_space<vmem>>, vector<16xf32>,
      %get3A_1250 = arith.constant 6 : i32
      %get3A_1251 = arith.index_cast %get3A_1250 : i32 to index
      %get3A_1252 = arith.index_cast %mul3A_1089 : i32 to index
      %get3A_1253 = tpu.vector_load %arg7[%get3A_1251, %get3A_1252] {strides = array<i32>} : memref<8x6272xf32, #tpu.memory_space<vmem>>, vector<16xf32>,
      %sub3A_1254 = vector.broadcast %reduce_min3A_517 : f32 to vector<16xf32>
      %sub3A_1255 = arith.subf %get3A_1249, %sub3A_1254 : vector<16xf32>
      %abs3A_1256 = math.absf %sub3A_1255 : vector<16xf32>
      %lt3A_1257 = arith.constant 0.00999999977 : f32
      %lt3A_1258 = vector.broadcast %lt3A_1257 : f32 to vector<16xf32>
      %lt3A_1259 = arith.cmpf olt, %abs3A_1256, %lt3A_1258 : vector<16xf32>
      %sub3A_1260 = arith.subf %get3A_1249, %get3A_1253 : vector<16xf32>
      %abs3A_1261 = math.absf %sub3A_1260 : vector<16xf32>
      %jit3A_1262 = arith.constant 0.000000e+00 : f32
      %broadcast_in_dim3A_1263 = vector.broadcast %jit3A_1262 : f32 to vector<16xf32>
      %select_n3A_1264 = arith.select %lt3A_1259, %abs3A_1261, %broadcast_in_dim3A_1263 : vector<16xi1>, vector<16xf32>
      %add3A_1265 = arith.addf %while3A_1074, %select_n3A_1264 : vector<16xf32>
      %jit3A_1266 = arith.constant 1.000000e+00 : f32
      %jit3A_1267 = arith.constant 0.000000e+00 : f32
      %broadcast_in_dim3A_1268 = vector.broadcast %jit3A_1266 : f32 to vector<16xf32>
      %broadcast_in_dim3A_1269 = vector.broadcast %jit3A_1267 : f32 to vector<16xf32>
      %select_n3A_1270 = arith.select %lt3A_1259, %broadcast_in_dim3A_1268, %broadcast_in_dim3A_1269 : vector<16xi1>, vector<16xf32>
      %add3A_1271 = arith.addf %while3A_1082, %select_n3A_1270 : vector<16xf32>
      %get3A_1272 = arith.constant 7 : i32
      %get3A_1273 = arith.index_cast %get3A_1272 : i32 to index
      %get3A_1274 = arith.index_cast %mul3A_1089 : i32 to index
      %get3A_1275 = tpu.vector_load %arg6[%get3A_1273, %get3A_1274] {strides = array<i32>} : memref<8x6272xf32, #tpu.memory_space<vmem>>, vector<16xf32>,
      %get3A_1276 = arith.constant 7 : i32
      %get3A_1277 = arith.index_cast %get3A_1276 : i32 to index
      %get3A_1278 = arith.index_cast %mul3A_1089 : i32 to index
      %get3A_1279 = tpu.vector_load %arg7[%get3A_1277, %get3A_1278] {strides = array<i32>} : memref<8x6272xf32, #tpu.memory_space<vmem>>, vector<16xf32>,
      %sub3A_1280 = vector.broadcast %reduce_min3A_569 : f32 to vector<16xf32>
      %sub3A_1281 = arith.subf %get3A_1275, %sub3A_1280 : vector<16xf32>
      %abs3A_1282 = math.absf %sub3A_1281 : vector<16xf32>
      %lt3A_1283 = arith.constant 0.00999999977 : f32
      %lt3A_1284 = vector.broadcast %lt3A_1283 : f32 to vector<16xf32>
      %lt3A_1285 = arith.cmpf olt, %abs3A_1282, %lt3A_1284 : vector<16xf32>
      %sub3A_1286 = arith.subf %get3A_1275, %get3A_1279 : vector<16xf32>
      %abs3A_1287 = math.absf %sub3A_1286 : vector<16xf32>
      %jit3A_1288 = arith.constant 0.000000e+00 : f32
      %broadcast_in_dim3A_1289 = vector.broadcast %jit3A_1288 : f32 to vector<16xf32>
      %select_n3A_1290 = arith.select %lt3A_1285, %abs3A_1287, %broadcast_in_dim3A_1289 : vector<16xi1>, vector<16xf32>
      %add3A_1291 = arith.addf %while3A_1075, %select_n3A_1290 : vector<16xf32>
      %jit3A_1292 = arith.constant 1.000000e+00 : f32
      %jit3A_1293 = arith.constant 0.000000e+00 : f32
      %broadcast_in_dim3A_1294 = vector.broadcast %jit3A_1292 : f32 to vector<16xf32>
      %broadcast_in_dim3A_1295 = vector.broadcast %jit3A_1293 : f32 to vector<16xf32>
      %select_n3A_1296 = arith.select %lt3A_1285, %broadcast_in_dim3A_1294, %broadcast_in_dim3A_1295 : vector<16xi1>, vector<16xf32>
      %add3A_1297 = arith.addf %while3A_1083, %select_n3A_1296 : vector<16xf32>
      scf.yield %add3A_1109, %add3A_1135, %add3A_1161, %add3A_1187, %add3A_1213, %add3A_1239, %add3A_1265, %add3A_1291, %add3A_1115, %add3A_1141, %add3A_1167, %add3A_1193, %add3A_1219, %add3A_1245, %add3A_1271, %add3A_1297 : vector<16xf32>, vector<16xf32>, vector<16xf32>, vector<16xf32>, vector<16xf32>, vector<16xf32>, vector<16xf32>, vector<16xf32>, vector<16xf32>, vector<16xf32>, vector<16xf32>, vector<16xf32>, vector<16xf32>, vector<16xf32>, vector<16xf32>, vector<16xf32>
    }
    %while3A_592 = arith.constant 1 : i32
    %while3A_593:16 = scf.for %while3A_1067 = %while3A_589 to %while3A_585 step %while3A_592 iter_args(%while3A_1068 = %while3A_591#0, %while3A_1069 = %while3A_591#1, %while3A_1070 = %while3A_591#2, %while3A_1071 = %while3A_591#3, %while3A_1072 = %while3A_591#4, %while3A_1073 = %while3A_591#5, %while3A_1074 = %while3A_591#6, %while3A_1075 = %while3A_591#7, %while3A_1076 = %while3A_591#8, %while3A_1077 = %while3A_591#9, %while3A_1078 = %while3A_591#10, %while3A_1079 = %while3A_591#11, %while3A_1080 = %while3A_591#12, %while3A_1081 = %while3A_591#13, %while3A_1082 = %while3A_591#14, %while3A_1083 = %while3A_591#15) -> (vector<16xf32>, vector<16xf32>, vector<16xf32>, vector<16xf32>, vector<16xf32>, vector<16xf32>, vector<16xf32>, vector<16xf32>, vector<16xf32>, vector<16xf32>, vector<16xf32>, vector<16xf32>, vector<16xf32>, vector<16xf32>, vector<16xf32>, vector<16xf32>)  : i32 {
      %mul3A_1084 = arith.constant 1 : i32
      %mul3A_1085 = arith.muli %while3A_1067, %mul3A_1084 : i32
      %add3A_1086 = arith.constant 0 : i32
      %add3A_1087 = arith.addi %mul3A_1085, %add3A_1086 : i32
      %mul3A_1088 = arith.constant 16 : i32
      %mul3A_1089 = arith.muli %add3A_1087, %mul3A_1088 : i32
      %get3A_1090 = arith.constant 0 : i32
      %get3A_1091 = arith.index_cast %get3A_1090 : i32 to index
      %get3A_1092 = arith.index_cast %mul3A_1089 : i32 to index
      %get3A_1093 = tpu.vector_load %arg6[%get3A_1091, %get3A_1092] {strides = array<i32>} : memref<8x6272xf32, #tpu.memory_space<vmem>>, vector<16xf32>,
      %get3A_1094 = arith.constant 0 : i32
      %get3A_1095 = arith.index_cast %get3A_1094 : i32 to index
      %get3A_1096 = arith.index_cast %mul3A_1089 : i32 to index
      %get3A_1097 = tpu.vector_load %arg7[%get3A_1095, %get3A_1096] {strides = array<i32>} : memref<8x6272xf32, #tpu.memory_space<vmem>>, vector<16xf32>,
      %sub3A_1098 = vector.broadcast %reduce_min3A_205 : f32 to vector<16xf32>
      %sub3A_1099 = arith.subf %get3A_1093, %sub3A_1098 : vector<16xf32>
      %abs3A_1100 = math.absf %sub3A_1099 : vector<16xf32>
      %lt3A_1101 = arith.constant 0.00999999977 : f32
      %lt3A_1102 = vector.broadcast %lt3A_1101 : f32 to vector<16xf32>
      %lt3A_1103 = arith.cmpf olt, %abs3A_1100, %lt3A_1102 : vector<16xf32>
      %sub3A_1104 = arith.subf %get3A_1093, %get3A_1097 : vector<16xf32>
      %abs3A_1105 = math.absf %sub3A_1104 : vector<16xf32>
      %jit3A_1106 = arith.constant 0.000000e+00 : f32
      %broadcast_in_dim3A_1107 = vector.broadcast %jit3A_1106 : f32 to vector<16xf32>
      %select_n3A_1108 = arith.select %lt3A_1103, %abs3A_1105, %broadcast_in_dim3A_1107 : vector<16xi1>, vector<16xf32>
      %add3A_1109 = arith.addf %while3A_1068, %select_n3A_1108 : vector<16xf32>
      %jit3A_1110 = arith.constant 1.000000e+00 : f32
      %jit3A_1111 = arith.constant 0.000000e+00 : f32
      %broadcast_in_dim3A_1112 = vector.broadcast %jit3A_1110 : f32 to vector<16xf32>
      %broadcast_in_dim3A_1113 = vector.broadcast %jit3A_1111 : f32 to vector<16xf32>
      %select_n3A_1114 = arith.select %lt3A_1103, %broadcast_in_dim3A_1112, %broadcast_in_dim3A_1113 : vector<16xi1>, vector<16xf32>
      %add3A_1115 = arith.addf %while3A_1076, %select_n3A_1114 : vector<16xf32>
      %get3A_1116 = arith.constant 1 : i32
      %get3A_1117 = arith.index_cast %get3A_1116 : i32 to index
      %get3A_1118 = arith.index_cast %mul3A_1089 : i32 to index
      %get3A_1119 = tpu.vector_load %arg6[%get3A_1117, %get3A_1118] {strides = array<i32>} : memref<8x6272xf32, #tpu.memory_space<vmem>>, vector<16xf32>,
      %get3A_1120 = arith.constant 1 : i32
      %get3A_1121 = arith.index_cast %get3A_1120 : i32 to index
      %get3A_1122 = arith.index_cast %mul3A_1089 : i32 to index
      %get3A_1123 = tpu.vector_load %arg7[%get3A_1121, %get3A_1122] {strides = array<i32>} : memref<8x6272xf32, #tpu.memory_space<vmem>>, vector<16xf32>,
      %sub3A_1124 = vector.broadcast %reduce_min3A_257 : f32 to vector<16xf32>
      %sub3A_1125 = arith.subf %get3A_1119, %sub3A_1124 : vector<16xf32>
      %abs3A_1126 = math.absf %sub3A_1125 : vector<16xf32>
      %lt3A_1127 = arith.constant 0.00999999977 : f32
      %lt3A_1128 = vector.broadcast %lt3A_1127 : f32 to vector<16xf32>
      %lt3A_1129 = arith.cmpf olt, %abs3A_1126, %lt3A_1128 : vector<16xf32>
      %sub3A_1130 = arith.subf %get3A_1119, %get3A_1123 : vector<16xf32>
      %abs3A_1131 = math.absf %sub3A_1130 : vector<16xf32>
      %jit3A_1132 = arith.constant 0.000000e+00 : f32
      %broadcast_in_dim3A_1133 = vector.broadcast %jit3A_1132 : f32 to vector<16xf32>
      %select_n3A_1134 = arith.select %lt3A_1129, %abs3A_1131, %broadcast_in_dim3A_1133 : vector<16xi1>, vector<16xf32>
      %add3A_1135 = arith.addf %while3A_1069, %select_n3A_1134 : vector<16xf32>
      %jit3A_1136 = arith.constant 1.000000e+00 : f32
      %jit3A_1137 = arith.constant 0.000000e+00 : f32
      %broadcast_in_dim3A_1138 = vector.broadcast %jit3A_1136 : f32 to vector<16xf32>
      %broadcast_in_dim3A_1139 = vector.broadcast %jit3A_1137 : f32 to vector<16xf32>
      %select_n3A_1140 = arith.select %lt3A_1129, %broadcast_in_dim3A_1138, %broadcast_in_dim3A_1139 : vector<16xi1>, vector<16xf32>
      %add3A_1141 = arith.addf %while3A_1077, %select_n3A_1140 : vector<16xf32>
      %get3A_1142 = arith.constant 2 : i32
      %get3A_1143 = arith.index_cast %get3A_1142 : i32 to index
      %get3A_1144 = arith.index_cast %mul3A_1089 : i32 to index
      %get3A_1145 = tpu.vector_load %arg6[%get3A_1143, %get3A_1144] {strides = array<i32>} : memref<8x6272xf32, #tpu.memory_space<vmem>>, vector<16xf32>,
      %get3A_1146 = arith.constant 2 : i32
      %get3A_1147 = arith.index_cast %get3A_1146 : i32 to index
      %get3A_1148 = arith.index_cast %mul3A_1089 : i32 to index
      %get3A_1149 = tpu.vector_load %arg7[%get3A_1147, %get3A_1148] {strides = array<i32>} : memref<8x6272xf32, #tpu.memory_space<vmem>>, vector<16xf32>,
      %sub3A_1150 = vector.broadcast %reduce_min3A_309 : f32 to vector<16xf32>
      %sub3A_1151 = arith.subf %get3A_1145, %sub3A_1150 : vector<16xf32>
      %abs3A_1152 = math.absf %sub3A_1151 : vector<16xf32>
      %lt3A_1153 = arith.constant 0.00999999977 : f32
      %lt3A_1154 = vector.broadcast %lt3A_1153 : f32 to vector<16xf32>
      %lt3A_1155 = arith.cmpf olt, %abs3A_1152, %lt3A_1154 : vector<16xf32>
      %sub3A_1156 = arith.subf %get3A_1145, %get3A_1149 : vector<16xf32>
      %abs3A_1157 = math.absf %sub3A_1156 : vector<16xf32>
      %jit3A_1158 = arith.constant 0.000000e+00 : f32
      %broadcast_in_dim3A_1159 = vector.broadcast %jit3A_1158 : f32 to vector<16xf32>
      %select_n3A_1160 = arith.select %lt3A_1155, %abs3A_1157, %broadcast_in_dim3A_1159 : vector<16xi1>, vector<16xf32>
      %add3A_1161 = arith.addf %while3A_1070, %select_n3A_1160 : vector<16xf32>
      %jit3A_1162 = arith.constant 1.000000e+00 : f32
      %jit3A_1163 = arith.constant 0.000000e+00 : f32
      %broadcast_in_dim3A_1164 = vector.broadcast %jit3A_1162 : f32 to vector<16xf32>
      %broadcast_in_dim3A_1165 = vector.broadcast %jit3A_1163 : f32 to vector<16xf32>
      %select_n3A_1166 = arith.select %lt3A_1155, %broadcast_in_dim3A_1164, %broadcast_in_dim3A_1165 : vector<16xi1>, vector<16xf32>
      %add3A_1167 = arith.addf %while3A_1078, %select_n3A_1166 : vector<16xf32>
      %get3A_1168 = arith.constant 3 : i32
      %get3A_1169 = arith.index_cast %get3A_1168 : i32 to index
      %get3A_1170 = arith.index_cast %mul3A_1089 : i32 to index
      %get3A_1171 = tpu.vector_load %arg6[%get3A_1169, %get3A_1170] {strides = array<i32>} : memref<8x6272xf32, #tpu.memory_space<vmem>>, vector<16xf32>,
      %get3A_1172 = arith.constant 3 : i32
      %get3A_1173 = arith.index_cast %get3A_1172 : i32 to index
      %get3A_1174 = arith.index_cast %mul3A_1089 : i32 to index
      %get3A_1175 = tpu.vector_load %arg7[%get3A_1173, %get3A_1174] {strides = array<i32>} : memref<8x6272xf32, #tpu.memory_space<vmem>>, vector<16xf32>,
      %sub3A_1176 = vector.broadcast %reduce_min3A_361 : f32 to vector<16xf32>
      %sub3A_1177 = arith.subf %get3A_1171, %sub3A_1176 : vector<16xf32>
      %abs3A_1178 = math.absf %sub3A_1177 : vector<16xf32>
      %lt3A_1179 = arith.constant 0.00999999977 : f32
      %lt3A_1180 = vector.broadcast %lt3A_1179 : f32 to vector<16xf32>
      %lt3A_1181 = arith.cmpf olt, %abs3A_1178, %lt3A_1180 : vector<16xf32>
      %sub3A_1182 = arith.subf %get3A_1171, %get3A_1175 : vector<16xf32>
      %abs3A_1183 = math.absf %sub3A_1182 : vector<16xf32>
      %jit3A_1184 = arith.constant 0.000000e+00 : f32
      %broadcast_in_dim3A_1185 = vector.broadcast %jit3A_1184 : f32 to vector<16xf32>
      %select_n3A_1186 = arith.select %lt3A_1181, %abs3A_1183, %broadcast_in_dim3A_1185 : vector<16xi1>, vector<16xf32>
      %add3A_1187 = arith.addf %while3A_1071, %select_n3A_1186 : vector<16xf32>
      %jit3A_1188 = arith.constant 1.000000e+00 : f32
      %jit3A_1189 = arith.constant 0.000000e+00 : f32
      %broadcast_in_dim3A_1190 = vector.broadcast %jit3A_1188 : f32 to vector<16xf32>
      %broadcast_in_dim3A_1191 = vector.broadcast %jit3A_1189 : f32 to vector<16xf32>
      %select_n3A_1192 = arith.select %lt3A_1181, %broadcast_in_dim3A_1190, %broadcast_in_dim3A_1191 : vector<16xi1>, vector<16xf32>
      %add3A_1193 = arith.addf %while3A_1079, %select_n3A_1192 : vector<16xf32>
      %get3A_1194 = arith.constant 4 : i32
      %get3A_1195 = arith.index_cast %get3A_1194 : i32 to index
      %get3A_1196 = arith.index_cast %mul3A_1089 : i32 to index
      %get3A_1197 = tpu.vector_load %arg6[%get3A_1195, %get3A_1196] {strides = array<i32>} : memref<8x6272xf32, #tpu.memory_space<vmem>>, vector<16xf32>,
      %get3A_1198 = arith.constant 4 : i32
      %get3A_1199 = arith.index_cast %get3A_1198 : i32 to index
      %get3A_1200 = arith.index_cast %mul3A_1089 : i32 to index
      %get3A_1201 = tpu.vector_load %arg7[%get3A_1199, %get3A_1200] {strides = array<i32>} : memref<8x6272xf32, #tpu.memory_space<vmem>>, vector<16xf32>,
      %sub3A_1202 = vector.broadcast %reduce_min3A_413 : f32 to vector<16xf32>
      %sub3A_1203 = arith.subf %get3A_1197, %sub3A_1202 : vector<16xf32>
      %abs3A_1204 = math.absf %sub3A_1203 : vector<16xf32>
      %lt3A_1205 = arith.constant 0.00999999977 : f32
      %lt3A_1206 = vector.broadcast %lt3A_1205 : f32 to vector<16xf32>
      %lt3A_1207 = arith.cmpf olt, %abs3A_1204, %lt3A_1206 : vector<16xf32>
      %sub3A_1208 = arith.subf %get3A_1197, %get3A_1201 : vector<16xf32>
      %abs3A_1209 = math.absf %sub3A_1208 : vector<16xf32>
      %jit3A_1210 = arith.constant 0.000000e+00 : f32
      %broadcast_in_dim3A_1211 = vector.broadcast %jit3A_1210 : f32 to vector<16xf32>
      %select_n3A_1212 = arith.select %lt3A_1207, %abs3A_1209, %broadcast_in_dim3A_1211 : vector<16xi1>, vector<16xf32>
      %add3A_1213 = arith.addf %while3A_1072, %select_n3A_1212 : vector<16xf32>
      %jit3A_1214 = arith.constant 1.000000e+00 : f32
      %jit3A_1215 = arith.constant 0.000000e+00 : f32
      %broadcast_in_dim3A_1216 = vector.broadcast %jit3A_1214 : f32 to vector<16xf32>
      %broadcast_in_dim3A_1217 = vector.broadcast %jit3A_1215 : f32 to vector<16xf32>
      %select_n3A_1218 = arith.select %lt3A_1207, %broadcast_in_dim3A_1216, %broadcast_in_dim3A_1217 : vector<16xi1>, vector<16xf32>
      %add3A_1219 = arith.addf %while3A_1080, %select_n3A_1218 : vector<16xf32>
      %get3A_1220 = arith.constant 5 : i32
      %get3A_1221 = arith.index_cast %get3A_1220 : i32 to index
      %get3A_1222 = arith.index_cast %mul3A_1089 : i32 to index
      %get3A_1223 = tpu.vector_load %arg6[%get3A_1221, %get3A_1222] {strides = array<i32>} : memref<8x6272xf32, #tpu.memory_space<vmem>>, vector<16xf32>,
      %get3A_1224 = arith.constant 5 : i32
      %get3A_1225 = arith.index_cast %get3A_1224 : i32 to index
      %get3A_1226 = arith.index_cast %mul3A_1089 : i32 to index
      %get3A_1227 = tpu.vector_load %arg7[%get3A_1225, %get3A_1226] {strides = array<i32>} : memref<8x6272xf32, #tpu.memory_space<vmem>>, vector<16xf32>,
      %sub3A_1228 = vector.broadcast %reduce_min3A_465 : f32 to vector<16xf32>
      %sub3A_1229 = arith.subf %get3A_1223, %sub3A_1228 : vector<16xf32>
      %abs3A_1230 = math.absf %sub3A_1229 : vector<16xf32>
      %lt3A_1231 = arith.constant 0.00999999977 : f32
      %lt3A_1232 = vector.broadcast %lt3A_1231 : f32 to vector<16xf32>
      %lt3A_1233 = arith.cmpf olt, %abs3A_1230, %lt3A_1232 : vector<16xf32>
      %sub3A_1234 = arith.subf %get3A_1223, %get3A_1227 : vector<16xf32>
      %abs3A_1235 = math.absf %sub3A_1234 : vector<16xf32>
      %jit3A_1236 = arith.constant 0.000000e+00 : f32
      %broadcast_in_dim3A_1237 = vector.broadcast %jit3A_1236 : f32 to vector<16xf32>
      %select_n3A_1238 = arith.select %lt3A_1233, %abs3A_1235, %broadcast_in_dim3A_1237 : vector<16xi1>, vector<16xf32>
      %add3A_1239 = arith.addf %while3A_1073, %select_n3A_1238 : vector<16xf32>
      %jit3A_1240 = arith.constant 1.000000e+00 : f32
      %jit3A_1241 = arith.constant 0.000000e+00 : f32
      %broadcast_in_dim3A_1242 = vector.broadcast %jit3A_1240 : f32 to vector<16xf32>
      %broadcast_in_dim3A_1243 = vector.broadcast %jit3A_1241 : f32 to vector<16xf32>
      %select_n3A_1244 = arith.select %lt3A_1233, %broadcast_in_dim3A_1242, %broadcast_in_dim3A_1243 : vector<16xi1>, vector<16xf32>
      %add3A_1245 = arith.addf %while3A_1081, %select_n3A_1244 : vector<16xf32>
      %get3A_1246 = arith.constant 6 : i32
      %get3A_1247 = arith.index_cast %get3A_1246 : i32 to index
      %get3A_1248 = arith.index_cast %mul3A_1089 : i32 to index
      %get3A_1249 = tpu.vector_load %arg6[%get3A_1247, %get3A_1248] {strides = array<i32>} : memref<8x6272xf32, #tpu.memory_space<vmem>>, vector<16xf32>,
      %get3A_1250 = arith.constant 6 : i32
      %get3A_1251 = arith.index_cast %get3A_1250 : i32 to index
      %get3A_1252 = arith.index_cast %mul3A_1089 : i32 to index
      %get3A_1253 = tpu.vector_load %arg7[%get3A_1251, %get3A_1252] {strides = array<i32>} : memref<8x6272xf32, #tpu.memory_space<vmem>>, vector<16xf32>,
      %sub3A_1254 = vector.broadcast %reduce_min3A_517 : f32 to vector<16xf32>
      %sub3A_1255 = arith.subf %get3A_1249, %sub3A_1254 : vector<16xf32>
      %abs3A_1256 = math.absf %sub3A_1255 : vector<16xf32>
      %lt3A_1257 = arith.constant 0.00999999977 : f32
      %lt3A_1258 = vector.broadcast %lt3A_1257 : f32 to vector<16xf32>
      %lt3A_1259 = arith.cmpf olt, %abs3A_1256, %lt3A_1258 : vector<16xf32>
      %sub3A_1260 = arith.subf %get3A_1249, %get3A_1253 : vector<16xf32>
      %abs3A_1261 = math.absf %sub3A_1260 : vector<16xf32>
      %jit3A_1262 = arith.constant 0.000000e+00 : f32
      %broadcast_in_dim3A_1263 = vector.broadcast %jit3A_1262 : f32 to vector<16xf32>
      %select_n3A_1264 = arith.select %lt3A_1259, %abs3A_1261, %broadcast_in_dim3A_1263 : vector<16xi1>, vector<16xf32>
      %add3A_1265 = arith.addf %while3A_1074, %select_n3A_1264 : vector<16xf32>
      %jit3A_1266 = arith.constant 1.000000e+00 : f32
      %jit3A_1267 = arith.constant 0.000000e+00 : f32
      %broadcast_in_dim3A_1268 = vector.broadcast %jit3A_1266 : f32 to vector<16xf32>
      %broadcast_in_dim3A_1269 = vector.broadcast %jit3A_1267 : f32 to vector<16xf32>
      %select_n3A_1270 = arith.select %lt3A_1259, %broadcast_in_dim3A_1268, %broadcast_in_dim3A_1269 : vector<16xi1>, vector<16xf32>
      %add3A_1271 = arith.addf %while3A_1082, %select_n3A_1270 : vector<16xf32>
      %get3A_1272 = arith.constant 7 : i32
      %get3A_1273 = arith.index_cast %get3A_1272 : i32 to index
      %get3A_1274 = arith.index_cast %mul3A_1089 : i32 to index
      %get3A_1275 = tpu.vector_load %arg6[%get3A_1273, %get3A_1274] {strides = array<i32>} : memref<8x6272xf32, #tpu.memory_space<vmem>>, vector<16xf32>,
      %get3A_1276 = arith.constant 7 : i32
      %get3A_1277 = arith.index_cast %get3A_1276 : i32 to index
      %get3A_1278 = arith.index_cast %mul3A_1089 : i32 to index
      %get3A_1279 = tpu.vector_load %arg7[%get3A_1277, %get3A_1278] {strides = array<i32>} : memref<8x6272xf32, #tpu.memory_space<vmem>>, vector<16xf32>,
      %sub3A_1280 = vector.broadcast %reduce_min3A_569 : f32 to vector<16xf32>
      %sub3A_1281 = arith.subf %get3A_1275, %sub3A_1280 : vector<16xf32>
      %abs3A_1282 = math.absf %sub3A_1281 : vector<16xf32>
      %lt3A_1283 = arith.constant 0.00999999977 : f32
      %lt3A_1284 = vector.broadcast %lt3A_1283 : f32 to vector<16xf32>
      %lt3A_1285 = arith.cmpf olt, %abs3A_1282, %lt3A_1284 : vector<16xf32>
      %sub3A_1286 = arith.subf %get3A_1275, %get3A_1279 : vector<16xf32>
      %abs3A_1287 = math.absf %sub3A_1286 : vector<16xf32>
      %jit3A_1288 = arith.constant 0.000000e+00 : f32
      %broadcast_in_dim3A_1289 = vector.broadcast %jit3A_1288 : f32 to vector<16xf32>
      %select_n3A_1290 = arith.select %lt3A_1285, %abs3A_1287, %broadcast_in_dim3A_1289 : vector<16xi1>, vector<16xf32>
      %add3A_1291 = arith.addf %while3A_1075, %select_n3A_1290 : vector<16xf32>
      %jit3A_1292 = arith.constant 1.000000e+00 : f32
      %jit3A_1293 = arith.constant 0.000000e+00 : f32
      %broadcast_in_dim3A_1294 = vector.broadcast %jit3A_1292 : f32 to vector<16xf32>
      %broadcast_in_dim3A_1295 = vector.broadcast %jit3A_1293 : f32 to vector<16xf32>
      %select_n3A_1296 = arith.select %lt3A_1285, %broadcast_in_dim3A_1294, %broadcast_in_dim3A_1295 : vector<16xi1>, vector<16xf32>
      %add3A_1297 = arith.addf %while3A_1083, %select_n3A_1296 : vector<16xf32>
      scf.yield %add3A_1109, %add3A_1135, %add3A_1161, %add3A_1187, %add3A_1213, %add3A_1239, %add3A_1265, %add3A_1291, %add3A_1115, %add3A_1141, %add3A_1167, %add3A_1193, %add3A_1219, %add3A_1245, %add3A_1271, %add3A_1297 : vector<16xf32>, vector<16xf32>, vector<16xf32>, vector<16xf32>, vector<16xf32>, vector<16xf32>, vector<16xf32>, vector<16xf32>, vector<16xf32>, vector<16xf32>, vector<16xf32>, vector<16xf32>, vector<16xf32>, vector<16xf32>, vector<16xf32>, vector<16xf32>
    }
    %add3A = arith.addf %broadcast_in_dim3A_582, %while3A_593#0 : vector<16xf32>
    %add3A_594 = arith.addf %broadcast_in_dim3A_582, %while3A_593#8 : vector<16xf32>
    %add3A_595 = arith.addf %add3A, %while3A_593#1 : vector<16xf32>
    %add3A_596 = arith.addf %add3A_594, %while3A_593#9 : vector<16xf32>
    %add3A_597 = arith.addf %add3A_595, %while3A_593#2 : vector<16xf32>
    %add3A_598 = arith.addf %add3A_596, %while3A_593#10 : vector<16xf32>
    %add3A_599 = arith.addf %add3A_597, %while3A_593#3 : vector<16xf32>
    %add3A_600 = arith.addf %add3A_598, %while3A_593#11 : vector<16xf32>
    %add3A_601 = arith.addf %add3A_599, %while3A_593#4 : vector<16xf32>
    %add3A_602 = arith.addf %add3A_600, %while3A_593#12 : vector<16xf32>
    %add3A_603 = arith.addf %add3A_601, %while3A_593#5 : vector<16xf32>
    %add3A_604 = arith.addf %add3A_602, %while3A_593#13 : vector<16xf32>
    %add3A_605 = arith.addf %add3A_603, %while3A_593#6 : vector<16xf32>
    %add3A_606 = arith.addf %add3A_604, %while3A_593#14 : vector<16xf32>
    %add3A_607 = arith.addf %add3A_605, %while3A_593#7 : vector<16xf32>
    %add3A_608 = arith.addf %add3A_606, %while3A_593#15 : vector<16xf32>
    %get3A_609 = arith.constant 0 : i32
    %get3A_610 = arith.index_cast %get3A_609 : i32 to index
    %get3A_611 = arith.constant 0 : index
    %get3A_612 = tpu.vector_load %arg8[%get3A_610, %get3A_611] {strides = array<i32>} : memref<16x32xf32, #tpu.memory_space<vmem>>, vector<16xf32>,
    %get3A_613 = arith.constant 8 : i32
    %get3A_614 = arith.index_cast %get3A_613 : i32 to index
    %get3A_615 = arith.constant 0 : index
    %get3A_616 = tpu.vector_load %arg8[%get3A_614, %get3A_615] {strides = array<i32>} : memref<16x32xf32, #tpu.memory_space<vmem>>, vector<16xf32>,
    %sub3A = vector.broadcast %reduce_min3A_205 : f32 to vector<16xf32>
    %sub3A_617 = arith.subf %get3A_612, %sub3A : vector<16xf32>
    %abs3A = math.absf %sub3A_617 : vector<16xf32>
    %lt3A = arith.constant 0.00999999977 : f32
    %lt3A_618 = vector.broadcast %lt3A : f32 to vector<16xf32>
    %lt3A_619 = arith.cmpf olt, %abs3A, %lt3A_618 : vector<16xf32>
    %and3A = vector.broadcast %eq3A_3 : i1 to vector<16xi1>
    %and3A_620 = arith.andi %lt3A_619, %and3A : vector<16xi1>
    %sub3A_621 = arith.subf %get3A_612, %get3A_616 : vector<16xf32>
    %abs3A_622 = math.absf %sub3A_621 : vector<16xf32>
    %jit3A_623 = arith.constant 0.000000e+00 : f32
    %broadcast_in_dim3A_624 = vector.broadcast %jit3A_623 : f32 to vector<16xf32>
    %select_n3A_625 = arith.select %and3A_620, %abs3A_622, %broadcast_in_dim3A_624 : vector<16xi1>, vector<16xf32>
    %add3A_626 = arith.addf %add3A_607, %select_n3A_625 : vector<16xf32>
    %jit3A_627 = arith.constant 1.000000e+00 : f32
    %jit3A_628 = arith.constant 0.000000e+00 : f32
    %broadcast_in_dim3A_629 = vector.broadcast %jit3A_627 : f32 to vector<16xf32>
    %broadcast_in_dim3A_630 = vector.broadcast %jit3A_628 : f32 to vector<16xf32>
    %select_n3A_631 = arith.select %and3A_620, %broadcast_in_dim3A_629, %broadcast_in_dim3A_630 : vector<16xi1>, vector<16xf32>
    %add3A_632 = arith.addf %add3A_608, %select_n3A_631 : vector<16xf32>
    %get3A_633 = arith.constant 0 : i32
    %get3A_634 = arith.index_cast %get3A_633 : i32 to index
    %get3A_635 = arith.constant 16 : index
    %get3A_636 = tpu.vector_load %arg8[%get3A_634, %get3A_635] {strides = array<i32>} : memref<16x32xf32, #tpu.memory_space<vmem>>, vector<16xf32>,
    %get3A_637 = arith.constant 8 : i32
    %get3A_638 = arith.index_cast %get3A_637 : i32 to index
    %get3A_639 = arith.constant 16 : index
    %get3A_640 = tpu.vector_load %arg8[%get3A_638, %get3A_639] {strides = array<i32>} : memref<16x32xf32, #tpu.memory_space<vmem>>, vector<16xf32>,
    %sub3A_641 = vector.broadcast %reduce_min3A_205 : f32 to vector<16xf32>
    %sub3A_642 = arith.subf %get3A_636, %sub3A_641 : vector<16xf32>
    %abs3A_643 = math.absf %sub3A_642 : vector<16xf32>
    %lt3A_644 = arith.constant 0.00999999977 : f32
    %lt3A_645 = vector.broadcast %lt3A_644 : f32 to vector<16xf32>
    %lt3A_646 = arith.cmpf olt, %abs3A_643, %lt3A_645 : vector<16xf32>
    %and3A_647 = vector.broadcast %eq3A_3 : i1 to vector<16xi1>
    %and3A_648 = arith.andi %lt3A_646, %and3A_647 : vector<16xi1>
    %sub3A_649 = arith.subf %get3A_636, %get3A_640 : vector<16xf32>
    %abs3A_650 = math.absf %sub3A_649 : vector<16xf32>
    %jit3A_651 = arith.constant 0.000000e+00 : f32
    %broadcast_in_dim3A_652 = vector.broadcast %jit3A_651 : f32 to vector<16xf32>
    %select_n3A_653 = arith.select %and3A_648, %abs3A_650, %broadcast_in_dim3A_652 : vector<16xi1>, vector<16xf32>
    %add3A_654 = arith.addf %add3A_626, %select_n3A_653 : vector<16xf32>
    %jit3A_655 = arith.constant 1.000000e+00 : f32
    %jit3A_656 = arith.constant 0.000000e+00 : f32
    %broadcast_in_dim3A_657 = vector.broadcast %jit3A_655 : f32 to vector<16xf32>
    %broadcast_in_dim3A_658 = vector.broadcast %jit3A_656 : f32 to vector<16xf32>
    %select_n3A_659 = arith.select %and3A_648, %broadcast_in_dim3A_657, %broadcast_in_dim3A_658 : vector<16xi1>, vector<16xf32>
    %add3A_660 = arith.addf %add3A_632, %select_n3A_659 : vector<16xf32>
    %get3A_661 = arith.constant 1 : i32
    %get3A_662 = arith.index_cast %get3A_661 : i32 to index
    %get3A_663 = arith.constant 0 : index
    %get3A_664 = tpu.vector_load %arg8[%get3A_662, %get3A_663] {strides = array<i32>} : memref<16x32xf32, #tpu.memory_space<vmem>>, vector<16xf32>,
    %get3A_665 = arith.constant 9 : i32
    %get3A_666 = arith.index_cast %get3A_665 : i32 to index
    %get3A_667 = arith.constant 0 : index
    %get3A_668 = tpu.vector_load %arg8[%get3A_666, %get3A_667] {strides = array<i32>} : memref<16x32xf32, #tpu.memory_space<vmem>>, vector<16xf32>,
    %sub3A_669 = vector.broadcast %reduce_min3A_257 : f32 to vector<16xf32>
    %sub3A_670 = arith.subf %get3A_664, %sub3A_669 : vector<16xf32>
    %abs3A_671 = math.absf %sub3A_670 : vector<16xf32>
    %lt3A_672 = arith.constant 0.00999999977 : f32
    %lt3A_673 = vector.broadcast %lt3A_672 : f32 to vector<16xf32>
    %lt3A_674 = arith.cmpf olt, %abs3A_671, %lt3A_673 : vector<16xf32>
    %and3A_675 = vector.broadcast %eq3A_3 : i1 to vector<16xi1>
    %and3A_676 = arith.andi %lt3A_674, %and3A_675 : vector<16xi1>
    %sub3A_677 = arith.subf %get3A_664, %get3A_668 : vector<16xf32>
    %abs3A_678 = math.absf %sub3A_677 : vector<16xf32>
    %jit3A_679 = arith.constant 0.000000e+00 : f32
    %broadcast_in_dim3A_680 = vector.broadcast %jit3A_679 : f32 to vector<16xf32>
    %select_n3A_681 = arith.select %and3A_676, %abs3A_678, %broadcast_in_dim3A_680 : vector<16xi1>, vector<16xf32>
    %add3A_682 = arith.addf %add3A_654, %select_n3A_681 : vector<16xf32>
    %jit3A_683 = arith.constant 1.000000e+00 : f32
    %jit3A_684 = arith.constant 0.000000e+00 : f32
    %broadcast_in_dim3A_685 = vector.broadcast %jit3A_683 : f32 to vector<16xf32>
    %broadcast_in_dim3A_686 = vector.broadcast %jit3A_684 : f32 to vector<16xf32>
    %select_n3A_687 = arith.select %and3A_676, %broadcast_in_dim3A_685, %broadcast_in_dim3A_686 : vector<16xi1>, vector<16xf32>
    %add3A_688 = arith.addf %add3A_660, %select_n3A_687 : vector<16xf32>
    %get3A_689 = arith.constant 1 : i32
    %get3A_690 = arith.index_cast %get3A_689 : i32 to index
    %get3A_691 = arith.constant 16 : index
    %get3A_692 = tpu.vector_load %arg8[%get3A_690, %get3A_691] {strides = array<i32>} : memref<16x32xf32, #tpu.memory_space<vmem>>, vector<16xf32>,
    %get3A_693 = arith.constant 9 : i32
    %get3A_694 = arith.index_cast %get3A_693 : i32 to index
    %get3A_695 = arith.constant 16 : index
    %get3A_696 = tpu.vector_load %arg8[%get3A_694, %get3A_695] {strides = array<i32>} : memref<16x32xf32, #tpu.memory_space<vmem>>, vector<16xf32>,
    %sub3A_697 = vector.broadcast %reduce_min3A_257 : f32 to vector<16xf32>
    %sub3A_698 = arith.subf %get3A_692, %sub3A_697 : vector<16xf32>
    %abs3A_699 = math.absf %sub3A_698 : vector<16xf32>
    %lt3A_700 = arith.constant 0.00999999977 : f32
    %lt3A_701 = vector.broadcast %lt3A_700 : f32 to vector<16xf32>
    %lt3A_702 = arith.cmpf olt, %abs3A_699, %lt3A_701 : vector<16xf32>
    %and3A_703 = vector.broadcast %eq3A_3 : i1 to vector<16xi1>
    %and3A_704 = arith.andi %lt3A_702, %and3A_703 : vector<16xi1>
    %sub3A_705 = arith.subf %get3A_692, %get3A_696 : vector<16xf32>
    %abs3A_706 = math.absf %sub3A_705 : vector<16xf32>
    %jit3A_707 = arith.constant 0.000000e+00 : f32
    %broadcast_in_dim3A_708 = vector.broadcast %jit3A_707 : f32 to vector<16xf32>
    %select_n3A_709 = arith.select %and3A_704, %abs3A_706, %broadcast_in_dim3A_708 : vector<16xi1>, vector<16xf32>
    %add3A_710 = arith.addf %add3A_682, %select_n3A_709 : vector<16xf32>
    %jit3A_711 = arith.constant 1.000000e+00 : f32
    %jit3A_712 = arith.constant 0.000000e+00 : f32
    %broadcast_in_dim3A_713 = vector.broadcast %jit3A_711 : f32 to vector<16xf32>
    %broadcast_in_dim3A_714 = vector.broadcast %jit3A_712 : f32 to vector<16xf32>
    %select_n3A_715 = arith.select %and3A_704, %broadcast_in_dim3A_713, %broadcast_in_dim3A_714 : vector<16xi1>, vector<16xf32>
    %add3A_716 = arith.addf %add3A_688, %select_n3A_715 : vector<16xf32>
    %get3A_717 = arith.constant 2 : i32
    %get3A_718 = arith.index_cast %get3A_717 : i32 to index
    %get3A_719 = arith.constant 0 : index
    %get3A_720 = tpu.vector_load %arg8[%get3A_718, %get3A_719] {strides = array<i32>} : memref<16x32xf32, #tpu.memory_space<vmem>>, vector<16xf32>,
    %get3A_721 = arith.constant 10 : i32
    %get3A_722 = arith.index_cast %get3A_721 : i32 to index
    %get3A_723 = arith.constant 0 : index
    %get3A_724 = tpu.vector_load %arg8[%get3A_722, %get3A_723] {strides = array<i32>} : memref<16x32xf32, #tpu.memory_space<vmem>>, vector<16xf32>,
    %sub3A_725 = vector.broadcast %reduce_min3A_309 : f32 to vector<16xf32>
    %sub3A_726 = arith.subf %get3A_720, %sub3A_725 : vector<16xf32>
    %abs3A_727 = math.absf %sub3A_726 : vector<16xf32>
    %lt3A_728 = arith.constant 0.00999999977 : f32
    %lt3A_729 = vector.broadcast %lt3A_728 : f32 to vector<16xf32>
    %lt3A_730 = arith.cmpf olt, %abs3A_727, %lt3A_729 : vector<16xf32>
    %and3A_731 = vector.broadcast %eq3A_3 : i1 to vector<16xi1>
    %and3A_732 = arith.andi %lt3A_730, %and3A_731 : vector<16xi1>
    %sub3A_733 = arith.subf %get3A_720, %get3A_724 : vector<16xf32>
    %abs3A_734 = math.absf %sub3A_733 : vector<16xf32>
    %jit3A_735 = arith.constant 0.000000e+00 : f32
    %broadcast_in_dim3A_736 = vector.broadcast %jit3A_735 : f32 to vector<16xf32>
    %select_n3A_737 = arith.select %and3A_732, %abs3A_734, %broadcast_in_dim3A_736 : vector<16xi1>, vector<16xf32>
    %add3A_738 = arith.addf %add3A_710, %select_n3A_737 : vector<16xf32>
    %jit3A_739 = arith.constant 1.000000e+00 : f32
    %jit3A_740 = arith.constant 0.000000e+00 : f32
    %broadcast_in_dim3A_741 = vector.broadcast %jit3A_739 : f32 to vector<16xf32>
    %broadcast_in_dim3A_742 = vector.broadcast %jit3A_740 : f32 to vector<16xf32>
    %select_n3A_743 = arith.select %and3A_732, %broadcast_in_dim3A_741, %broadcast_in_dim3A_742 : vector<16xi1>, vector<16xf32>
    %add3A_744 = arith.addf %add3A_716, %select_n3A_743 : vector<16xf32>
    %get3A_745 = arith.constant 2 : i32
    %get3A_746 = arith.index_cast %get3A_745 : i32 to index
    %get3A_747 = arith.constant 16 : index
    %get3A_748 = tpu.vector_load %arg8[%get3A_746, %get3A_747] {strides = array<i32>} : memref<16x32xf32, #tpu.memory_space<vmem>>, vector<16xf32>,
    %get3A_749 = arith.constant 10 : i32
    %get3A_750 = arith.index_cast %get3A_749 : i32 to index
    %get3A_751 = arith.constant 16 : index
    %get3A_752 = tpu.vector_load %arg8[%get3A_750, %get3A_751] {strides = array<i32>} : memref<16x32xf32, #tpu.memory_space<vmem>>, vector<16xf32>,
    %sub3A_753 = vector.broadcast %reduce_min3A_309 : f32 to vector<16xf32>
    %sub3A_754 = arith.subf %get3A_748, %sub3A_753 : vector<16xf32>
    %abs3A_755 = math.absf %sub3A_754 : vector<16xf32>
    %lt3A_756 = arith.constant 0.00999999977 : f32
    %lt3A_757 = vector.broadcast %lt3A_756 : f32 to vector<16xf32>
    %lt3A_758 = arith.cmpf olt, %abs3A_755, %lt3A_757 : vector<16xf32>
    %and3A_759 = vector.broadcast %eq3A_3 : i1 to vector<16xi1>
    %and3A_760 = arith.andi %lt3A_758, %and3A_759 : vector<16xi1>
    %sub3A_761 = arith.subf %get3A_748, %get3A_752 : vector<16xf32>
    %abs3A_762 = math.absf %sub3A_761 : vector<16xf32>
    %jit3A_763 = arith.constant 0.000000e+00 : f32
    %broadcast_in_dim3A_764 = vector.broadcast %jit3A_763 : f32 to vector<16xf32>
    %select_n3A_765 = arith.select %and3A_760, %abs3A_762, %broadcast_in_dim3A_764 : vector<16xi1>, vector<16xf32>
    %add3A_766 = arith.addf %add3A_738, %select_n3A_765 : vector<16xf32>
    %jit3A_767 = arith.constant 1.000000e+00 : f32
    %jit3A_768 = arith.constant 0.000000e+00 : f32
    %broadcast_in_dim3A_769 = vector.broadcast %jit3A_767 : f32 to vector<16xf32>
    %broadcast_in_dim3A_770 = vector.broadcast %jit3A_768 : f32 to vector<16xf32>
    %select_n3A_771 = arith.select %and3A_760, %broadcast_in_dim3A_769, %broadcast_in_dim3A_770 : vector<16xi1>, vector<16xf32>
    %add3A_772 = arith.addf %add3A_744, %select_n3A_771 : vector<16xf32>
    %get3A_773 = arith.constant 3 : i32
    %get3A_774 = arith.index_cast %get3A_773 : i32 to index
    %get3A_775 = arith.constant 0 : index
    %get3A_776 = tpu.vector_load %arg8[%get3A_774, %get3A_775] {strides = array<i32>} : memref<16x32xf32, #tpu.memory_space<vmem>>, vector<16xf32>,
    %get3A_777 = arith.constant 11 : i32
    %get3A_778 = arith.index_cast %get3A_777 : i32 to index
    %get3A_779 = arith.constant 0 : index
    %get3A_780 = tpu.vector_load %arg8[%get3A_778, %get3A_779] {strides = array<i32>} : memref<16x32xf32, #tpu.memory_space<vmem>>, vector<16xf32>,
    %sub3A_781 = vector.broadcast %reduce_min3A_361 : f32 to vector<16xf32>
    %sub3A_782 = arith.subf %get3A_776, %sub3A_781 : vector<16xf32>
    %abs3A_783 = math.absf %sub3A_782 : vector<16xf32>
    %lt3A_784 = arith.constant 0.00999999977 : f32
    %lt3A_785 = vector.broadcast %lt3A_784 : f32 to vector<16xf32>
    %lt3A_786 = arith.cmpf olt, %abs3A_783, %lt3A_785 : vector<16xf32>
    %and3A_787 = vector.broadcast %eq3A_3 : i1 to vector<16xi1>
    %and3A_788 = arith.andi %lt3A_786, %and3A_787 : vector<16xi1>
    %sub3A_789 = arith.subf %get3A_776, %get3A_780 : vector<16xf32>
    %abs3A_790 = math.absf %sub3A_789 : vector<16xf32>
    %jit3A_791 = arith.constant 0.000000e+00 : f32
    %broadcast_in_dim3A_792 = vector.broadcast %jit3A_791 : f32 to vector<16xf32>
    %select_n3A_793 = arith.select %and3A_788, %abs3A_790, %broadcast_in_dim3A_792 : vector<16xi1>, vector<16xf32>
    %add3A_794 = arith.addf %add3A_766, %select_n3A_793 : vector<16xf32>
    %jit3A_795 = arith.constant 1.000000e+00 : f32
    %jit3A_796 = arith.constant 0.000000e+00 : f32
    %broadcast_in_dim3A_797 = vector.broadcast %jit3A_795 : f32 to vector<16xf32>
    %broadcast_in_dim3A_798 = vector.broadcast %jit3A_796 : f32 to vector<16xf32>
    %select_n3A_799 = arith.select %and3A_788, %broadcast_in_dim3A_797, %broadcast_in_dim3A_798 : vector<16xi1>, vector<16xf32>
    %add3A_800 = arith.addf %add3A_772, %select_n3A_799 : vector<16xf32>
    %get3A_801 = arith.constant 3 : i32
    %get3A_802 = arith.index_cast %get3A_801 : i32 to index
    %get3A_803 = arith.constant 16 : index
    %get3A_804 = tpu.vector_load %arg8[%get3A_802, %get3A_803] {strides = array<i32>} : memref<16x32xf32, #tpu.memory_space<vmem>>, vector<16xf32>,
    %get3A_805 = arith.constant 11 : i32
    %get3A_806 = arith.index_cast %get3A_805 : i32 to index
    %get3A_807 = arith.constant 16 : index
    %get3A_808 = tpu.vector_load %arg8[%get3A_806, %get3A_807] {strides = array<i32>} : memref<16x32xf32, #tpu.memory_space<vmem>>, vector<16xf32>,
    %sub3A_809 = vector.broadcast %reduce_min3A_361 : f32 to vector<16xf32>
    %sub3A_810 = arith.subf %get3A_804, %sub3A_809 : vector<16xf32>
    %abs3A_811 = math.absf %sub3A_810 : vector<16xf32>
    %lt3A_812 = arith.constant 0.00999999977 : f32
    %lt3A_813 = vector.broadcast %lt3A_812 : f32 to vector<16xf32>
    %lt3A_814 = arith.cmpf olt, %abs3A_811, %lt3A_813 : vector<16xf32>
    %and3A_815 = vector.broadcast %eq3A_3 : i1 to vector<16xi1>
    %and3A_816 = arith.andi %lt3A_814, %and3A_815 : vector<16xi1>
    %sub3A_817 = arith.subf %get3A_804, %get3A_808 : vector<16xf32>
    %abs3A_818 = math.absf %sub3A_817 : vector<16xf32>
    %jit3A_819 = arith.constant 0.000000e+00 : f32
    %broadcast_in_dim3A_820 = vector.broadcast %jit3A_819 : f32 to vector<16xf32>
    %select_n3A_821 = arith.select %and3A_816, %abs3A_818, %broadcast_in_dim3A_820 : vector<16xi1>, vector<16xf32>
    %add3A_822 = arith.addf %add3A_794, %select_n3A_821 : vector<16xf32>
    %jit3A_823 = arith.constant 1.000000e+00 : f32
    %jit3A_824 = arith.constant 0.000000e+00 : f32
    %broadcast_in_dim3A_825 = vector.broadcast %jit3A_823 : f32 to vector<16xf32>
    %broadcast_in_dim3A_826 = vector.broadcast %jit3A_824 : f32 to vector<16xf32>
    %select_n3A_827 = arith.select %and3A_816, %broadcast_in_dim3A_825, %broadcast_in_dim3A_826 : vector<16xi1>, vector<16xf32>
    %add3A_828 = arith.addf %add3A_800, %select_n3A_827 : vector<16xf32>
    %get3A_829 = arith.constant 4 : i32
    %get3A_830 = arith.index_cast %get3A_829 : i32 to index
    %get3A_831 = arith.constant 0 : index
    %get3A_832 = tpu.vector_load %arg8[%get3A_830, %get3A_831] {strides = array<i32>} : memref<16x32xf32, #tpu.memory_space<vmem>>, vector<16xf32>,
    %get3A_833 = arith.constant 12 : i32
    %get3A_834 = arith.index_cast %get3A_833 : i32 to index
    %get3A_835 = arith.constant 0 : index
    %get3A_836 = tpu.vector_load %arg8[%get3A_834, %get3A_835] {strides = array<i32>} : memref<16x32xf32, #tpu.memory_space<vmem>>, vector<16xf32>,
    %sub3A_837 = vector.broadcast %reduce_min3A_413 : f32 to vector<16xf32>
    %sub3A_838 = arith.subf %get3A_832, %sub3A_837 : vector<16xf32>
    %abs3A_839 = math.absf %sub3A_838 : vector<16xf32>
    %lt3A_840 = arith.constant 0.00999999977 : f32
    %lt3A_841 = vector.broadcast %lt3A_840 : f32 to vector<16xf32>
    %lt3A_842 = arith.cmpf olt, %abs3A_839, %lt3A_841 : vector<16xf32>
    %and3A_843 = vector.broadcast %eq3A_3 : i1 to vector<16xi1>
    %and3A_844 = arith.andi %lt3A_842, %and3A_843 : vector<16xi1>
    %sub3A_845 = arith.subf %get3A_832, %get3A_836 : vector<16xf32>
    %abs3A_846 = math.absf %sub3A_845 : vector<16xf32>
    %jit3A_847 = arith.constant 0.000000e+00 : f32
    %broadcast_in_dim3A_848 = vector.broadcast %jit3A_847 : f32 to vector<16xf32>
    %select_n3A_849 = arith.select %and3A_844, %abs3A_846, %broadcast_in_dim3A_848 : vector<16xi1>, vector<16xf32>
    %add3A_850 = arith.addf %add3A_822, %select_n3A_849 : vector<16xf32>
    %jit3A_851 = arith.constant 1.000000e+00 : f32
    %jit3A_852 = arith.constant 0.000000e+00 : f32
    %broadcast_in_dim3A_853 = vector.broadcast %jit3A_851 : f32 to vector<16xf32>
    %broadcast_in_dim3A_854 = vector.broadcast %jit3A_852 : f32 to vector<16xf32>
    %select_n3A_855 = arith.select %and3A_844, %broadcast_in_dim3A_853, %broadcast_in_dim3A_854 : vector<16xi1>, vector<16xf32>
    %add3A_856 = arith.addf %add3A_828, %select_n3A_855 : vector<16xf32>
    %get3A_857 = arith.constant 4 : i32
    %get3A_858 = arith.index_cast %get3A_857 : i32 to index
    %get3A_859 = arith.constant 16 : index
    %get3A_860 = tpu.vector_load %arg8[%get3A_858, %get3A_859] {strides = array<i32>} : memref<16x32xf32, #tpu.memory_space<vmem>>, vector<16xf32>,
    %get3A_861 = arith.constant 12 : i32
    %get3A_862 = arith.index_cast %get3A_861 : i32 to index
    %get3A_863 = arith.constant 16 : index
    %get3A_864 = tpu.vector_load %arg8[%get3A_862, %get3A_863] {strides = array<i32>} : memref<16x32xf32, #tpu.memory_space<vmem>>, vector<16xf32>,
    %sub3A_865 = vector.broadcast %reduce_min3A_413 : f32 to vector<16xf32>
    %sub3A_866 = arith.subf %get3A_860, %sub3A_865 : vector<16xf32>
    %abs3A_867 = math.absf %sub3A_866 : vector<16xf32>
    %lt3A_868 = arith.constant 0.00999999977 : f32
    %lt3A_869 = vector.broadcast %lt3A_868 : f32 to vector<16xf32>
    %lt3A_870 = arith.cmpf olt, %abs3A_867, %lt3A_869 : vector<16xf32>
    %and3A_871 = vector.broadcast %eq3A_3 : i1 to vector<16xi1>
    %and3A_872 = arith.andi %lt3A_870, %and3A_871 : vector<16xi1>
    %sub3A_873 = arith.subf %get3A_860, %get3A_864 : vector<16xf32>
    %abs3A_874 = math.absf %sub3A_873 : vector<16xf32>
    %jit3A_875 = arith.constant 0.000000e+00 : f32
    %broadcast_in_dim3A_876 = vector.broadcast %jit3A_875 : f32 to vector<16xf32>
    %select_n3A_877 = arith.select %and3A_872, %abs3A_874, %broadcast_in_dim3A_876 : vector<16xi1>, vector<16xf32>
    %add3A_878 = arith.addf %add3A_850, %select_n3A_877 : vector<16xf32>
    %jit3A_879 = arith.constant 1.000000e+00 : f32
    %jit3A_880 = arith.constant 0.000000e+00 : f32
    %broadcast_in_dim3A_881 = vector.broadcast %jit3A_879 : f32 to vector<16xf32>
    %broadcast_in_dim3A_882 = vector.broadcast %jit3A_880 : f32 to vector<16xf32>
    %select_n3A_883 = arith.select %and3A_872, %broadcast_in_dim3A_881, %broadcast_in_dim3A_882 : vector<16xi1>, vector<16xf32>
    %add3A_884 = arith.addf %add3A_856, %select_n3A_883 : vector<16xf32>
    %get3A_885 = arith.constant 5 : i32
    %get3A_886 = arith.index_cast %get3A_885 : i32 to index
    %get3A_887 = arith.constant 0 : index
    %get3A_888 = tpu.vector_load %arg8[%get3A_886, %get3A_887] {strides = array<i32>} : memref<16x32xf32, #tpu.memory_space<vmem>>, vector<16xf32>,
    %get3A_889 = arith.constant 13 : i32
    %get3A_890 = arith.index_cast %get3A_889 : i32 to index
    %get3A_891 = arith.constant 0 : index
    %get3A_892 = tpu.vector_load %arg8[%get3A_890, %get3A_891] {strides = array<i32>} : memref<16x32xf32, #tpu.memory_space<vmem>>, vector<16xf32>,
    %sub3A_893 = vector.broadcast %reduce_min3A_465 : f32 to vector<16xf32>
    %sub3A_894 = arith.subf %get3A_888, %sub3A_893 : vector<16xf32>
    %abs3A_895 = math.absf %sub3A_894 : vector<16xf32>
    %lt3A_896 = arith.constant 0.00999999977 : f32
    %lt3A_897 = vector.broadcast %lt3A_896 : f32 to vector<16xf32>
    %lt3A_898 = arith.cmpf olt, %abs3A_895, %lt3A_897 : vector<16xf32>
    %and3A_899 = vector.broadcast %eq3A_3 : i1 to vector<16xi1>
    %and3A_900 = arith.andi %lt3A_898, %and3A_899 : vector<16xi1>
    %sub3A_901 = arith.subf %get3A_888, %get3A_892 : vector<16xf32>
    %abs3A_902 = math.absf %sub3A_901 : vector<16xf32>
    %jit3A_903 = arith.constant 0.000000e+00 : f32
    %broadcast_in_dim3A_904 = vector.broadcast %jit3A_903 : f32 to vector<16xf32>
    %select_n3A_905 = arith.select %and3A_900, %abs3A_902, %broadcast_in_dim3A_904 : vector<16xi1>, vector<16xf32>
    %add3A_906 = arith.addf %add3A_878, %select_n3A_905 : vector<16xf32>
    %jit3A_907 = arith.constant 1.000000e+00 : f32
    %jit3A_908 = arith.constant 0.000000e+00 : f32
    %broadcast_in_dim3A_909 = vector.broadcast %jit3A_907 : f32 to vector<16xf32>
    %broadcast_in_dim3A_910 = vector.broadcast %jit3A_908 : f32 to vector<16xf32>
    %select_n3A_911 = arith.select %and3A_900, %broadcast_in_dim3A_909, %broadcast_in_dim3A_910 : vector<16xi1>, vector<16xf32>
    %add3A_912 = arith.addf %add3A_884, %select_n3A_911 : vector<16xf32>
    %get3A_913 = arith.constant 5 : i32
    %get3A_914 = arith.index_cast %get3A_913 : i32 to index
    %get3A_915 = arith.constant 16 : index
    %get3A_916 = tpu.vector_load %arg8[%get3A_914, %get3A_915] {strides = array<i32>} : memref<16x32xf32, #tpu.memory_space<vmem>>, vector<16xf32>,
    %get3A_917 = arith.constant 13 : i32
    %get3A_918 = arith.index_cast %get3A_917 : i32 to index
    %get3A_919 = arith.constant 16 : index
    %get3A_920 = tpu.vector_load %arg8[%get3A_918, %get3A_919] {strides = array<i32>} : memref<16x32xf32, #tpu.memory_space<vmem>>, vector<16xf32>,
    %sub3A_921 = vector.broadcast %reduce_min3A_465 : f32 to vector<16xf32>
    %sub3A_922 = arith.subf %get3A_916, %sub3A_921 : vector<16xf32>
    %abs3A_923 = math.absf %sub3A_922 : vector<16xf32>
    %lt3A_924 = arith.constant 0.00999999977 : f32
    %lt3A_925 = vector.broadcast %lt3A_924 : f32 to vector<16xf32>
    %lt3A_926 = arith.cmpf olt, %abs3A_923, %lt3A_925 : vector<16xf32>
    %and3A_927 = vector.broadcast %eq3A_3 : i1 to vector<16xi1>
    %and3A_928 = arith.andi %lt3A_926, %and3A_927 : vector<16xi1>
    %sub3A_929 = arith.subf %get3A_916, %get3A_920 : vector<16xf32>
    %abs3A_930 = math.absf %sub3A_929 : vector<16xf32>
    %jit3A_931 = arith.constant 0.000000e+00 : f32
    %broadcast_in_dim3A_932 = vector.broadcast %jit3A_931 : f32 to vector<16xf32>
    %select_n3A_933 = arith.select %and3A_928, %abs3A_930, %broadcast_in_dim3A_932 : vector<16xi1>, vector<16xf32>
    %add3A_934 = arith.addf %add3A_906, %select_n3A_933 : vector<16xf32>
    %jit3A_935 = arith.constant 1.000000e+00 : f32
    %jit3A_936 = arith.constant 0.000000e+00 : f32
    %broadcast_in_dim3A_937 = vector.broadcast %jit3A_935 : f32 to vector<16xf32>
    %broadcast_in_dim3A_938 = vector.broadcast %jit3A_936 : f32 to vector<16xf32>
    %select_n3A_939 = arith.select %and3A_928, %broadcast_in_dim3A_937, %broadcast_in_dim3A_938 : vector<16xi1>, vector<16xf32>
    %add3A_940 = arith.addf %add3A_912, %select_n3A_939 : vector<16xf32>
    %get3A_941 = arith.constant 6 : i32
    %get3A_942 = arith.index_cast %get3A_941 : i32 to index
    %get3A_943 = arith.constant 0 : index
    %get3A_944 = tpu.vector_load %arg8[%get3A_942, %get3A_943] {strides = array<i32>} : memref<16x32xf32, #tpu.memory_space<vmem>>, vector<16xf32>,
    %get3A_945 = arith.constant 14 : i32
    %get3A_946 = arith.index_cast %get3A_945 : i32 to index
    %get3A_947 = arith.constant 0 : index
    %get3A_948 = tpu.vector_load %arg8[%get3A_946, %get3A_947] {strides = array<i32>} : memref<16x32xf32, #tpu.memory_space<vmem>>, vector<16xf32>,
    %sub3A_949 = vector.broadcast %reduce_min3A_517 : f32 to vector<16xf32>
    %sub3A_950 = arith.subf %get3A_944, %sub3A_949 : vector<16xf32>
    %abs3A_951 = math.absf %sub3A_950 : vector<16xf32>
    %lt3A_952 = arith.constant 0.00999999977 : f32
    %lt3A_953 = vector.broadcast %lt3A_952 : f32 to vector<16xf32>
    %lt3A_954 = arith.cmpf olt, %abs3A_951, %lt3A_953 : vector<16xf32>
    %and3A_955 = vector.broadcast %eq3A_3 : i1 to vector<16xi1>
    %and3A_956 = arith.andi %lt3A_954, %and3A_955 : vector<16xi1>
    %sub3A_957 = arith.subf %get3A_944, %get3A_948 : vector<16xf32>
    %abs3A_958 = math.absf %sub3A_957 : vector<16xf32>
    %jit3A_959 = arith.constant 0.000000e+00 : f32
    %broadcast_in_dim3A_960 = vector.broadcast %jit3A_959 : f32 to vector<16xf32>
    %select_n3A_961 = arith.select %and3A_956, %abs3A_958, %broadcast_in_dim3A_960 : vector<16xi1>, vector<16xf32>
    %add3A_962 = arith.addf %add3A_934, %select_n3A_961 : vector<16xf32>
    %jit3A_963 = arith.constant 1.000000e+00 : f32
    %jit3A_964 = arith.constant 0.000000e+00 : f32
    %broadcast_in_dim3A_965 = vector.broadcast %jit3A_963 : f32 to vector<16xf32>
    %broadcast_in_dim3A_966 = vector.broadcast %jit3A_964 : f32 to vector<16xf32>
    %select_n3A_967 = arith.select %and3A_956, %broadcast_in_dim3A_965, %broadcast_in_dim3A_966 : vector<16xi1>, vector<16xf32>
    %add3A_968 = arith.addf %add3A_940, %select_n3A_967 : vector<16xf32>
    %get3A_969 = arith.constant 6 : i32
    %get3A_970 = arith.index_cast %get3A_969 : i32 to index
    %get3A_971 = arith.constant 16 : index
    %get3A_972 = tpu.vector_load %arg8[%get3A_970, %get3A_971] {strides = array<i32>} : memref<16x32xf32, #tpu.memory_space<vmem>>, vector<16xf32>,
    %get3A_973 = arith.constant 14 : i32
    %get3A_974 = arith.index_cast %get3A_973 : i32 to index
    %get3A_975 = arith.constant 16 : index
    %get3A_976 = tpu.vector_load %arg8[%get3A_974, %get3A_975] {strides = array<i32>} : memref<16x32xf32, #tpu.memory_space<vmem>>, vector<16xf32>,
    %sub3A_977 = vector.broadcast %reduce_min3A_517 : f32 to vector<16xf32>
    %sub3A_978 = arith.subf %get3A_972, %sub3A_977 : vector<16xf32>
    %abs3A_979 = math.absf %sub3A_978 : vector<16xf32>
    %lt3A_980 = arith.constant 0.00999999977 : f32
    %lt3A_981 = vector.broadcast %lt3A_980 : f32 to vector<16xf32>
    %lt3A_982 = arith.cmpf olt, %abs3A_979, %lt3A_981 : vector<16xf32>
    %and3A_983 = vector.broadcast %eq3A_3 : i1 to vector<16xi1>
    %and3A_984 = arith.andi %lt3A_982, %and3A_983 : vector<16xi1>
    %sub3A_985 = arith.subf %get3A_972, %get3A_976 : vector<16xf32>
    %abs3A_986 = math.absf %sub3A_985 : vector<16xf32>
    %jit3A_987 = arith.constant 0.000000e+00 : f32
    %broadcast_in_dim3A_988 = vector.broadcast %jit3A_987 : f32 to vector<16xf32>
    %select_n3A_989 = arith.select %and3A_984, %abs3A_986, %broadcast_in_dim3A_988 : vector<16xi1>, vector<16xf32>
    %add3A_990 = arith.addf %add3A_962, %select_n3A_989 : vector<16xf32>
    %jit3A_991 = arith.constant 1.000000e+00 : f32
    %jit3A_992 = arith.constant 0.000000e+00 : f32
    %broadcast_in_dim3A_993 = vector.broadcast %jit3A_991 : f32 to vector<16xf32>
    %broadcast_in_dim3A_994 = vector.broadcast %jit3A_992 : f32 to vector<16xf32>
    %select_n3A_995 = arith.select %and3A_984, %broadcast_in_dim3A_993, %broadcast_in_dim3A_994 : vector<16xi1>, vector<16xf32>
    %add3A_996 = arith.addf %add3A_968, %select_n3A_995 : vector<16xf32>
    %get3A_997 = arith.constant 7 : i32
    %get3A_998 = arith.index_cast %get3A_997 : i32 to index
    %get3A_999 = arith.constant 0 : index
    %get3A_1000 = tpu.vector_load %arg8[%get3A_998, %get3A_999] {strides = array<i32>} : memref<16x32xf32, #tpu.memory_space<vmem>>, vector<16xf32>,
    %get3A_1001 = arith.constant 15 : i32
    %get3A_1002 = arith.index_cast %get3A_1001 : i32 to index
    %get3A_1003 = arith.constant 0 : index
    %get3A_1004 = tpu.vector_load %arg8[%get3A_1002, %get3A_1003] {strides = array<i32>} : memref<16x32xf32, #tpu.memory_space<vmem>>, vector<16xf32>,
    %sub3A_1005 = vector.broadcast %reduce_min3A_569 : f32 to vector<16xf32>
    %sub3A_1006 = arith.subf %get3A_1000, %sub3A_1005 : vector<16xf32>
    %abs3A_1007 = math.absf %sub3A_1006 : vector<16xf32>
    %lt3A_1008 = arith.constant 0.00999999977 : f32
    %lt3A_1009 = vector.broadcast %lt3A_1008 : f32 to vector<16xf32>
    %lt3A_1010 = arith.cmpf olt, %abs3A_1007, %lt3A_1009 : vector<16xf32>
    %and3A_1011 = vector.broadcast %eq3A_3 : i1 to vector<16xi1>
    %and3A_1012 = arith.andi %lt3A_1010, %and3A_1011 : vector<16xi1>
    %sub3A_1013 = arith.subf %get3A_1000, %get3A_1004 : vector<16xf32>
    %abs3A_1014 = math.absf %sub3A_1013 : vector<16xf32>
    %jit3A_1015 = arith.constant 0.000000e+00 : f32
    %broadcast_in_dim3A_1016 = vector.broadcast %jit3A_1015 : f32 to vector<16xf32>
    %select_n3A_1017 = arith.select %and3A_1012, %abs3A_1014, %broadcast_in_dim3A_1016 : vector<16xi1>, vector<16xf32>
    %add3A_1018 = arith.addf %add3A_990, %select_n3A_1017 : vector<16xf32>
    %jit3A_1019 = arith.constant 1.000000e+00 : f32
    %jit3A_1020 = arith.constant 0.000000e+00 : f32
    %broadcast_in_dim3A_1021 = vector.broadcast %jit3A_1019 : f32 to vector<16xf32>
    %broadcast_in_dim3A_1022 = vector.broadcast %jit3A_1020 : f32 to vector<16xf32>
    %select_n3A_1023 = arith.select %and3A_1012, %broadcast_in_dim3A_1021, %broadcast_in_dim3A_1022 : vector<16xi1>, vector<16xf32>
    %add3A_1024 = arith.addf %add3A_996, %select_n3A_1023 : vector<16xf32>
    %get3A_1025 = arith.constant 7 : i32
    %get3A_1026 = arith.index_cast %get3A_1025 : i32 to index
    %get3A_1027 = arith.constant 16 : index
    %get3A_1028 = tpu.vector_load %arg8[%get3A_1026, %get3A_1027] {strides = array<i32>} : memref<16x32xf32, #tpu.memory_space<vmem>>, vector<16xf32>,
    %get3A_1029 = arith.constant 15 : i32
    %get3A_1030 = arith.index_cast %get3A_1029 : i32 to index
    %get3A_1031 = arith.constant 16 : index
    %get3A_1032 = tpu.vector_load %arg8[%get3A_1030, %get3A_1031] {strides = array<i32>} : memref<16x32xf32, #tpu.memory_space<vmem>>, vector<16xf32>,
    %sub3A_1033 = vector.broadcast %reduce_min3A_569 : f32 to vector<16xf32>
    %sub3A_1034 = arith.subf %get3A_1028, %sub3A_1033 : vector<16xf32>
    %abs3A_1035 = math.absf %sub3A_1034 : vector<16xf32>
    %lt3A_1036 = arith.constant 0.00999999977 : f32
    %lt3A_1037 = vector.broadcast %lt3A_1036 : f32 to vector<16xf32>
    %lt3A_1038 = arith.cmpf olt, %abs3A_1035, %lt3A_1037 : vector<16xf32>
    %and3A_1039 = vector.broadcast %eq3A_3 : i1 to vector<16xi1>
    %and3A_1040 = arith.andi %lt3A_1038, %and3A_1039 : vector<16xi1>
    %sub3A_1041 = arith.subf %get3A_1028, %get3A_1032 : vector<16xf32>
    %abs3A_1042 = math.absf %sub3A_1041 : vector<16xf32>
    %jit3A_1043 = arith.constant 0.000000e+00 : f32
    %broadcast_in_dim3A_1044 = vector.broadcast %jit3A_1043 : f32 to vector<16xf32>
    %select_n3A_1045 = arith.select %and3A_1040, %abs3A_1042, %broadcast_in_dim3A_1044 : vector<16xi1>, vector<16xf32>
    %add3A_1046 = arith.addf %add3A_1018, %select_n3A_1045 : vector<16xf32>
    %jit3A_1047 = arith.constant 1.000000e+00 : f32
    %jit3A_1048 = arith.constant 0.000000e+00 : f32
    %broadcast_in_dim3A_1049 = vector.broadcast %jit3A_1047 : f32 to vector<16xf32>
    %broadcast_in_dim3A_1050 = vector.broadcast %jit3A_1048 : f32 to vector<16xf32>
    %select_n3A_1051 = arith.select %and3A_1040, %broadcast_in_dim3A_1049, %broadcast_in_dim3A_1050 : vector<16xi1>, vector<16xf32>
    %add3A_1052 = arith.addf %add3A_1024, %select_n3A_1051 : vector<16xf32>
    %swap3A_1053 = arith.constant 0 : index
    %swap3A_1054 = tpu.vector_load %arg14[%swap3A_1053] {strides = array<i32>} : memref<16xf32, #tpu.memory_space<vmem>>, vector<16xf32>,
    tpu.vector_store %arg14[%swap3A_1053], %add3A_1046 {strides = array<i32>} : memref<16xf32, #tpu.memory_space<vmem>>, vector<16xf32>,
    %mul3A_1055 = arith.constant 16 : i32
    %mul3A_1056 = arith.muli %arg1, %mul3A_1055 : i32
    "tpu.region"() ({
      %run_scoped3A = tpu.sem_alloc : memref<!tpu.dma_semaphore, #tpu.memory_space<semaphore_mem>>
      %dma_start3A = tpu.memref_slice %arg12[%mul3A_1056] : memref<256xf32, #tpu.memory_space<vmem_shared>> -> memref<16xf32, #tpu.memory_space<vmem_shared>>
      %dma_start3A_1067 = tpu.memref_slice %arg12[%mul3A_1056] : memref<256xf32, #tpu.memory_space<vmem_shared>> -> memref<16xf32, #tpu.memory_space<vmem_shared>>
      tpu.enqueue_dma source(%arg14 : memref<16xf32, #tpu.memory_space<vmem>>) target(%dma_start3A_1067 : memref<16xf32, #tpu.memory_space<vmem_shared>>) target_semaphore(%run_scoped3A : memref<!tpu.dma_semaphore, #tpu.memory_space<semaphore_mem>>)
      %dma_wait3A_1068 = tpu.memref_slice %arg12[%mul3A_1056] : memref<256xf32, #tpu.memory_space<vmem_shared>> -> memref<16xf32, #tpu.memory_space<vmem_shared>>
      %dma_wait3A_1069 = tpu.memref_slice %arg12[%mul3A_1056] : memref<256xf32, #tpu.memory_space<vmem_shared>> -> memref<16xf32, #tpu.memory_space<vmem_shared>>
      tpu.wait_dma2 semaphore(%run_scoped3A : memref<!tpu.dma_semaphore, #tpu.memory_space<semaphore_mem>>) src(%arg14 : memref<16xf32, #tpu.memory_space<vmem>>) dst(%dma_wait3A_1069 : memref<16xf32, #tpu.memory_space<vmem_shared>>)
      tpu.yield
    }) : () -> ()
    %swap3A_1057 = arith.constant 0 : index
    %swap3A_1058 = tpu.vector_load %arg14[%swap3A_1057] {strides = array<i32>} : memref<16xf32, #tpu.memory_space<vmem>>, vector<16xf32>,
    tpu.vector_store %arg14[%swap3A_1057], %add3A_1052 {strides = array<i32>} : memref<16xf32, #tpu.memory_space<vmem>>, vector<16xf32>,
    %mul3A_1059 = arith.constant 16 : i32
    %mul3A_1060 = arith.muli %arg1, %mul3A_1059 : i32
    "tpu.region"() ({
      %run_scoped3A = tpu.sem_alloc : memref<!tpu.dma_semaphore, #tpu.memory_space<semaphore_mem>>
      %dma_start3A = tpu.memref_slice %arg13[%mul3A_1060] : memref<256xf32, #tpu.memory_space<vmem_shared>> -> memref<16xf32, #tpu.memory_space<vmem_shared>>
      %dma_start3A_1067 = tpu.memref_slice %arg13[%mul3A_1060] : memref<256xf32, #tpu.memory_space<vmem_shared>> -> memref<16xf32, #tpu.memory_space<vmem_shared>>
      tpu.enqueue_dma source(%arg14 : memref<16xf32, #tpu.memory_space<vmem>>) target(%dma_start3A_1067 : memref<16xf32, #tpu.memory_space<vmem_shared>>) target_semaphore(%run_scoped3A : memref<!tpu.dma_semaphore, #tpu.memory_space<semaphore_mem>>)
      %dma_wait3A_1068 = tpu.memref_slice %arg13[%mul3A_1060] : memref<256xf32, #tpu.memory_space<vmem_shared>> -> memref<16xf32, #tpu.memory_space<vmem_shared>>
      %dma_wait3A_1069 = tpu.memref_slice %arg13[%mul3A_1060] : memref<256xf32, #tpu.memory_space<vmem_shared>> -> memref<16xf32, #tpu.memory_space<vmem_shared>>
      tpu.wait_dma2 semaphore(%run_scoped3A : memref<!tpu.dma_semaphore, #tpu.memory_space<semaphore_mem>>) src(%arg14 : memref<16xf32, #tpu.memory_space<vmem>>) dst(%dma_wait3A_1069 : memref<16xf32, #tpu.memory_space<vmem_shared>>)
      tpu.yield
    }) : () -> ()
    %barrier3A_1061 = arith.constant 0 : index
    tpu.barrier barrier_id(%barrier3A_1061)
    %eq3A_1062 = arith.constant 0 : i32
    %eq3A_1063 = arith.cmpi eq, %arg1, %eq3A_1062 : i32
    %convert_element_type3A_1064 = arith.extui %eq3A_1063 : i1 to i32
    %cond3A_1065 = arith.constant 0 : i32
    %cond3A_1066 = arith.cmpi ne, %convert_element_type3A_1064, %cond3A_1065 : i32
    scf.if %cond3A_1066 {
      %broadcast_in_dim3A_1067 = arith.constant 0.000000e+00 : f32
      %broadcast_in_dim3A_1068 = vector.broadcast %broadcast_in_dim3A_1067 : f32 to vector<16xf32>
      %broadcast_in_dim3A_1069 = arith.constant 0.000000e+00 : f32
      %broadcast_in_dim3A_1070 = vector.broadcast %broadcast_in_dim3A_1069 : f32 to vector<16xf32>
      "tpu.region"() ({
        %run_scoped3A = tpu.sem_alloc : memref<!tpu.dma_semaphore, #tpu.memory_space<semaphore_mem>>
        %dma_start3A = arith.constant 0 : i32
        %dma_start3A_1188 = tpu.memref_slice %arg10[%dma_start3A] : memref<2048xf32, #tpu.memory_space<vmem>> -> memref<256xf32, #tpu.memory_space<vmem>>
        %dma_start3A_1189 = arith.constant 0 : i32
        %dma_start3A_1190 = tpu.memref_slice %arg10[%dma_start3A_1189] : memref<2048xf32, #tpu.memory_space<vmem>> -> memref<256xf32, #tpu.memory_space<vmem>>
        tpu.enqueue_dma source(%arg12 : memref<256xf32, #tpu.memory_space<vmem_shared>>) target(%dma_start3A_1190 : memref<256xf32, #tpu.memory_space<vmem>>) target_semaphore(%run_scoped3A : memref<!tpu.dma_semaphore, #tpu.memory_space<semaphore_mem>>)
        %dma_wait3A_1191 = arith.constant 0 : i32
        %dma_wait3A_1192 = tpu.memref_slice %arg10[%dma_wait3A_1191] : memref<2048xf32, #tpu.memory_space<vmem>> -> memref<256xf32, #tpu.memory_space<vmem>>
        %dma_wait3A_1193 = arith.constant 0 : i32
        %dma_wait3A_1194 = tpu.memref_slice %arg10[%dma_wait3A_1193] : memref<2048xf32, #tpu.memory_space<vmem>> -> memref<256xf32, #tpu.memory_space<vmem>>
        tpu.wait_dma2 semaphore(%run_scoped3A : memref<!tpu.dma_semaphore, #tpu.memory_space<semaphore_mem>>) src(%arg12 : memref<256xf32, #tpu.memory_space<vmem_shared>>) dst(%dma_wait3A_1194 : memref<256xf32, #tpu.memory_space<vmem>>)
        tpu.yield
      }) : () -> ()
      %get3A_1071 = arith.constant 0 : index
      %get3A_1072 = tpu.vector_load %arg10[%get3A_1071] {strides = array<i32>} : memref<2048xf32, #tpu.memory_space<vmem>>, vector<16xf32>,
      %add3A_1073 = arith.addf %broadcast_in_dim3A_1068, %get3A_1072 : vector<16xf32>
      %get3A_1074 = arith.constant 16 : index
      %get3A_1075 = tpu.vector_load %arg10[%get3A_1074] {strides = array<i32>} : memref<2048xf32, #tpu.memory_space<vmem>>, vector<16xf32>,
      %add3A_1076 = arith.addf %add3A_1073, %get3A_1075 : vector<16xf32>
      %get3A_1077 = arith.constant 32 : index
      %get3A_1078 = tpu.vector_load %arg10[%get3A_1077] {strides = array<i32>} : memref<2048xf32, #tpu.memory_space<vmem>>, vector<16xf32>,
      %add3A_1079 = arith.addf %add3A_1076, %get3A_1078 : vector<16xf32>
      %get3A_1080 = arith.constant 48 : index
      %get3A_1081 = tpu.vector_load %arg10[%get3A_1080] {strides = array<i32>} : memref<2048xf32, #tpu.memory_space<vmem>>, vector<16xf32>,
      %add3A_1082 = arith.addf %add3A_1079, %get3A_1081 : vector<16xf32>
      %get3A_1083 = arith.constant 64 : index
      %get3A_1084 = tpu.vector_load %arg10[%get3A_1083] {strides = array<i32>} : memref<2048xf32, #tpu.memory_space<vmem>>, vector<16xf32>,
      %add3A_1085 = arith.addf %add3A_1082, %get3A_1084 : vector<16xf32>
      %get3A_1086 = arith.constant 80 : index
      %get3A_1087 = tpu.vector_load %arg10[%get3A_1086] {strides = array<i32>} : memref<2048xf32, #tpu.memory_space<vmem>>, vector<16xf32>,
      %add3A_1088 = arith.addf %add3A_1085, %get3A_1087 : vector<16xf32>
      %get3A_1089 = arith.constant 96 : index
      %get3A_1090 = tpu.vector_load %arg10[%get3A_1089] {strides = array<i32>} : memref<2048xf32, #tpu.memory_space<vmem>>, vector<16xf32>,
      %add3A_1091 = arith.addf %add3A_1088, %get3A_1090 : vector<16xf32>
      %get3A_1092 = arith.constant 112 : index
      %get3A_1093 = tpu.vector_load %arg10[%get3A_1092] {strides = array<i32>} : memref<2048xf32, #tpu.memory_space<vmem>>, vector<16xf32>,
      %add3A_1094 = arith.addf %add3A_1091, %get3A_1093 : vector<16xf32>
      %get3A_1095 = arith.constant 128 : index
      %get3A_1096 = tpu.vector_load %arg10[%get3A_1095] {strides = array<i32>} : memref<2048xf32, #tpu.memory_space<vmem>>, vector<16xf32>,
      %add3A_1097 = arith.addf %add3A_1094, %get3A_1096 : vector<16xf32>
      %get3A_1098 = arith.constant 144 : index
      %get3A_1099 = tpu.vector_load %arg10[%get3A_1098] {strides = array<i32>} : memref<2048xf32, #tpu.memory_space<vmem>>, vector<16xf32>,
      %add3A_1100 = arith.addf %add3A_1097, %get3A_1099 : vector<16xf32>
      %get3A_1101 = arith.constant 160 : index
      %get3A_1102 = tpu.vector_load %arg10[%get3A_1101] {strides = array<i32>} : memref<2048xf32, #tpu.memory_space<vmem>>, vector<16xf32>,
      %add3A_1103 = arith.addf %add3A_1100, %get3A_1102 : vector<16xf32>
      %get3A_1104 = arith.constant 176 : index
      %get3A_1105 = tpu.vector_load %arg10[%get3A_1104] {strides = array<i32>} : memref<2048xf32, #tpu.memory_space<vmem>>, vector<16xf32>,
      %add3A_1106 = arith.addf %add3A_1103, %get3A_1105 : vector<16xf32>
      %get3A_1107 = arith.constant 192 : index
      %get3A_1108 = tpu.vector_load %arg10[%get3A_1107] {strides = array<i32>} : memref<2048xf32, #tpu.memory_space<vmem>>, vector<16xf32>,
      %add3A_1109 = arith.addf %add3A_1106, %get3A_1108 : vector<16xf32>
      %get3A_1110 = arith.constant 208 : index
      %get3A_1111 = tpu.vector_load %arg10[%get3A_1110] {strides = array<i32>} : memref<2048xf32, #tpu.memory_space<vmem>>, vector<16xf32>,
      %add3A_1112 = arith.addf %add3A_1109, %get3A_1111 : vector<16xf32>
      %get3A_1113 = arith.constant 224 : index
      %get3A_1114 = tpu.vector_load %arg10[%get3A_1113] {strides = array<i32>} : memref<2048xf32, #tpu.memory_space<vmem>>, vector<16xf32>,
      %add3A_1115 = arith.addf %add3A_1112, %get3A_1114 : vector<16xf32>
      %get3A_1116 = arith.constant 240 : index
      %get3A_1117 = tpu.vector_load %arg10[%get3A_1116] {strides = array<i32>} : memref<2048xf32, #tpu.memory_space<vmem>>, vector<16xf32>,
      %add3A_1118 = arith.addf %add3A_1115, %get3A_1117 : vector<16xf32>
      "tpu.region"() ({
        %run_scoped3A = tpu.sem_alloc : memref<!tpu.dma_semaphore, #tpu.memory_space<semaphore_mem>>
        %dma_start3A = arith.constant 0 : i32
        %dma_start3A_1188 = tpu.memref_slice %arg10[%dma_start3A] : memref<2048xf32, #tpu.memory_space<vmem>> -> memref<256xf32, #tpu.memory_space<vmem>>
        %dma_start3A_1189 = arith.constant 0 : i32
        %dma_start3A_1190 = tpu.memref_slice %arg10[%dma_start3A_1189] : memref<2048xf32, #tpu.memory_space<vmem>> -> memref<256xf32, #tpu.memory_space<vmem>>
        tpu.enqueue_dma source(%arg13 : memref<256xf32, #tpu.memory_space<vmem_shared>>) target(%dma_start3A_1190 : memref<256xf32, #tpu.memory_space<vmem>>) target_semaphore(%run_scoped3A : memref<!tpu.dma_semaphore, #tpu.memory_space<semaphore_mem>>)
        %dma_wait3A_1191 = arith.constant 0 : i32
        %dma_wait3A_1192 = tpu.memref_slice %arg10[%dma_wait3A_1191] : memref<2048xf32, #tpu.memory_space<vmem>> -> memref<256xf32, #tpu.memory_space<vmem>>
        %dma_wait3A_1193 = arith.constant 0 : i32
        %dma_wait3A_1194 = tpu.memref_slice %arg10[%dma_wait3A_1193] : memref<2048xf32, #tpu.memory_space<vmem>> -> memref<256xf32, #tpu.memory_space<vmem>>
        tpu.wait_dma2 semaphore(%run_scoped3A : memref<!tpu.dma_semaphore, #tpu.memory_space<semaphore_mem>>) src(%arg13 : memref<256xf32, #tpu.memory_space<vmem_shared>>) dst(%dma_wait3A_1194 : memref<256xf32, #tpu.memory_space<vmem>>)
        tpu.yield
      }) : () -> ()
      %get3A_1119 = arith.constant 0 : index
      %get3A_1120 = tpu.vector_load %arg10[%get3A_1119] {strides = array<i32>} : memref<2048xf32, #tpu.memory_space<vmem>>, vector<16xf32>,
      %add3A_1121 = arith.addf %broadcast_in_dim3A_1070, %get3A_1120 : vector<16xf32>
      %get3A_1122 = arith.constant 16 : index
      %get3A_1123 = tpu.vector_load %arg10[%get3A_1122] {strides = array<i32>} : memref<2048xf32, #tpu.memory_space<vmem>>, vector<16xf32>,
      %add3A_1124 = arith.addf %add3A_1121, %get3A_1123 : vector<16xf32>
      %get3A_1125 = arith.constant 32 : index
      %get3A_1126 = tpu.vector_load %arg10[%get3A_1125] {strides = array<i32>} : memref<2048xf32, #tpu.memory_space<vmem>>, vector<16xf32>,
      %add3A_1127 = arith.addf %add3A_1124, %get3A_1126 : vector<16xf32>
      %get3A_1128 = arith.constant 48 : index
      %get3A_1129 = tpu.vector_load %arg10[%get3A_1128] {strides = array<i32>} : memref<2048xf32, #tpu.memory_space<vmem>>, vector<16xf32>,
      %add3A_1130 = arith.addf %add3A_1127, %get3A_1129 : vector<16xf32>
      %get3A_1131 = arith.constant 64 : index
      %get3A_1132 = tpu.vector_load %arg10[%get3A_1131] {strides = array<i32>} : memref<2048xf32, #tpu.memory_space<vmem>>, vector<16xf32>,
      %add3A_1133 = arith.addf %add3A_1130, %get3A_1132 : vector<16xf32>
      %get3A_1134 = arith.constant 80 : index
      %get3A_1135 = tpu.vector_load %arg10[%get3A_1134] {strides = array<i32>} : memref<2048xf32, #tpu.memory_space<vmem>>, vector<16xf32>,
      %add3A_1136 = arith.addf %add3A_1133, %get3A_1135 : vector<16xf32>
      %get3A_1137 = arith.constant 96 : index
      %get3A_1138 = tpu.vector_load %arg10[%get3A_1137] {strides = array<i32>} : memref<2048xf32, #tpu.memory_space<vmem>>, vector<16xf32>,
      %add3A_1139 = arith.addf %add3A_1136, %get3A_1138 : vector<16xf32>
      %get3A_1140 = arith.constant 112 : index
      %get3A_1141 = tpu.vector_load %arg10[%get3A_1140] {strides = array<i32>} : memref<2048xf32, #tpu.memory_space<vmem>>, vector<16xf32>,
      %add3A_1142 = arith.addf %add3A_1139, %get3A_1141 : vector<16xf32>
      %get3A_1143 = arith.constant 128 : index
      %get3A_1144 = tpu.vector_load %arg10[%get3A_1143] {strides = array<i32>} : memref<2048xf32, #tpu.memory_space<vmem>>, vector<16xf32>,
      %add3A_1145 = arith.addf %add3A_1142, %get3A_1144 : vector<16xf32>
      %get3A_1146 = arith.constant 144 : index
      %get3A_1147 = tpu.vector_load %arg10[%get3A_1146] {strides = array<i32>} : memref<2048xf32, #tpu.memory_space<vmem>>, vector<16xf32>,
      %add3A_1148 = arith.addf %add3A_1145, %get3A_1147 : vector<16xf32>
      %get3A_1149 = arith.constant 160 : index
      %get3A_1150 = tpu.vector_load %arg10[%get3A_1149] {strides = array<i32>} : memref<2048xf32, #tpu.memory_space<vmem>>, vector<16xf32>,
      %add3A_1151 = arith.addf %add3A_1148, %get3A_1150 : vector<16xf32>
      %get3A_1152 = arith.constant 176 : index
      %get3A_1153 = tpu.vector_load %arg10[%get3A_1152] {strides = array<i32>} : memref<2048xf32, #tpu.memory_space<vmem>>, vector<16xf32>,
      %add3A_1154 = arith.addf %add3A_1151, %get3A_1153 : vector<16xf32>
      %get3A_1155 = arith.constant 192 : index
      %get3A_1156 = tpu.vector_load %arg10[%get3A_1155] {strides = array<i32>} : memref<2048xf32, #tpu.memory_space<vmem>>, vector<16xf32>,
      %add3A_1157 = arith.addf %add3A_1154, %get3A_1156 : vector<16xf32>
      %get3A_1158 = arith.constant 208 : index
      %get3A_1159 = tpu.vector_load %arg10[%get3A_1158] {strides = array<i32>} : memref<2048xf32, #tpu.memory_space<vmem>>, vector<16xf32>,
      %add3A_1160 = arith.addf %add3A_1157, %get3A_1159 : vector<16xf32>
      %get3A_1161 = arith.constant 224 : index
      %get3A_1162 = tpu.vector_load %arg10[%get3A_1161] {strides = array<i32>} : memref<2048xf32, #tpu.memory_space<vmem>>, vector<16xf32>,
      %add3A_1163 = arith.addf %add3A_1160, %get3A_1162 : vector<16xf32>
      %get3A_1164 = arith.constant 240 : index
      %get3A_1165 = tpu.vector_load %arg10[%get3A_1164] {strides = array<i32>} : memref<2048xf32, #tpu.memory_space<vmem>>, vector<16xf32>,
      %add3A_1166 = arith.addf %add3A_1163, %get3A_1165 : vector<16xf32>
      %reduce_sum3A = arith.constant true
      %reduce_sum3A_1167 = vector.broadcast %reduce_sum3A : i1 to vector<16xi1>
      %reduce_sum3A_1168 = tpu.scan <sum>, %add3A_1118 masked %reduce_sum3A_1167 : vector<16xf32>, vector<16xi1> -> vector<16xf32>
      %reduce_sum3A_1169 = vector.extract %reduce_sum3A_1168[15] : f32 from vector<16xf32>
      %reduce_sum3A_1170 = arith.constant true
      %reduce_sum3A_1171 = vector.broadcast %reduce_sum3A_1170 : i1 to vector<16xi1>
      %reduce_sum3A_1172 = tpu.scan <sum>, %add3A_1166 masked %reduce_sum3A_1171 : vector<16xf32>, vector<16xi1> -> vector<16xf32>
      %reduce_sum3A_1173 = vector.extract %reduce_sum3A_1172[15] : f32 from vector<16xf32>
      %eq3A_1174 = arith.constant 0 : i32
      %eq3A_1175 = vector.broadcast %eq3A_1174 : i32 to vector<16xi32>
      %eq3A_1176 = arith.cmpi eq, %iota3A, %eq3A_1175 : vector<16xi32>
      %eq3A_1177 = arith.constant 1 : i32
      %eq3A_1178 = vector.broadcast %eq3A_1177 : i32 to vector<16xi32>
      %eq3A_1179 = arith.cmpi eq, %iota3A, %eq3A_1178 : vector<16xi32>
      %jit3A_1180 = arith.constant 0.000000e+00 : f32
      %broadcast_in_dim3A_1181 = vector.broadcast %reduce_sum3A_1173 : f32 to vector<16xf32>
      %broadcast_in_dim3A_1182 = vector.broadcast %jit3A_1180 : f32 to vector<16xf32>
      %select_n3A_1183 = arith.select %eq3A_1179, %broadcast_in_dim3A_1181, %broadcast_in_dim3A_1182 : vector<16xi1>, vector<16xf32>
      %broadcast_in_dim3A_1184 = vector.broadcast %reduce_sum3A_1169 : f32 to vector<16xf32>
      %select_n3A_1185 = arith.select %eq3A_1176, %broadcast_in_dim3A_1184, %select_n3A_1183 : vector<16xi1>, vector<16xf32>
      %swap3A_1186 = arith.constant 0 : index
      %swap3A_1187 = tpu.vector_load %arg14[%swap3A_1186] {strides = array<i32>} : memref<16xf32, #tpu.memory_space<vmem>>, vector<16xf32>,
      tpu.vector_store %arg14[%swap3A_1186], %select_n3A_1185 {strides = array<i32>} : memref<16xf32, #tpu.memory_space<vmem>>, vector<16xf32>,
      "tpu.region"() ({
        %run_scoped3A = tpu.sem_alloc : memref<!tpu.dma_semaphore, #tpu.memory_space<semaphore_mem>>
        %dma_start3A = arith.constant 0 : i32
        %dma_start3A_1188 = tpu.memref_slice %arg5[%arg0, %dma_start3A] : memref<2x16xf32, #tpu.memory_space<hbm>> -> memref<1x16xf32, #tpu.memory_space<hbm>>
        %dma_start3A_1189 = tpu.memref_squeeze %dma_start3A_1188 : memref<1x16xf32, #tpu.memory_space<hbm>> -> memref<16xf32, #tpu.memory_space<hbm>>
        %dma_start3A_1190 = arith.constant 0 : i32
        %dma_start3A_1191 = tpu.memref_slice %arg5[%arg0, %dma_start3A_1190] : memref<2x16xf32, #tpu.memory_space<hbm>> -> memref<1x16xf32, #tpu.memory_space<hbm>>
        %dma_start3A_1192 = tpu.memref_squeeze %dma_start3A_1191 : memref<1x16xf32, #tpu.memory_space<hbm>> -> memref<16xf32, #tpu.memory_space<hbm>>
        tpu.enqueue_dma source(%arg14 : memref<16xf32, #tpu.memory_space<vmem>>) target(%dma_start3A_1192 : memref<16xf32, #tpu.memory_space<hbm>>) target_semaphore(%run_scoped3A : memref<!tpu.dma_semaphore, #tpu.memory_space<semaphore_mem>>)
        %dma_wait3A_1193 = arith.constant 0 : i32
        %dma_wait3A_1194 = tpu.memref_slice %arg5[%arg0, %dma_wait3A_1193] : memref<2x16xf32, #tpu.memory_space<hbm>> -> memref<1x16xf32, #tpu.memory_space<hbm>>
        %dma_wait3A_1195 = tpu.memref_squeeze %dma_wait3A_1194 : memref<1x16xf32, #tpu.memory_space<hbm>> -> memref<16xf32, #tpu.memory_space<hbm>>
        %dma_wait3A_1196 = arith.constant 0 : i32
        %dma_wait3A_1197 = tpu.memref_slice %arg5[%arg0, %dma_wait3A_1196] : memref<2x16xf32, #tpu.memory_space<hbm>> -> memref<1x16xf32, #tpu.memory_space<hbm>>
        %dma_wait3A_1198 = tpu.memref_squeeze %dma_wait3A_1197 : memref<1x16xf32, #tpu.memory_space<hbm>> -> memref<16xf32, #tpu.memory_space<hbm>>
        tpu.wait_dma2 semaphore(%run_scoped3A : memref<!tpu.dma_semaphore, #tpu.memory_space<semaphore_mem>>) src(%arg14 : memref<16xf32, #tpu.memory_space<vmem>>) dst(%dma_wait3A_1198 : memref<16xf32, #tpu.memory_space<hbm>>)
        tpu.yield
      }) : () -> ()
    } else {
    }
    return
  }
}

</mosaic_0001>

<sc_bundles>
// kernel: kernel.3.cloned.1.call-start
scs
__scs_entry_jumppad:
0x0: {  	(pc) =	sbr.rel $0x88, $3  }
0x1: {  	(tag) =	ssettag $0x0;
	lr =	simm.s32 $0x1  }
0x2: {  	[smem:$0x3F9F] =	sst lr;
	_ =	strace $0xD0000000  }
0x3: {  	_ = 	snop  }
0x4: {  	_ = 	snop  }
0x5: {  	_ = 	snop  }
0x6: {  	_ = 	snop  }
0x7: {  	_ = 	snop  }
__scs_overlays_trampoline_lowered:
0x8: {  	[smem:$0x3FAE] =	sst s0  }
0x9: {  	[smem:$0x3FAF] =	sst s1  }
0xa: {  	[smem:$0x3FB0] =	sst s2  }
0xb: {  	[smem:$0x3FB1] =	sst s3  }
0xc: {  	[smem:$0x3FB2] =	sst s4  }
0xd: {  	[smem:$0x3FB3] =	sst s5  }
0xe: {  	[smem:$0x3FB4] =	sst s6  }
0xf: {  	[smem:$0x3FB5] =	sst s7  }
0x10: {  	[smem:$0x3FB6] =	sst s8  }
0x11: {  	[smem:$0x3FB7] =	sst s9;
	s0 =	simm.s32 @!p0 $0x0  }
0x12: {  	s1 =	sld [smem:$0x3F9D];
	s0 =	simm.s32 @p0 $0x1  }
0x13: {  	[smem:$0x3FB8] =	sst s0;
	s0 =	simm.s32 @!p1 $0x0  }
0x14: {  	s2 =	sld [smem:$0x3F9C];
	s0 =	simm.s32 @p1 $0x1  }
0x15: {  	[smem:$0x3FB9] =	sst s0;
	s0 =	simm.s32 @!p2 $0x0  }
0x16: {  	s3 =	sld [smem:$0x3FDB];
	s0 =	simm.s32 @p2 $0x1  }
0x17: {  	s4 =	simm.s32 $0x1BF5;
	[smem:$0x3FBB] =	sst s0  }
0x18: {  	s0 =	sld [smem:$0x3F9E];
	_ =	swait.ge [sflag:s4], $0x0  }
0x19: {  	s7 =	sld [smem:$0x3F9F]  }
0x1a: {  	s8 =	sadd.s32 $0xFFFFE003, lr  }
0x1b: {  	s9 =	sadd.s32 $0xFFFFFEF7, lr;
	s5 =	simm.s32 $0xFFFFFFFF;
	p2 =	slt.u32 s8, $0xFFFFF086  }
0x1c: {  	p1 =	slt.u32 s9, $0xF7A;
	s5 =	simm.s32 @!p2 $0x0  }
0x1d: {  	s5 =	simm.s32 @p1 $0x1;
	p0 =	seq.s32 s7, s2  }
0x1e: {  	s7 =	smul.u32 @!p0 $0xF7A, s2;
	p2 =	seq.s32 @!p0 s5, $0x0  }
0x1f: {  	s9 =	smul.u32 $0xF7A, s1;
	s8 =	simm.s32 @!p0 $0x1BF5;
	p2 =	por !p2, p0  }
0x20: {  	[sflag:s8] =	ssyncset.s32 @!p0 $0xFFFFF086;
	s6 =	sadd.s32 @!p0 s3, s7;
	s7 =	simm.s32 @!p0 $0x108  }
0x21: {  	s3 =	sadd.s32 s3, s9;
	s6 =	sadd.s32 @!p0 $0x88, s6;
	s7 =	simm.s32 @p2 $0x1082  }
0x22: {  	[simem:s7], [sflag:s8] =	dma.local @!p0 [hbm:s6], $0xF7A  }
0x23: {  	s9 =	sor.u32 $0xD0000000, s2;
	s6 =	simm.s32 $0x108;
	_ =	swait.ge @!p0 [sflag:s8], $0x0  }
0x24: {  	s3 =	sadd.s32 $0x88, s3;
	s6 =	simm.s32 @!p1 $0x1082;
	[sflag:s4] =	ssyncset.s32 $0xFFFFF086  }
0x25: {  	[simem:s6], [sflag:s4] =	dma.local [hbm:s3], $0xF7A  }
0x26: {  	[smem:$0x3F9F] =	sst s1;
	(tag) =	ssettag s2;
	_ =	strace s9  }
0x27: {  	s1 =	sld [smem:$0x3FAF]  }
0x28: {  	s2 =	sld [smem:$0x3FB0]  }
0x29: {  	s4 =	sld [smem:$0x3FB2]  }
0x2a: {  	p0 =	seq.s32 s5, $0x0;
	s5 =	sld [smem:$0x3FB3]  }
0x2b: {  	s6 =	sld [smem:$0x3FB4]  }
0x2c: {  	s7 =	sld [smem:$0x3FB5]  }
0x2d: {  	s3 =	simm.s32 $0x108;
	s8 =	sld [smem:$0x3FB6]  }
0x2e: {  	s3 =	simm.s32 @!p0 $0x1082;
	s9 =	sld [smem:$0x3FB7]  }
0x2f: {  	lr =	sadd.s32 s0, s3;
	s0 =	sld [smem:$0x3FAE]  }
0x30: {  	s3 =	sld [smem:$0x3FB1]  }
0x31: {  	[smem:$0x3FBA] =	sst s10  }
0x32: {  	s10 =	sld [smem:$0x3FB8];
	_ =	sdelay $0x3  }
0x33: {  	p0 =	seq.s32 s10, $0x1;
	s10 =	sld [smem:$0x3FBA];
	_ =	sdelay $0x3  }
0x34: {  	[smem:$0x3FBA] =	sst s10  }
0x35: {  	s10 =	sld [smem:$0x3FB9];
	_ =	sdelay $0x3  }
0x36: {  	p1 =	seq.s32 s10, $0x1;
	s10 =	sld [smem:$0x3FBA];
	_ =	sdelay $0x3  }
0x37: {  	[smem:$0x3FBA] =	sst s10  }
0x38: {  	s10 =	sld [smem:$0x3FBB]  }
0x39: {  	_ = 	snop;
	(pc) =	sbr.ind lr, $3  }
0x3a: {  	_ = 	snop  }
0x3b: {  	_ = 	snop  }
0x3c: {  	p2 =	seq.s32 s10, $0x1;
	s10 =	sld [smem:$0x3FBA]  }
0x3d: {  	_ =	shalt  }
0x3e: {  	_ =	shalt  }
0x3f: {  	_ =	shalt  }
0x40: {  	_ =	shalt  }
0x41: {  	_ =	shalt  }
0x42: {  	_ =	shalt  }
0x43: {  	_ =	shalt  }
0x44: {  	_ =	shalt  }
0x45: {  	_ =	shalt  }
0x46: {  	_ =	shalt  }
0x47: {  	_ =	shalt  }
0x48: {  	_ =	shalt  }
0x49: {  	_ =	shalt  }
0x4a: {  	_ =	shalt  }
0x4b: {  	_ =	shalt  }
0x4c: {  	_ =	shalt  }
0x4d: {  	_ =	shalt  }
0x4e: {  	_ =	shalt  }
0x4f: {  	_ =	shalt  }
0x50: {  	_ =	shalt  }
0x51: {  	_ =	shalt  }
0x52: {  	_ =	shalt  }
0x53: {  	_ =	shalt  }
0x54: {  	_ =	shalt  }
0x55: {  	_ =	shalt  }
0x56: {  	_ =	shalt  }
0x57: {  	_ =	shalt  }
0x58: {  	_ =	shalt  }
0x59: {  	_ =	shalt  }
0x5a: {  	_ =	shalt  }
0x5b: {  	_ =	shalt  }
0x5c: {  	_ =	shalt  }
0x5d: {  	_ =	shalt  }
0x5e: {  	_ =	shalt  }
0x5f: {  	_ =	shalt  }
0x60: {  	_ =	shalt  }
0x61: {  	_ =	shalt  }
0x62: {  	_ =	shalt  }
0x63: {  	_ =	shalt  }
0x64: {  	_ =	shalt  }
0x65: {  	_ =	shalt  }
0x66: {  	_ =	shalt  }
0x67: {  	_ =	shalt  }
0x68: {  	_ =	shalt  }
0x69: {  	_ =	shalt  }
0x6a: {  	_ =	shalt  }
0x6b: {  	_ =	shalt  }
0x6c: {  	_ =	shalt  }
0x6d: {  	_ =	shalt  }
0x6e: {  	_ =	shalt  }
0x6f: {  	_ =	shalt  }
0x70: {  	_ =	shalt  }
0x71: {  	_ =	shalt  }
0x72: {  	_ =	shalt  }
0x73: {  	_ =	shalt  }
0x74: {  	_ =	shalt  }
0x75: {  	_ =	shalt  }
0x76: {  	_ =	shalt  }
0x77: {  	_ =	shalt  }
0x78: {  	_ =	shalt  }
0x79: {  	_ =	shalt  }
0x7a: {  	_ =	shalt  }
0x7b: {  	_ =	shalt  }
0x7c: {  	_ =	shalt  }
0x7d: {  	_ =	shalt  }
0x7e: {  	_ =	shalt  }
0x7f: {  	_ =	shalt  }
0x80: {  	_ =	shalt  }
0x81: {  	_ =	shalt  }
0x82: {  	_ =	shalt  }
0x83: {  	_ =	shalt  }
0x84: {  	_ =	shalt  }
0x85: {  	_ =	shalt  }
0x86: {  	_ =	shalt  }
0x87: {  	_ =	shalt  }
.Lfunc_end0:
.L_simem_size_0:
called_computation_lowered:
.L_overlay_start_0:
0x88: {  	s2 =	sld [smem:$0x3FD9]  }
0x89: {  	s3 =	sld [smem:$0x3FFE];
	_ =	sdelay $0x1  }
0x8a: {  	s1 =	srdreg.scid  }
0x8b: {  	s0 =	sand.u32 $0x1, s1  }
0x8c: {  	s17 =	sshll.u32 s0, $0xA;
	s2 =	sadd.s32 s3, s2  }
0x8d: {  	s2 =	sadd.s32 s2, s17  }
0x8e: {  	[smem:$0x3FC6] =	sst s2  }
0x8f: {  	_ = 	snop  }
0x90: {  	s2 =	sld [smem:$0x3FC9]  }
0x91: {  	s18 =	sld [smem:$0x3FC8];
	(tm) =	ssettm $0x1  }
0x92: {  	s4 =	sld [smem:$0x3FFB];
	_ =	sdelay $0x3  }
0x93: {  	_ =	strace s4  }
0x94: {  	s4 =	sld [smem:$0x3FFC];
	_ =	sdelay $0x3  }
0x95: {  	_ =	strace s4  }
0x96: {  	s4 =	sld [smem:$0x3FFD];
	_ =	sdelay $0x3  }
0x97: {  	_ =	strace s4  }
0x98: {  	_ =	strace $0x8FFFFFFF  }
0x99: {  	s19 =	sld [smem:$0x3FDB];
	_ =	sdelay $0x1  }
0x9a: {  	s5 =	simm.s32 $_scs_section_size  }
0x9b: {  	s6 =	simm.s32 $_size__tile_overlayer_lowered;
	s7 =	simm.s32 $_tile_overlayer_lowered  }
0x9c: {  	s22 =	simm.s32 $0x1BFF;
	s21 =	sshll.u32 s7, $0x1;
	s4 =	sadd.s32 s5, s19  }
0x9d: {  	s8 =	simm.s32 $0x0;
	s20 =	sshll.u32 s6, $0x1;
	s6 =	sadd.s32 s21, s4  }
0x9e: {  	[timem:s8], [sflag:s22] =	dma.local [hbm:s6], s20  }
0x9f: {  	_ =	swait.ge [sflag:s22], s20  }
0xa0: {  	s5 =	ssub.s32 $0x0, s20;
	[sflag:s22] =	ssyncset.done $0x0  }
0xa1: {  	[sflag:s22] =	ssyncadd.s32 s5;
	_ =	sdelay $0x1  }
0xa2: {  	s23 =	simm.s32 $0x1B8B  }
0xa3: {  	_ =	swait.ge [sflag:s23], $0x1  }
0xa4: {  	[sflag:s23] =	ssyncset.done $0x0  }
0xa5: {  	s25 =	simm.s32 $0x1B8E;
	s24 =	sld [smem:$0x3FFE];
	[sflag:s23] =	ssyncadd.s32 $0xFFFFFFFF  }
0xa6: {  	s26 =	simm.s32 $execute0_lowered;
	[smem:$0x3FD2] =	sst s25  }
0xa7: {  	s6 =	sshll.u32 s26, $0x1;
	_ =	strace $0x80000046;
	[dreg:$0x1] =	wrdreg $0xFFFFFFFF  }
0xa8: {  	s28 =	simm.s32 $_size_execute0_lowered;
	s4 =	sadd.s32 s4, s6;
	[dreg:$0x0] =	wrdreg $0x0  }
0xa9: {  	s6 =	sshll.u32 s28, $0x1;
	[dreg:$0x2] =	wrdreg s4  }
0xaa: {  	[dreg:$0x3] =	wrdreg s6  }
0xab: {  	[dreg:$0x4] =	wrdreg $0xC0  }
0xac: {  	_ =	task [dreg:s8], $0x5FFFF  }
0xad: {  	[dreg:$0x1] =	wrdreg $0xFFFFFFFF  }
0xae: {  	[dreg:$0x0] =	wrdreg $0x60  }
0xaf: {  	[dreg:$0x2] =	wrdreg s2  }
0xb0: {  	[dreg:$0x3] =	wrdreg s18  }
0xb1: {  	[dreg:$0x4] =	wrdreg s24  }
0xb2: {  	[dreg:$0x5] =	wrdreg $0x198800  }
0xb3: {  	[dreg:$0x6] =	wrdreg $0x199000  }
0xb4: {  	[dreg:$0x7] =	wrdreg $0x199100  }
0xb5: {  	[dreg:$0x8] =	wrdreg $0x9  }
0xb6: {  	_ =	task.clear_ibuf [dreg:s8], $0x9FFFF;
	_ =	strace $0x90000046  }
0xb7: {  	s29 =	simm.s32 $0x9;
	_ =	strace $0x80000048  }
0xb8: {  	_ =	swait.ge [sflag:s29], $0x1  }
0xb9: {  	[sflag:s29] =	ssyncadd.s32 $0xFFFFFFFF  }
0xba: {  	_ =	strace $0x90000048  }
0xbb: {  	_ =	sfence  }
0xbc: {  	s30 =	sld [smem:$0x0];
	_ =	sdelay $0x2  }
0xbd: {  	s31 =	sshll.u32 s1, $0xD;
	s1 =	sshrl.u32 s1, $0x2  }
0xbe: {  	s3 =	sand.u32 $0x4000, s31;
	s1 =	sadd.s32 s1, s30  }
0xbf: {  	s0 =	sor.u32 s3, s0;
	s1 =	sshll.u32 s1, $0x11  }
0xc0: {  	s0 =	sor.u32 s1, s0  }
0xc1: {  	s0 =	sadd.s32 $0x8F2B, s0  }
0xc2: {  	[sflag:s0] =	ssyncadd.remote.s32 $0x1  }
0xc3: {  	_ =	sfence.sel $0xFFFF  }
0xc4: {  	[dreg:$0x0] =	wrdreg $0xFFFFFFFF;
	(pc) =	sbr.abs _section_cstart, $3  }
0xc5: {  	[dreg:$0x1] =	wrdreg $0xFFFFFFFF  }
0xc6: {  	_ =	task.clear_ibuf [dreg:s8], $0x2FFFF;
	_ =	strace $0x9FFFFFFF  }
0xc7: {  	(tm) =	ssettm $0x7FFFFFFF  }
tec
execute0_lowered:
.L_overlay_start_1:
0x0: {  	(tag) =	ssettag $0x1  }
0x1: {  	s9 =	rddreg [dreg:$0x0]  }
0x2: {  	s10 =	rddreg [dreg:$0x1]  }
0x3: {  	s5 =	rddreg [dreg:$0x2]  }
0x4: {  	s1 =	rddreg [dreg:$0x3]  }
0x5: {  	s2 =	rddreg [dreg:$0x4]  }
0x6: {  	s3 =	rddreg [dreg:$0x5];
	s4 =	simm.s32 $0x0  }
0x7: {  	s6 =	srdreg.scid;
	s22 =	stileid.u32;
	s18 =	simm.s32 $0x1  }
0x8: {  	s19 =	simm.s32 $0x19000;
	s20 =	simm.s32 $0x4;
	s21 =	simm.s32 $0x19080  }
0x9: {  	s23 =	simm.s32 $0x0;
	[smem:$0x7FF] =	sst s4;
	s6 =	sand.u32 $0x1, s6  }
0xa: {  	s11 =	smul.u32 $0xC400, s22;
	p0 =	seq.s32 s22, $0xF;
	s31 =	sshll.u32 s22, $0x7  }
0xb: {  	s15 =	sshll.u32 s22, $0x4;
	p1 =	sne.s32 s22, $0x0;
	s22 =	simm.s32 $0x19920  }
0xc: {  	s7 =	smul.u32 $0xC3800, s6;
	_ =	strace $0x80000047;
	s8 =	sshll.u32 s6, $0x7  }
0xd: {  	s24 =	sshll.u32 s6, $0x4;
	s6 =	ssub.s32 $0x2, s6;
	s14 =	sadd.s32 s15, s2  }
0xe: {  	s15 =	sadd.s32 s15, s3;
	s12 =	sadd.s32 s8, s5;
	s25 =	sshrl.u32 s6, $0x1  }
0xf: {  	s16 =	sadd.s32 s24, s5;
	s26 =	sadd.s32 s11, s7;
	s17 =	ssub.s32 s6, s25  }
0x10: {  	s30 =	sshrl.u32 s7, $0x3;
	s11 =	sadd.s32 $0x800, s12;
	s12 =	sadd.s32 $0x900, s12  }
.Ltmp0:
0x11: {  	s16 =	sadd.s32 $0xA00, s16;
	s28 =	sshrl.u32 s26, $0x3;
	(pc) =	sbr.rel .LBB2_1-.Ltmp0, $4  }
0x12: {  	s13 =	sadd.s32 $0x47D80, s30;
	s8 =	sadd.s32 $0x30E00, s28;
	s29 =	sadd.s32 s9, s28  }
0x13: {  	s17 =	smax.u32 s17, $0x1;
	s5 =	sadd.s32 s9, s8;
	s6 =	sadd.s32 $0x31980, s29  }
0x14: {  	vm0 =	vmxor vm0, vm0;
	v0 =	vimm.f32 $0.0e+00;
	s7 =	sadd.s32 s10, s8;
	s8 =	sadd.s32 s9, s13;
	s9 =	sadd.s32 s9, s30  }
0x15: {  	vm1 =	vcmask $0x704;
	vm2 =	vcmask $0x3F04;
	vm0 =	vmneg @p0 vm0;
	s10 =	sadd.s32 s10, s13;
	s13 =	sadd.s32 s31, s1;
	s9 =	sadd.s32 $0x48900, s9  }
.LBB2_9:
0x16: {  	s23 =	sadd.s32 $0x1, s23  }
0x17: {  	p2 =	sne.s32 s23, s17  }
.Ltmp1:
0x18: {  	_ = 	snop;
	(pc) =	sbr.rel @!p2 .LBB2_10-.Ltmp1, $1  }
0x19: {  	_ =	sdelay $0x3  }
.LBB2_1:
0x1a: {  	s24 =	simm.s32 @p0 $0x0  }
0x1b: {  	[tilespmem:s24], [sflag:$0x1] =	stream.linear.gather @p0 [hbm4b:s8+s24], $0x5C00, $0x38;
	[tilespmem:$0x199A0] =	vst v63  }
0x1c: {  	s25 =	simm.s32 @p0 $0x5C00  }
0x1d: {  	[tilespmem:s25], [sflag:$0x2] =	stream.linear.gather @p0 [hbm4b:s9+s24], $0x5C00, $0x38;
	[tilespmem:$0x199A0] =	vst v63  }
0x1e: {  	s25 =	simm.s32 @p0 $0xC400  }
0x1f: {  	[tilespmem:s25], [sflag:$0x3] =	stream.linear.gather @p0 [hbm4b:s10+s24], $0xB800, $0x38;
	[tilespmem:$0x199A0] =	vst v63  }
0x20: {  	s25 =	simm.s32 @p0 $0x18800  }
0x21: {  	[tilespmem:s25], [sflag:$0x4] =	stream.linear.gather @p0 [hbm4b:s11+s24], $0x400, $0x38;
	[tilespmem:$0x199A0] =	vst v63  }
0x22: {  	s25 =	simm.s32 @p0 $0x4  }
0x23: {  	_ =	swait.ge @p0 [sflag:s25], $0x400  }
0x24: {  	[sflag:s25] =	ssyncset.done @p0 $0x0  }
0x25: {  	s26 =	simm.s32 @p0 $0x18C00;
	[sflag:s25] =	ssyncadd.s32 @p0 $0xFFFFFC00  }
0x26: {  	[tilespmem:s26], [sflag:$0x4] =	stream.linear.gather @p0 [hbm4b:s12+s24], $0x400, $0x38;
	[tilespmem:$0x199A0] =	vst v63  }
0x27: {  	_ =	swait.ge @p0 [sflag:s25], $0x400  }
0x28: {  	[sflag:s25] =	ssyncset.done @p0 $0x0  }
0x29: {  	s24 =	simm.s32 @!p0 $0x0;
	[sflag:s25] =	ssyncadd.s32 @p0 $0xFFFFFC00  }
0x2a: {  	[tilespmem:s24], [sflag:$0x1] =	stream.linear.gather @!p0 [hbm4b:s5+s24], $0x5C00, $0x38;
	[tilespmem:$0x199A0] =	vst v63  }
0x2b: {  	s25 =	simm.s32 @!p0 $0x5C00  }
0x2c: {  	[tilespmem:s25], [sflag:$0x2] =	stream.linear.gather @!p0 [hbm4b:s6+s24], $0x6800, $0x38;
	[tilespmem:$0x199A0] =	vst v63  }
0x2d: {  	s25 =	simm.s32 @!p0 $0xC400  }
0x2e: {  	[tilespmem:s25], [sflag:$0x3] =	stream.linear.gather @!p0 [hbm4b:s7+s24], $0xC400, $0x38;
	[tilespmem:$0x199A0] =	vst v63  }
0x2f: {  	s25 =	sand.u32 $0x7, s4  }
0x30: {  	_ =	swait.ge [sflag:s18], $0x5C00;
	s24 =	sshll.u32 s25, $0x4  }
0x31: {  	s31 =	sand.u32 $0x7C00, s4;
	[sflag:s18] =	ssyncset.done $0x0;
	s24 =	sadd.s32 $0x0, s24  }
0x32: {  	s26 =	sand.u32 $0x70, s4;
	[sflag:s18] =	ssyncadd.s32 $0xFFFFA400;
	s28 =	sor.u32 $0x380, s24  }
0x33: {  	s24 =	sor.u32 s26, s31;
	v12 =	vld [tilespmem:s28+$0x0]  }
0x34: {  	v11 =	vld [tilespmem:s24+$0x0]  }
0x35: {  	v1 =	vimm.f32 $+Inf;
	v2 =	vimm.f32 $+Inf;
	v10 =	vld [tilespmem:s24+$0x80]  }
0x36: {  	v3 =	vimm.f32 $+Inf;
	v4 =	vimm.f32 $+Inf;
	v5 =	vimm.f32 $+Inf;
	s29 =	simm.s32 $0x20;
	s25 =	simm.s32 $0x1;
	v9 =	vld [tilespmem:s24+$0x100]  }
0x37: {  	v6 =	vimm.f32 $+Inf;
	v7 =	vimm.f32 $+Inf;
	v8 =	vimm.f32 $+Inf;
	s30 =	sand.u32 $0x7, s25;
	s26 =	simm.s32 $0x10;
	v13 =	vld [tilespmem:s24+$0x180];
	s28 =	simm.s32 $0x0  }
.LBB2_2:
0x38: {  	p2 =	sne.s32 s29, $0xB70;
	s30 =	sshll.u32 s30, $0x4;
	v14 =	vld [tilespmem:s24+$0x200];
	v1 =	vmin.f32 v1, v12;
	s28 =	sadd.s32 $0x80, s28  }
0x39: {  	s26 =	sand.u32 $0x70, s26;
	s30 =	sadd.s32 s30, s28;
	s31 =	sand.u32 $0x7C00, s28;
	v2 =	vmin.f32 v2, v11;
	v15 =	vld [tilespmem:s24+$0x280]  }
0x3a: {  	s30 =	sor.u32 $0x380, s30;
	v3 =	vmin.f32 v3, v10;
	v16 =	vld [tilespmem:s24+$0x300];
	s24 =	sor.u32 s26, s31;
	s26 =	smov.u32 s29  }
.Ltmp2:
0x3b: {  	v12 =	vld [tilespmem:s30+$0x0];
	v4 =	vmin.f32 v4, v9;
	(pc) =	sbr.rel @p2 .LBB2_2-.Ltmp2, $4  }
0x3c: {  	v11 =	vld [tilespmem:s24+$0x0];
	v5 =	vmin.f32 v5, v13  }
0x3d: {  	v10 =	vld [tilespmem:s24+$0x80];
	v6 =	vmin.f32 v6, v14  }
0x3e: {  	s25 =	sadd.s32 $0x1, s25;
	v9 =	vld [tilespmem:s24+$0x100];
	v7 =	vmin.f32 v7, v15  }
0x3f: {  	s29 =	sadd.s32 $0x10, s29;
	s30 =	sand.u32 $0x7, s25;
	v13 =	vld [tilespmem:s24+$0x180];
	v8 =	vmin.f32 v8, v16  }
0x40: {  	s25 =	sshll.u32 s30, $0x4;
	v14 =	vld [tilespmem:s24+$0x200];
	s28 =	sadd.s32 $0x80, s28  }
0x41: {  	v15 =	vld [tilespmem:s24+$0x280];
	s25 =	sadd.s32 s25, s28  }
0x42: {  	s26 =	sand.u32 $0x70, s26;
	v16 =	vld [tilespmem:s24+$0x300];
	s28 =	sand.u32 $0x7C00, s28;
	s25 =	sor.u32 $0x380, s25  }
0x43: {  	s26 =	sor.u32 s26, s28;
	v17 =	vld [tilespmem:s25+$0x0]  }
0x44: {  	v18 =	vld [tilespmem:s26+$0x0]  }
0x45: {  	v19 =	vld [tilespmem:s26+$0x80]  }
0x46: {  	v20 =	vld [tilespmem:s26+$0x100]  }
0x47: {  	v21 =	vld [tilespmem:s26+$0x180]  }
0x48: {  	v22 =	vld [tilespmem:s26+$0x200]  }
0x49: {  	s24 =	simm.s32 @p0 $0x2;
	v23 =	vld [tilespmem:s26+$0x280]  }
0x4a: {  	v24 =	vld [tilespmem:s26+$0x300];
	_ =	swait.ge @p0 [sflag:s24], $0x5C00  }
0x4b: {  	[sflag:s24] =	ssyncset.done @p0 $0x0  }
0x4c: {  	s25 =	simm.s32 $0x0;
	[sflag:s24] =	ssyncadd.s32 @p0 $0xFFFFA400;
	s24 =	simm.s32 @!p0 $0x2  }
0x4d: {  	s26 =	simm.s32 @!p0 $0xD0;
	s31 =	sand.u32 $0x70, s25;
	_ =	swait.ge @!p0 [sflag:s24], $0x6800  }
0x4e: {  	s28 =	sand.u32 $0xFFFFFC00, s25;
	s26 =	simm.s32 @p0 $0xB8;
	[sflag:s24] =	ssyncset.done @!p0 $0x0  }
0x4f: {  	s26 =	sshll.u32 s26, $0x4;
	[sflag:s24] =	ssyncadd.s32 @!p0 $0xFFFF9800;
	s24 =	sor.u32 s31, s28  }
0x50: {  	v1 =	vmin.f32 v1, v12;
	v2 =	vmin.f32 v2, v11;
	p2 =	sne.s32 s26, $0x10;
	v25 =	vld [tilespmem:s24+$0x5F80]  }
.Ltmp3:
0x51: {  	v11 =	vmin.f32 v3, v10;
	v12 =	vmin.f32 v4, v9;
	v5 =	vmin.f32 v5, v13;
	v9 =	vld [tilespmem:s24+$0x5C00];
	(pc) =	sbr.rel @!p2 .LBB2_5-.Ltmp3, $4  }
0x52: {  	v6 =	vmin.f32 v6, v14;
	v7 =	vmin.f32 v7, v15;
	v13 =	vmin.f32 v8, v16;
	v10 =	vld [tilespmem:s24+$0x5C80]  }
0x53: {  	v1 =	vmin.f32 v1, v17;
	v3 =	vmin.f32 v2, v18;
	v4 =	vmin.f32 v11, v19;
	v11 =	vld [tilespmem:s24+$0x5D00]  }
0x54: {  	v8 =	vmin.f32 v12, v20;
	v5 =	vmin.f32 v5, v21;
	v6 =	vmin.f32 v6, v22;
	v12 =	vld [tilespmem:s24+$0x5D80]  }
0x55: {  	s30 =	simm.s32 $0x80;
	v7 =	vmin.f32 v7, v23;
	v2 =	vmin.f32 v13, v24;
	s28 =	simm.s32 $0x10;
	v13 =	vld [tilespmem:s24+$0x5E00];
	s29 =	smov.u32 s24;
	v1 =	vmin.f32 v1, v25  }
.LBB2_4:
0x56: {  	s31 =	sand.u32 $0x70, s28;
	s0 =	sand.u32 $0xFFFFFC00, s30;
	s28 =	sadd.s32 $0x10, s28;
	v3 =	vmin.f32 v3, v9;
	v14 =	vld [tilespmem:s29+$0x5E80]  }
0x57: {  	p2 =	sne.s32 s26, s28;
	v4 =	vmin.f32 v4, v10;
	v15 =	vld [tilespmem:s29+$0x5F00];
	s29 =	sor.u32 s31, s0  }
0x58: {  	v16 =	vld [tilespmem:s29+$0x5F80];
	v8 =	vmin.f32 v8, v11  }
.Ltmp4:
0x59: {  	v9 =	vld [tilespmem:s29+$0x5C00];
	v5 =	vmin.f32 v5, v12;
	(pc) =	sbr.rel @p2 .LBB2_4-.Ltmp4, $4  }
0x5a: {  	v10 =	vld [tilespmem:s29+$0x5C80];
	v6 =	vmin.f32 v6, v13  }
0x5b: {  	v11 =	vld [tilespmem:s29+$0x5D00];
	v7 =	vmin.f32 v7, v14  }
0x5c: {  	v12 =	vld [tilespmem:s29+$0x5D80];
	v2 =	vmin.f32 v2, v15  }
0x5d: {  	s30 =	sadd.s32 $0x80, s30;
	v13 =	vld [tilespmem:s29+$0x5E00];
	v1 =	vmin.f32 v1, v16  }
.LBB2_5:
0x5e: {  	v14 =	vld [tilespmem:s29+$0x5E80]  }
0x5f: {  	v15 =	vld [tilespmem:s29+$0x5F00]  }
0x60: {  	v16 =	vld [tilespmem:$0x18800]  }
0x61: {  	v17 =	vld [tilespmem:$0x18810]  }
0x62: {  	v18 =	vld [tilespmem:$0x18880]  }
0x63: {  	v19 =	vld [tilespmem:$0x18890]  }
0x64: {  	v20 =	vld [tilespmem:$0x18900]  }
0x65: {  	v21 =	vld [tilespmem:$0x18910]  }
0x66: {  	v22 =	vld [tilespmem:$0x18980]  }
0x67: {  	v23 =	vld [tilespmem:$0x18990]  }
0x68: {  	v3 =	vmin.f32 v3, v9;
	v9 =	vld [tilespmem:$0x18A00];
	v4 =	vmin.f32 v4, v10;
	v8 =	vmin.f32 v8, v11  }
0x69: {  	v11 =	vld [tilespmem:$0x18A10];
	v5 =	vmin.f32 v5, v12;
	v6 =	vmin.f32 v6, v13;
	v10 =	vmin.f32 v3, v16  }
0x6a: {  	v13 =	vld [tilespmem:$0x18A80];
	v7 =	vmin.f32 v7, v14;
	v12 =	vmin.f32 v4, v18;
	v10 =	vpsel p0, v10, v3  }
0x6b: {  	v2 =	vmin.f32 v2, v15;
	v14 =	vld [tilespmem:$0x18A90];
	v12 =	vpsel p0, v12, v4;
	v10 =	vmin.f32 v10, v17  }
0x6c: {  	v15 =	vld [tilespmem:$0x18B00];
	v3 =	vpsel p0, v10, v3;
	v10 =	vmin.f32 v12, v19;
	v12 =	vmin.f32 v8, v20  }
0x6d: {  	v16 =	vld [tilespmem:$0x18B80];
	v4 =	vpsel p0, v10, v4;
	v10 =	vpsel p0, v12, v8;
	v12 =	vmin.f32 v5, v22  }
0x6e: {  	v9 =	vmin.f32 v6, v9;
	v17 =	vld [tilespmem:$0x18B10];
	v10 =	vmin.f32 v10, v21;
	v12 =	vpsel p0, v12, v5  }
0x6f: {  	v9 =	vpsel p0, v9, v6;
	[tilespmem:$0x19000] =	vst v3;
	v8 =	vpsel p0, v10, v8;
	v10 =	vmin.f32 v12, v23;
	v12 =	vld [tilespmem:$0x18B90]  }
0x70: {  	[tilespmem:$0x19010] =	vst v4;
	v3 =	vpsel p0, v10, v5;
	v5 =	vmin.f32 v9, v11;
	v9 =	vmin.f32 v7, v13  }
0x71: {  	[tilespmem:$0x19020] =	vst v8;
	v4 =	vpsel p0, v5, v6;
	v5 =	vpsel p0, v9, v7;
	v6 =	vmin.f32 v2, v15  }
0x72: {  	v8 =	vmin.f32 v1, v16;
	[tilespmem:$0x19030] =	vst v3;
	v5 =	vmin.f32 v5, v14;
	v6 =	vpsel p0, v6, v2  }
0x73: {  	[tilespmem:$0x19040] =	vst v4;
	v3 =	vpsel p0, v5, v7;
	v5 =	vmin.f32 v6, v17;
	v6 =	vpsel p0, v8, v1  }
0x74: {  	v2 =	vpsel p0, v5, v2;
	v4 =	vmin.f32 v6, v12;
	[tilespmem:$0x19050] =	vst v3  }
0x75: {  	v1 =	vpsel p0, v4, v1;
	[tilespmem:$0x19060] =	vst v2  }
0x76: {  	[tilespmem:$0x19070] =	vst v1  }
0x77: {  	[spmem:s13] =	stream.linear.scatter [tilespmem:s19], [sflag:$0x4], $0x80, $0x38;
	[tilespmem:$0x199A0] =	vst v63  }
0x78: {  	_ =	swait.ge [sflag:s20], $0x80  }
0x79: {  	[sflag:s20] =	ssyncset.done $0x0  }
0x7a: {  	[sflag:s20] =	ssyncadd.s32 $0xFFFFFF80  }
0x7b: {  	[bflag:$0x0] =	sbarrier.arrive $0xFFFF  }
0x7c: {  	[tilespmem:s21], [sflag:$0x4] =	stream.linear.gather [spmem:s1], $0x800, $0x38;
	[tilespmem:$0x199A0] =	vst v63  }
0x7d: {  	_ =	swait.ge [sflag:s20], $0x800  }
0x7e: {  	[sflag:s20] =	ssyncset.done $0x0  }
0x7f: {  	[sflag:s20] =	ssyncadd.s32 $0xFFFFF800  }
0x80: {  	v8 =	vld [tilespmem:$0x19080]  }
0x81: {  	v7 =	vld [tilespmem:$0x19100]  }
0x82: {  	v9 =	vld [tilespmem:$0x19180]  }
0x83: {  	v11 =	vld [tilespmem:$0x19200]  }
0x84: {  	v12 =	vld [tilespmem:$0x19280]  }
0x85: {  	v14 =	vld [tilespmem:$0x19300]  }
0x86: {  	v16 =	vld [tilespmem:$0x19380]  }
0x87: {  	v17 =	vld [tilespmem:$0x19400]  }
0x88: {  	v19 =	vld [tilespmem:$0x19480]  }
0x89: {  	v40 =	vld [tilespmem:$0x19500]  }
0x8a: {  	v42 =	vld [tilespmem:$0x19580]  }
0x8b: {  	v45 =	vld [tilespmem:$0x19600]  }
0x8c: {  	v48 =	vld [tilespmem:$0x19680]  }
0x8d: {  	v59 =	vld [tilespmem:$0x19700]  }
0x8e: {  	v1 =	vld [tilespmem:$0x19780]  }
0x8f: {  	v20 =	vld [tilespmem:$0x19090]  }
0x90: {  	v21 =	vld [tilespmem:$0x19110]  }
0x91: {  	v22 =	vld [tilespmem:$0x19190]  }
0x92: {  	v23 =	vld [tilespmem:$0x19210]  }
0x93: {  	v24 =	vld [tilespmem:$0x19290]  }
0x94: {  	v25 =	vld [tilespmem:$0x19310]  }
0x95: {  	v26 =	vld [tilespmem:$0x19390]  }
0x96: {  	v27 =	vld [tilespmem:$0x19410]  }
0x97: {  	v28 =	vld [tilespmem:$0x19490]  }
0x98: {  	v29 =	vld [tilespmem:$0x19510]  }
0x99: {  	v30 =	vld [tilespmem:$0x19590]  }
0x9a: {  	v31 =	vld [tilespmem:$0x19610]  }
0x9b: {  	v32 =	vld [tilespmem:$0x19690]  }
0x9c: {  	v33 =	vld [tilespmem:$0x19710]  }
0x9d: {  	v34 =	vld [tilespmem:$0x19790]  }
0x9e: {  	v41 =	vld [tilespmem:$0x19810]  }
0x9f: {  	v36 =	vld [tilespmem:$0x190A0]  }
0xa0: {  	v37 =	vld [tilespmem:$0x19120]  }
0xa1: {  	v38 =	vld [tilespmem:$0x191A0]  }
0xa2: {  	v39 =	vld [tilespmem:$0x19220]  }
0xa3: {  	v44 =	vld [tilespmem:$0x192A0]  }
0xa4: {  	v47 =	vld [tilespmem:$0x19320]  }
0xa5: {  	v63 =	vld [tilespmem:$0x193A0]  }
0xa6: {  	v49 =	vld [tilespmem:$0x190B0]  }
0xa7: {  	v50 =	vld [tilespmem:$0x19130]  }
0xa8: {  	[tilespmem:$0x1FE70] =	vst v1;
	v1 =	vld [tilespmem:$0x19800]  }
0xa9: {  	v51 =	vld [tilespmem:$0x191B0]  }
0xaa: {  	v52 =	vld [tilespmem:$0x19230]  }
0xab: {  	v53 =	vld [tilespmem:$0x192B0]  }
0xac: {  	v54 =	vld [tilespmem:$0x19330]  }
0xad: {  	[tilespmem:$0x1FE80] =	vst v1;
	v1 =	vld [tilespmem:$0x19420]  }
0xae: {  	v55 =	vld [tilespmem:$0x193B0]  }
0xaf: {  	v56 =	vld [tilespmem:$0x19430]  }
0xb0: {  	v57 =	vld [tilespmem:$0x194B0]  }
0xb1: {  	v58 =	vld [tilespmem:$0x19530]  }
0xb2: {  	[tilespmem:$0x1FE90] =	vst v1;
	v1 =	vld [tilespmem:$0x194A0]  }
0xb3: {  	v2 =	vld [tilespmem:$0x190C0]  }
0xb4: {  	v3 =	vld [tilespmem:$0x191C0]  }
0xb5: {  	v4 =	vld [tilespmem:$0x19240]  }
0xb6: {  	v5 =	vld [tilespmem:$0x192C0]  }
0xb7: {  	[tilespmem:$0x1FEA0] =	vst v1;
	v1 =	vld [tilespmem:$0x19520]  }
0xb8: {  	v6 =	vld [tilespmem:$0x19340]  }
0xb9: {  	v10 =	vld [tilespmem:$0x193C0]  }
0xba: {  	v13 =	vld [tilespmem:$0x19440]  }
0xbb: {  	v15 =	vld [tilespmem:$0x194C0]  }
0xbc: {  	[tilespmem:$0x1FEB0] =	vst v1;
	v1 =	vld [tilespmem:$0x195A0]  }
0xbd: {  	v18 =	vld [tilespmem:$0x19540]  }
0xbe: {  	v35 =	vld [tilespmem:$0x195C0]  }
0xbf: {  	v43 =	vld [tilespmem:$0x19640]  }
0xc0: {  	v61 =	vld [tilespmem:$0x197C0]  }
0xc1: {  	[tilespmem:$0x1FEC0] =	vst v1;
	v1 =	vld [tilespmem:$0x19620]  }
0xc2: {  	v62 =	vld [tilespmem:$0x191D0]  }
0xc3: {  	v46 =	vld [tilespmem:$0x196C0]  }
0xc4: {  	v60 =	vld [tilespmem:$0x19740]  }
0xc5: {  	[tilespmem:$0x1FF80] =	vst v61;
	v61 =	vld [tilespmem:$0x19840]  }
0xc6: {  	[tilespmem:$0x1FED0] =	vst v1;
	v1 =	vld [tilespmem:$0x196A0]  }
0xc7: {  	[tilespmem:$0x1FFB0] =	vst v62;
	v62 =	vld [tilespmem:$0x19250];
	v7 =	vmin.f32 v8, v7  }
0xc8: {  	v8 =	vld [tilespmem:$0x19450];
	v7 =	vmin.f32 v7, v9  }
0xc9: {  	v9 =	vmin.f32 v20, v21;
	v20 =	vld [tilespmem:$0x194D0];
	v7 =	vmin.f32 v7, v11  }
0xca: {  	v21 =	vld [tilespmem:$0x19550];
	v9 =	vmin.f32 v9, v22;
	v7 =	vmin.f32 v7, v12  }
0xcb: {  	v9 =	vmin.f32 v9, v23;
	v7 =	vmin.f32 v7, v14;
	[tilespmem:$0x1FEF0] =	vst v1;
	v1 =	vld [tilespmem:$0x19720]  }
0xcc: {  	v22 =	vld [tilespmem:$0x195D0];
	v9 =	vmin.f32 v9, v24;
	v11 =	vmin.f32 v7, v16  }
0xcd: {  	v12 =	vld [tilespmem:$0x19750];
	v9 =	vmin.f32 v9, v25;
	v11 =	vmin.f32 v11, v17  }
0xce: {  	v9 =	vmin.f32 v9, v26;
	v26 =	vld [tilespmem:$0x1FE70];
	v16 =	vmin.f32 v11, v19  }
0xcf: {  	v9 =	vmin.f32 v9, v27;
	v27 =	vld [tilespmem:$0x1FE80];
	v16 =	vmin.f32 v16, v40  }
0xd0: {  	v16 =	vmin.f32 v16, v42;
	[tilespmem:$0x1FF10] =	vst v1;
	v1 =	vld [tilespmem:$0x197A0]  }
0xd1: {  	v23 =	vld [tilespmem:$0x19160];
	v16 =	vmin.f32 v16, v45  }
0xd2: {  	v14 =	vld [tilespmem:$0x19650];
	v16 =	vmin.f32 v16, v48  }
0xd3: {  	v24 =	vld [tilespmem:$0x191E0];
	v17 =	vmin.f32 v9, v28;
	v16 =	vmin.f32 v16, v59  }
0xd4: {  	[tilespmem:$0x1FFA0] =	vst v61;
	v61 =	vld [tilespmem:$0x190D0];
	v17 =	vmin.f32 v17, v29;
	v16 =	vmin.f32 v16, v26  }
0xd5: {  	v17 =	vmin.f32 v17, v30;
	v16 =	vmin.f32 v16, v27;
	v27 =	vmin.f32 v36, v37;
	[tilespmem:$0x1FF30] =	vst v1;
	v1 =	vld [tilespmem:$0x19820]  }
0xd6: {  	v17 =	vmin.f32 v17, v31;
	v31 =	vld [tilespmem:$0x1FE90];
	v27 =	vmin.f32 v27, v38  }
0xd7: {  	[tilespmem:$0x1FFC0] =	vst v62;
	v62 =	vld [tilespmem:$0x192D0];
	v27 =	vmin.f32 v27, v39  }
0xd8: {  	v7 =	vld [tilespmem:$0x196D0];
	v27 =	vmin.f32 v27, v44  }
0xd9: {  	v25 =	vld [tilespmem:$0x19260];
	v27 =	vmin.f32 v27, v47  }
0xda: {  	v27 =	vmin.f32 v27, v63;
	[tilespmem:$0x1FF50] =	vst v1;
	v1 =	vld [tilespmem:$0x195B0]  }
0xdb: {  	v27 =	vmin.f32 v27, v31;
	v31 =	vld [tilespmem:$0x1FEA0]  }
0xdc: {  	v11 =	vld [tilespmem:$0x197D0]  }
0xdd: {  	v19 =	vld [tilespmem:$0x190E0]  }
0xde: {  	v9 =	vld [tilespmem:$0x19850]  }
0xdf: {  	[tilespmem:$0x1FEE0] =	vst v1;
	v1 =	vld [tilespmem:$0x19630]  }
0xe0: {  	v27 =	vmin.f32 v27, v31;
	v31 =	vld [tilespmem:$0x1FEB0]  }
0xe1: {  	v28 =	vld [tilespmem:$0x19360]  }
0xe2: {  	v29 =	vmin.f32 v49, v50;
	v50 =	vld [tilespmem:$0x191F0]  }
0xe3: {  	[tilespmem:$0x1FF90] =	vst v61;
	v61 =	vld [tilespmem:$0x19150]  }
0xe4: {  	[tilespmem:$0x1FF00] =	vst v1;
	v1 =	vld [tilespmem:$0x196B0]  }
0xe5: {  	v27 =	vmin.f32 v27, v31;
	v31 =	vld [tilespmem:$0x1FEC0]  }
0xe6: {  	[tilespmem:$0x1FFD0] =	vst v62;
	v62 =	vld [tilespmem:$0x19350];
	v29 =	vmin.f32 v29, v51  }
0xe7: {  	v30 =	vld [tilespmem:$0x193E0];
	v29 =	vmin.f32 v29, v52  }
0xe8: {  	v29 =	vmin.f32 v29, v53;
	v53 =	vld [tilespmem:$0x19270]  }
0xe9: {  	[tilespmem:$0x1FF20] =	vst v1;
	v1 =	vld [tilespmem:$0x19730]  }
0xea: {  	v27 =	vmin.f32 v27, v31;
	v31 =	vld [tilespmem:$0x1FED0]  }
0xeb: {  	v59 =	vld [tilespmem:$0x1FFB0]  }
0xec: {  	v19 =	vmin.f32 v19, v23;
	v23 =	vld [tilespmem:$0x19370]  }
0xed: {  	v26 =	vld [tilespmem:$0x192E0]  }
0xee: {  	[tilespmem:$0x1FF40] =	vst v1;
	v1 =	vld [tilespmem:$0x197B0]  }
0xef: {  	v29 =	vmin.f32 v29, v54;
	v27 =	vmin.f32 v27, v31;
	v31 =	vld [tilespmem:$0x1FEE0]  }
0xf0: {  	v19 =	vmin.f32 v19, v24;
	v29 =	vmin.f32 v29, v55;
	v55 =	vld [tilespmem:$0x1FF80]  }
0xf1: {  	v19 =	vmin.f32 v19, v25;
	v25 =	vld [tilespmem:$0x19470];
	v29 =	vmin.f32 v29, v56  }
0xf2: {  	[tilespmem:$0x1FFE0] =	vst v62;
	v62 =	vld [tilespmem:$0x193D0];
	v29 =	vmin.f32 v29, v57  }
0xf3: {  	v29 =	vmin.f32 v29, v58;
	[tilespmem:$0x1FF60] =	vst v1;
	v1 =	vld [tilespmem:$0x19830]  }
0xf4: {  	v29 =	vmin.f32 v29, v31;
	v31 =	vld [tilespmem:$0x1FEF0]  }
0xf5: {  	v56 =	vld [tilespmem:$0x1FF90]  }
0xf6: {  	v57 =	vld [tilespmem:$0x192F0]  }
0xf7: {  	v58 =	vld [tilespmem:$0x1FFA0]  }
0xf8: {  	[tilespmem:$0x1FF70] =	vst v1;
	v1 =	vld [tilespmem:$0x19140]  }
0xf9: {  	v27 =	vmin.f32 v27, v31;
	v31 =	vld [tilespmem:$0x1FF00]  }
0xfa: {  	v47 =	vld [tilespmem:$0x19170]  }
0xfb: {  	v19 =	vmin.f32 v19, v26;
	v26 =	vld [tilespmem:$0x194F0]  }
0xfc: {  	v19 =	vmin.f32 v19, v28;
	v28 =	vld [tilespmem:$0x19570]  }
0xfd: {  	[tilespmem:$0x1FFF0] =	vst v62;
	v62 =	vld [tilespmem:$0x1FFE0];
	v1 =	vmin.f32 v2, v1  }
0xfe: {  	v29 =	vmin.f32 v29, v31;
	v31 =	vld [tilespmem:$0x190F0];
	v1 =	vmin.f32 v1, v3  }
0xff: {  	v63 =	vld [tilespmem:$0x1FFF0];
	v1 =	vmin.f32 v1, v4  }
0x100: {  	v44 =	vld [tilespmem:$0x1FF10];
	v1 =	vmin.f32 v1, v5  }
0x101: {  	v48 =	vld [tilespmem:$0x1FF30];
	v1 =	vmin.f32 v1, v6  }
0x102: {  	v51 =	vld [tilespmem:$0x1FF50];
	v1 =	vmin.f32 v1, v10  }
0x103: {  	v45 =	vld [tilespmem:$0x1FF20];
	v24 =	vmin.f32 v31, v47;
	v1 =	vmin.f32 v1, v13  }
0x104: {  	v49 =	vld [tilespmem:$0x1FF40];
	v24 =	vmin.f32 v24, v50;
	v1 =	vmin.f32 v1, v15  }
0x105: {  	v52 =	vld [tilespmem:$0x1FF60];
	v24 =	vmin.f32 v24, v53;
	v1 =	vmin.f32 v1, v18  }
0x106: {  	v31 =	vld [tilespmem:$0x193F0];
	v24 =	vmin.f32 v24, v57;
	v1 =	vmin.f32 v1, v35  }
0x107: {  	v23 =	vmin.f32 v24, v23;
	v24 =	vld [tilespmem:$0x195F0];
	v1 =	vmin.f32 v1, v43  }
0x108: {  	v54 =	vld [tilespmem:$0x1FF70];
	v1 =	vmin.f32 v1, v46  }
0x109: {  	v1 =	vmin.f32 v1, v60;
	v60 =	vld [tilespmem:$0x1FFC0]  }
0x10a: {  	v35 =	vmin.f32 v56, v61;
	v61 =	vld [tilespmem:$0x1FFD0]  }
0x10b: {  	v17 =	vmin.f32 v17, v32;
	v2 =	vld [tilespmem:$0x19460]  }
0x10c: {  	v17 =	vmin.f32 v17, v33;
	v3 =	vld [tilespmem:$0x194E0]  }
0x10d: {  	v17 =	vmin.f32 v17, v34;
	v4 =	vld [tilespmem:$0x19560];
	v35 =	vmin.f32 v35, v59  }
0x10e: {  	v17 =	vmin.f32 v17, v41;
	v5 =	vld [tilespmem:$0x195E0];
	v35 =	vmin.f32 v35, v60  }
0x10f: {  	v19 =	vmin.f32 v19, v30;
	v29 =	vmin.f32 v29, v45;
	v6 =	vld [tilespmem:$0x19660];
	v32 =	vmin.f32 v35, v61  }
0x110: {  	v27 =	vmin.f32 v27, v44;
	v29 =	vmin.f32 v29, v49;
	v10 =	vld [tilespmem:$0x196E0];
	v32 =	vmin.f32 v32, v62  }
0x111: {  	v2 =	vmin.f32 v19, v2;
	v19 =	vmin.f32 v23, v31;
	v13 =	vld [tilespmem:$0x19760];
	v32 =	vmin.f32 v32, v63  }
0x112: {  	v2 =	vmin.f32 v2, v3;
	v3 =	vmin.f32 v19, v25;
	v19 =	vld [tilespmem:$0x196F0];
	v8 =	vmin.f32 v32, v8  }
0x113: {  	v27 =	vmin.f32 v27, v48;
	v29 =	vmin.f32 v29, v52;
	v8 =	vmin.f32 v8, v20;
	v20 =	vld [tilespmem:$0x19670]  }
0x114: {  	v27 =	vmin.f32 v27, v51;
	v29 =	vmin.f32 v29, v54;
	v15 =	vld [tilespmem:$0x197E0];
	v2 =	vmin.f32 v2, v4  }
0x115: {  	v3 =	vmin.f32 v3, v26;
	v4 =	vld [tilespmem:$0x19770];
	v2 =	vmin.f32 v2, v5;
	v8 =	vmin.f32 v8, v21  }
0x116: {  	v18 =	vld [tilespmem:$0x19860];
	v3 =	vmin.f32 v3, v28;
	v2 =	vmin.f32 v2, v6;
	v8 =	vmin.f32 v8, v22  }
0x117: {  	(xrf0) =	vmin.scan.msk.f32 $0xffff, v16;
	v5 =	vld [tilespmem:$0x197F0];
	v3 =	vmin.f32 v3, v24;
	v2 =	vmin.f32 v2, v10;
	v8 =	vmin.f32 v8, v14  }
0x118: {  	(xrf0) =	vmin.scan.msk.f32 $0xffff, v17;
	v6 =	vld [tilespmem:$0x19870];
	v2 =	vmin.f32 v2, v13;
	v7 =	vmin.f32 v8, v7;
	v3 =	vmin.f32 v3, v20  }
0x119: {  	(xrf0) =	vmin.scan.msk.f32 $0xffff, v27;
	v1 =	vmin.f32 v1, v55;
	v7 =	vmin.f32 v7, v12;
	v3 =	vmin.f32 v3, v19  }
0x11a: {  	(xrf0) =	vmin.scan.msk.f32 $0xffff, v29;
	v1 =	vmin.f32 v1, v58;
	v7 =	vmin.f32 v7, v11;
	v3 =	vmin.f32 v3, v4  }
0x11b: {  	v2 =	vmin.f32 v2, v15;
	(xrf0) =	vmin.scan.msk.f32 $0xffff, v1;
	v1 =	vmin.f32 v7, v9  }
0x11c: {  	(xrf0) =	vmin.scan.msk.f32 $0xffff, v1;
	v1 =	vmin.f32 v2, v18;
	v2 =	vmin.f32 v3, v5  }
0x11d: {  	v3, _, _ =	vpop (xrf0);
	(xrf0) =	vmin.scan.msk.f32 $0xffff, v1;
	v1 =	vmin.f32 v2, v6;
	_ =	sdelay $0x1  }
0x11e: {  	v2, _, _ =	vpop (xrf0);
	(xrf0) =	vmin.scan.msk.f32 $0xffff, v1  }
0x11f: {  	v1, _, _ =	vpop (xrf0)  }
0x120: {  	v4, _, _ =	vpop (xrf0)  }
0x121: {  	v9, _, _ =	vpop (xrf0)  }
0x122: {  	v10, _, _ =	vpop (xrf0)  }
0x123: {  	v11, _, _ =	vpop (xrf0)  }
0x124: {  	s0 =	simm.s32 @p0 $0x3;
	v12, _, _ =	vpop (xrf0)  }
0x125: {  	_ =	swait.ge @p0 [sflag:s0], $0xB800  }
0x126: {  	[sflag:s0] =	ssyncset.done @p0 $0x0  }
0x127: {  	[sflag:s0] =	ssyncadd.s32 @p0 $0xFFFF4800;
	s0 =	simm.s32 @!p0 $0x3  }
0x128: {  	_ =	swait.ge @!p0 [sflag:s0], $0xC400  }
0x129: {  	[sflag:s0] =	ssyncset.done @!p0 $0x0  }
0x12a: {  	[sflag:s0] =	ssyncadd.s32 @!p0 $0xFFFF3C00  }
0x12b: {  	v13 =	vld [tilespmem:s24+$0xC480]  }
0x12c: {  	v15 =	vld [tilespmem:s24+$0xC600]  }
0x12d: {  	v17 =	vld [tilespmem:s24+$0xC680]  }
0x12e: {  	v14 =	vld [tilespmem:s24+$0x80]  }
0x12f: {  	v18 =	vld [tilespmem:s24+$0xC500]  }
0x130: {  	v19 =	vld [tilespmem:s24+$0x0]  }
0x131: {  	v20 =	vld [tilespmem:s24+$0x200]  }
0x132: {  	v8 =	vbroadcast v3, $0xF;
	v21 =	vld [tilespmem:s24+$0x100]  }
0x133: {  	v5 =	vbroadcast v4, $0xF;
	v4 =	vbroadcast v9, $0xF;
	v9 =	vld [tilespmem:s24+$0x300]  }
0x134: {  	v7 =	vbroadcast v2, $0xF;
	v3 =	vbroadcast v10, $0xF;
	v10 =	vld [tilespmem:s24+$0xC700]  }
0x135: {  	v25 =	vimm.f32 $0.0e+00;
	v23 =	vld [tilespmem:s24+$0x280]  }
0x136: {  	s31 =	sand.u32 $0x7, s25;
	v6 =	vbroadcast v1, $0xF;
	v2 =	vbroadcast v11, $0xF;
	v11 =	vsub.f32 v14, v7  }
0x137: {  	v1 =	vbroadcast v12, $0xF;
	s0 =	sshll.u32 s31, $0x4;
	v22 =	vsub.f32 v14, v13;
	v12 =	vsub.f32 v19, v8  }
0x138: {  	v24 =	vimm.f32 $0.0e+00;
	v16 =	vld [tilespmem:s24+$0xC400];
	s0 =	sadd.s32 $0x0, s0;
	v31 =	vsub.f32 v21, v6;
	v15 =	vsub.f32 v20, v15  }
0x139: {  	s0 =	sor.u32 $0x380, s0;
	v14 =	vimm.f32 $0.0e+00;
	v29 =	vsub.f32 v21, v18;
	v26 =	vsub.f32 v9, v10  }
0x13a: {  	v13 =	vld [tilespmem:s0+$0x0];
	v10 =	vsub.f32 v23, v3;
	v35 =	vsub.f32 v23, v17;
	v23 =	vimm.f32 $0.0e+00  }
0x13b: {  	v17 =	vimm.f32 $0.0e+00;
	v21 =	vimm.f32 $0.0e+00;
	v32 =	vand.u32 $0x7FFFFFFF, v12;
	v12 =	vld [tilespmem:s0+$0xC400];
	s0 =	simm.s32 @!p0 $0x188  }
0x13c: {  	v11 =	vand.u32 $0x7FFFFFFF, v11;
	v27 =	vand.u32 $0x7FFFFFFF, v22;
	v22 =	vsub.f32 v20, v4;
	s0 =	simm.s32 @p0 $0x170  }
0x13d: {  	v20 =	vsub.f32 v9, v2;
	v28 =	vand.u32 $0x7FFFFFFF, v15;
	v9 =	vsub.f32 v19, v16;
	s25 =	sshll.u32 s0, $0x4  }
0x13e: {  	v30 =	vld [tilespmem:s24+$0x180];
	v36 =	vand.u32 $0x7FFFFFFF, v10;
	v19 =	vimm.f32 $0.0e+00;
	v16 =	vimm.f32 $0.0e+00;
	p2 =	sne.s32 s25, $0x10  }
.Ltmp5:
0x13f: {  	v37 =	vld [tilespmem:s24+$0xC580];
	v10 =	vimm.f32 $0.0e+00;
	v15 =	vimm.f32 $0.0e+00;
	vm5 =	vlt.f32 v11, $9.999999770e-03;
	(pc) =	sbr.rel @!p2 .LBB2_7-.Ltmp5, $4  }
0x140: {  	v11 =	vimm.f32 $0.0e+00;
	v18 =	vand.u32 $0x7FFFFFFF, v22;
	v34 =	vand.u32 $0x7FFFFFFF, v9  }
0x141: {  	v9 =	vand.u32 $0x7FFFFFFF, v20;
	v22 =	vimm.f32 $0.0e+00;
	v20 =	vimm.f32 $0.0e+00  }
0x142: {  	vm4 =	vlt.f32 v18, $9.999999770e-03;
	vm3 =	vlt.f32 v9, $9.999999770e-03;
	v18 =	vimm.f32 $0.0e+00  }
0x143: {  	s26 =	simm.s32 $0x10;
	s28 =	simm.s32 $0x1;
	s24 =	simm.s32 $0x80;
	v9 =	vimm.f32 $0.0e+00;
	v33 =	vsub.f32 v13, v12;
	v12 =	vimm.f32 $0.0e+00  }
.LBB2_6:
0x144: {  	s0 =	sand.u32 $0x7, s28;
	s29 =	sand.u32 $0x70, s26;
	s30 =	sand.u32 $0xFFFFFC00, s24;
	v37 =	vsub.f32 v30, v37;
	v38 =	vsel vm4, $0x3F800000, v0;
	v35 =	vand.u32 $0x7FFFFFFF, v35  }
0x145: {  	s26 =	sadd.s32 $0x10, s26;
	vm6 =	vlt.f32 v36, $9.999999770e-03;
	s0 =	sshll.u32 s0, $0x4;
	s29 =	sor.u32 s29, s30;
	v14 =	vadd.f32 v38, v14;
	v33 =	vand.u32 $0x7FFFFFFF, v33  }
0x146: {  	v31 =	vand.u32 $0x7FFFFFFF, v31;
	p2 =	sne.s32 s25, s26;
	v35 =	vnsel vm6, $0x0, v35;
	v38 =	vsel vm6, $0x3F800000, v0;
	s0 =	sadd.s32 s0, s24;
	v36 =	vld [tilespmem:s29+$0xC480]  }
0x147: {  	vm6 =	vlt.f32 v32, $9.999999770e-03;
	vm7 =	vlt.f32 v31, $9.999999770e-03;
	v25 =	vadd.f32 v35, v25;
	v39 =	vld [tilespmem:s29+$0xC600];
	s30 =	sor.u32 $0x380, s0  }
0x148: {  	v29 =	vand.u32 $0x7FFFFFFF, v29;
	v32 =	vsel vm5, $0x3F800000, v0;
	v31 =	vsel vm6, $0x3F800000, v0;
	v35 =	vld [tilespmem:s29+$0xC400]  }
0x149: {  	v27 =	vnsel vm5, $0x0, v27;
	v34 =	vnsel vm6, $0x0, v34;
	v29 =	vnsel vm7, $0x0, v29;
	v40 =	vld [tilespmem:s29+$0xC680]  }
0x14a: {  	v30 =	vsub.f32 v30, v5;
	v42 =	vsel vm7, $0x3F800000, v0;
	v22 =	vadd.f32 v38, v22;
	v41 =	vld [tilespmem:s29+$0x80]  }
0x14b: {  	v28 =	vnsel vm4, $0x0, v28;
	v18 =	vadd.f32 v27, v18;
	v23 =	vadd.f32 v32, v23;
	v38 =	vld [tilespmem:s29+$0xC700]  }
0x14c: {  	v26 =	vand.u32 $0x7FFFFFFF, v26;
	v27 =	vand.u32 $0x7FFFFFFF, v30;
	v19 =	vadd.f32 v34, v19;
	v43 =	vld [tilespmem:s29+$0xC500]  }
0x14d: {  	v26 =	vnsel vm3, $0x0, v26;
	v30 =	vsel vm3, $0x3F800000, v0;
	v16 =	vadd.f32 v31, v16;
	v34 =	vld [tilespmem:s29+$0x0]  }
0x14e: {  	v13 =	vsub.f32 v13, v1;
	v12 =	vadd.f32 v26, v12;
	vm3 =	vlt.f32 v27, $9.999999770e-03;
	v44 =	vld [tilespmem:s29+$0x100]  }
0x14f: {  	v17 =	vadd.f32 v29, v17;
	v29 =	vand.u32 $0x7FFFFFFF, v37;
	v26 =	vsub.f32 v41, v7;
	v32 =	vld [tilespmem:s29+$0x200]  }
0x150: {  	v10 =	vadd.f32 v30, v10;
	v30 =	vand.u32 $0x7FFFFFFF, v13;
	v27 =	vsub.f32 v41, v36;
	v36 =	vld [tilespmem:s29+$0x300]  }
0x151: {  	v20 =	vadd.f32 v42, v20;
	vm4 =	vlt.f32 v30, $9.999999770e-03;
	v41 =	vand.u32 $0x7FFFFFFF, v26;
	v13 =	vld [tilespmem:s30+$0x0]  }
0x152: {  	v37 =	vsel vm4, $0x3F800000, v0;
	v27 =	vand.u32 $0x7FFFFFFF, v27;
	v26 =	vsub.f32 v34, v8;
	v30 =	vld [tilespmem:s29+$0x180]  }
0x153: {  	v45 =	vsel vm3, $0x3F800000, v0;
	v9 =	vadd.f32 v37, v9;
	v31 =	vsub.f32 v44, v6;
	v42 =	vld [tilespmem:s29+$0x280]  }
0x154: {  	v46 =	vnsel vm3, $0x0, v29;
	v37 =	vsub.f32 v32, v4;
	v39 =	vsub.f32 v32, v39  }
0x155: {  	v15 =	vadd.f32 v28, v15;
	v29 =	vsub.f32 v44, v43;
	v32 =	vand.u32 $0x7FFFFFFF, v26  }
0x156: {  	v43 =	vand.u32 $0x7FFFFFFF, v37;
	v28 =	vand.u32 $0x7FFFFFFF, v39;
	v39 =	vsub.f32 v36, v2;
	v44 =	vld [tilespmem:s30+$0xC400]  }
.Ltmp6:
0x157: {  	v21 =	vadd.f32 v45, v21;
	v33 =	vnsel vm4, $0x0, v33;
	v26 =	vsub.f32 v36, v38;
	v37 =	vld [tilespmem:s29+$0xC580];
	(pc) =	sbr.rel @p2 .LBB2_6-.Ltmp6, $4  }
0x158: {  	v34 =	vsub.f32 v34, v35;
	vm5 =	vlt.f32 v41, $9.999999770e-03;
	v36 =	vsub.f32 v42, v3  }
0x159: {  	v11 =	vadd.f32 v33, v11;
	vm4 =	vlt.f32 v43, $9.999999770e-03;
	v35 =	vsub.f32 v42, v40  }
0x15a: {  	v34 =	vand.u32 $0x7FFFFFFF, v34;
	v33 =	vand.u32 $0x7FFFFFFF, v39;
	v36 =	vand.u32 $0x7FFFFFFF, v36  }
0x15b: {  	s28 =	sadd.s32 $0x1, s28;
	s24 =	sadd.s32 $0x80, s24;
	v24 =	vadd.f32 v46, v24;
	vm3 =	vlt.f32 v33, $9.999999770e-03;
	v33 =	vsub.f32 v13, v44  }
.LBB2_7:
0x15c: {  	v37 =	vsub.f32 v30, v37;
	v38 =	vsel vm4, $0x3F800000, v0  }
0x15d: {  	v35 =	vand.u32 $0x7FFFFFFF, v35;
	vm6 =	vlt.f32 v36, $9.999999770e-03;
	v31 =	vand.u32 $0x7FFFFFFF, v31  }
0x15e: {  	vm12 =	vlt.f32 v32, $9.999999770e-03;
	v45 =	vsel vm5, $0x3F800000, v0;
	v29 =	vand.u32 $0x7FFFFFFF, v29  }
0x15f: {  	v27 =	vnsel vm5, $0x0, v27;
	v46 =	vsub.f32 v30, v5;
	v48 =	vnsel vm4, $0x0, v28  }
0x160: {  	v13 =	vsub.f32 v13, v1;
	v56 =	vsel vm3, $0x3F800000, v0;
	v14 =	vadd.f32 v38, v14  }
0x161: {  	v35 =	vnsel vm6, $0x0, v35;
	v36 =	vsel vm6, $0x3F800000, v0;
	vm7 =	vlt.f32 v31, $9.999999770e-03  }
0x162: {  	v55 =	vld [tilespmem:$0x18800];
	v44 =	vsel vm12, $0x3F800000, v0;
	v18 =	vadd.f32 v27, v18;
	v23 =	vadd.f32 v45, v23  }
0x163: {  	v58 =	vld [tilespmem:$0x18C00];
	v34 =	vnsel vm12, $0x0, v34;
	v15 =	vadd.f32 v48, v15;
	v10 =	vadd.f32 v56, v10  }
0x164: {  	v60 =	vld [tilespmem:$0x18810];
	v25 =	vadd.f32 v35, v25;
	v29 =	vnsel vm7, $0x0, v29;
	v22 =	vadd.f32 v36, v22  }
0x165: {  	v30 =	vld [tilespmem:$0x18C80];
	v47 =	vsel vm7, $0x3F800000, v0;
	v19 =	vadd.f32 v34, v19;
	v49 =	vand.u32 $0x7FFFFFFF, v46  }
0x166: {  	v32 =	vld [tilespmem:$0x18890];
	v16 =	vadd.f32 v44, v16;
	v50 =	vand.u32 $0x7FFFFFFF, v37;
	v17 =	vadd.f32 v29, v17  }
0x167: {  	v39 =	vld [tilespmem:$0x18900];
	vm13 =	vlt.f32 v49, $9.999999770e-03;
	v51 =	vadd.f32 v47, v20;
	v18 =	vadd.f32 v18, v19  }
0x168: {  	v27 =	vld [tilespmem:$0x18880];
	v52 =	vnsel vm13, $0x0, v50;
	v16 =	vadd.f32 v23, v16;
	v53 =	vsel vm13, $0x3F800000, v0  }
0x169: {  	v43 =	vld [tilespmem:$0x18D00];
	v20 =	vadd.f32 v52, v24;
	v21 =	vadd.f32 v53, v21  }
0x16a: {  	v54 =	vand.u32 $0x7FFFFFFF, v26;
	v45 =	vld [tilespmem:$0x18910];
	v63 =	vsub.f32 v55, v8;
	v26 =	vsub.f32 v55, v58  }
0x16b: {  	v28 =	vsub.f32 v60, v8;
	v41 =	vsub.f32 v32, v7  }
0x16c: {  	v61 =	vand.u32 $0x7FFFFFFF, v33;
	v36 =	vld [tilespmem:$0x18C90];
	v48 =	vsub.f32 v39, v6;
	v17 =	vadd.f32 v17, v18  }
0x16d: {  	v13 =	vand.u32 $0x7FFFFFFF, v13;
	v16 =	vadd.f32 v51, v16;
	v35 =	vsub.f32 v27, v7  }
0x16e: {  	v49 =	vld [tilespmem:$0x18D10];
	v18 =	vnsel vm3, $0x0, v54;
	v38 =	vsub.f32 v27, v30;
	v51 =	vsub.f32 v39, v43  }
0x16f: {  	v23 =	vld [tilespmem:$0x18A10];
	vm3 =	vlt.f32 v13, $9.999999770e-03;
	v54 =	vsub.f32 v45, v6;
	v12 =	vadd.f32 v18, v12  }
0x170: {  	v24 =	vld [tilespmem:$0x18C10];
	v59 =	vsel vm3, $0x3F800000, v0;
	v62 =	vnsel vm3, $0x0, v61;
	v29 =	vand.u32 $0x7FFFFFFF, v26  }
0x171: {  	v52 =	vld [tilespmem:$0x18980];
	v8 =	vand.u32 $0x7FFFFFFF, v28;
	v7 =	vand.u32 $0x7FFFFFFF, v41;
	v44 =	vsub.f32 v32, v36  }
0x172: {  	v27 =	vld [tilespmem:$0x18E10];
	v50 =	vand.u32 $0x7FFFFFFF, v48;
	v17 =	vadd.f32 v20, v17;
	v16 =	vadd.f32 v21, v16  }
0x173: {  	v30 =	vld [tilespmem:$0x18A80];
	v9 =	vadd.f32 v59, v9;
	v11 =	vadd.f32 v62, v11;
	v37 =	vand.u32 $0x7FFFFFFF, v35  }
0x174: {  	v42 =	vand.u32 $0x7FFFFFFF, v38;
	v56 =	vand.u32 $0x7FFFFFFF, v51;
	v58 =	vsub.f32 v45, v49;
	v59 =	vld [tilespmem:$0x18990]  }
0x175: {  	v6 =	vand.u32 $0x7FFFFFFF, v54;
	v35 =	vld [tilespmem:$0x18E80];
	v32 =	vsub.f32 v23, v4;
	v57 =	vadd.f32 v15, v17  }
0x176: {  	v48 =	vld [tilespmem:$0x18B10];
	v47 =	vand.u32 $0x7FFFFFFF, v44;
	v14 =	vadd.f32 v14, v16;
	v31 =	vsub.f32 v60, v24  }
0x177: {  	v61 =	vand.u32 $0x7FFFFFFF, v58;
	v62 =	vsub.f32 v52, v5;
	v16 =	vld [tilespmem:$0x18A00];
	v36 =	vsub.f32 v23, v27  }
0x178: {  	v21 =	vld [tilespmem:$0x18E00];
	v13 =	vadd.f32 v25, v57;
	v14 =	vadd.f32 v22, v14;
	v25 =	vand.u32 $0x7FFFFFFF, v63  }
0x179: {  	v34 =	vand.u32 $0x7FFFFFFF, v31;
	v57 =	vld [tilespmem:$0x18D80];
	vm3 =	vlt.f32 v25, $9.999999770e-03;
	v18 =	vsub.f32 v59, v5  }
0x17a: {  	v63 =	vld [tilespmem:$0x18D90];
	v39 =	vand.u32 $0x7FFFFFFF, v36;
	v43 =	vsub.f32 v30, v35;
	vm3 =	vmand vm0, vm3  }
0x17b: {  	v44 =	vld [tilespmem:$0x18B00];
	v12 =	vadd.f32 v12, v13;
	v10 =	vadd.f32 v10, v14;
	v33 =	vsel vm3, $0x3F800000, v0  }
0x17c: {  	v5 =	vand.u32 $0x7FFFFFFF, v18;
	v26 =	vsub.f32 v16, v4;
	v4 =	vand.u32 $0x7FFFFFFF, v32  }
0x17d: {  	v11 =	vadd.f32 v11, v12;
	v9 =	vadd.f32 v9, v10;
	v10 =	vnsel vm3, $0x0, v29  }
0x17e: {  	vm3 =	vlt.f32 v8, $9.999999770e-03;
	v12 =	vand.u32 $0x7FFFFFFF, v62;
	v29 =	vsub.f32 v16, v21  }
0x17f: {  	vm3 =	vmand vm0, vm3;
	v15 =	vsub.f32 v52, v57;
	v22 =	vsub.f32 v59, v63  }
0x180: {  	v28 =	vand.u32 $0x7FFFFFFF, v26;
	v52 =	vsub.f32 v44, v2;
	v2 =	vsub.f32 v48, v2  }
0x181: {  	v10 =	vadd.f32 v10, v11;
	v9 =	vadd.f32 v33, v9;
	v8 =	vnsel vm3, $0x0, v34  }
0x182: {  	v40 =	vsel vm3, $0x3F800000, v0;
	vm3 =	vlt.f32 v37, $9.999999770e-03;
	v34 =	vand.u32 $0x7FFFFFFF, v29  }
0x183: {  	vm3 =	vmand vm0, vm3;
	v20 =	vand.u32 $0x7FFFFFFF, v15;
	v25 =	vand.u32 $0x7FFFFFFF, v22  }
0x184: {  	v37 =	vld [tilespmem:$0x18A90];
	v2 =	vand.u32 $0x7FFFFFFF, v2;
	v8 =	vadd.f32 v8, v10;
	v9 =	vadd.f32 v40, v9  }
0x185: {  	v10 =	vnsel vm3, $0x0, v42;
	v46 =	vsel vm3, $0x3F800000, v0;
	vm3 =	vlt.f32 v7, $9.999999770e-03  }
0x186: {  	v40 =	vsub.f32 v30, v3;
	vm14 =	vlt.f32 v2, $9.999999770e-03;
	vm3 =	vmand vm0, vm3  }
0x187: {  	v41 =	vld [tilespmem:$0x18E90];
	vm4 =	vmand vm0, vm14;
	v8 =	vadd.f32 v10, v8;
	v9 =	vadd.f32 v46, v9  }
0x188: {  	v7 =	vnsel vm3, $0x0, v47;
	v53 =	vsel vm3, $0x3F800000, v0;
	vm3 =	vlt.f32 v50, $9.999999770e-03  }
0x189: {  	v42 =	vand.u32 $0x7FFFFFFF, v40;
	v47 =	vand.u32 $0x7FFFFFFF, v43;
	v3 =	vsub.f32 v37, v3  }
0x18a: {  	vm3 =	vmand vm0, vm3;
	v7 =	vadd.f32 v7, v8;
	v55 =	vadd.f32 v53, v9  }
0x18b: {  	v9 =	vnsel vm3, $0x0, v56;
	v60 =	vsel vm3, $0x3F800000, v0;
	vm3 =	vlt.f32 v6, $9.999999770e-03  }
0x18c: {  	v49 =	vsub.f32 v37, v41;
	v53 =	vld [tilespmem:$0x18B80];
	vm3 =	vmand vm0, vm3;
	v3 =	vand.u32 $0x7FFFFFFF, v3  }
0x18d: {  	v7 =	vadd.f32 v9, v7;
	v8 =	vadd.f32 v60, v55;
	v6 =	vnsel vm3, $0x0, v61  }
0x18e: {  	v17 =	vsel vm3, $0x3F800000, v0;
	vm3 =	vlt.f32 v12, $9.999999770e-03;
	v9 =	vand.u32 $0x7FFFFFFF, v49  }
0x18f: {  	vm3 =	vmand vm0, vm3;
	v6 =	vadd.f32 v6, v7;
	v19 =	vadd.f32 v17, v8  }
0x190: {  	v8 =	vnsel vm3, $0x0, v20;
	v24 =	vsel vm3, $0x3F800000, v0;
	vm3 =	vlt.f32 v5, $9.999999770e-03  }
0x191: {  	vm3 =	vmand vm0, vm3;
	v2 =	vsub.f32 v53, v1;
	v7 =	vadd.f32 v24, v19  }
0x192: {  	v5 =	vnsel vm3, $0x0, v25;
	v31 =	vsel vm3, $0x3F800000, v0;
	vm3 =	vlt.f32 v28, $9.999999770e-03  }
0x193: {  	v6 =	vadd.f32 v8, v6;
	vm3 =	vmand vm0, vm3;
	v33 =	vadd.f32 v31, v7  }
0x194: {  	v59 =	vld [tilespmem:$0x18B90];
	v7 =	vnsel vm3, $0x0, v34;
	v38 =	vsel vm3, $0x3F800000, v0;
	vm3 =	vlt.f32 v4, $9.999999770e-03  }
0x195: {  	v50 =	vld [tilespmem:$0x18F00];
	v5 =	vadd.f32 v5, v6;
	vm3 =	vmand vm0, vm3;
	v6 =	vadd.f32 v38, v33  }
0x196: {  	v4 =	vnsel vm3, $0x0, v39;
	v45 =	vsel vm3, $0x3F800000, v0;
	vm3 =	vlt.f32 v42, $9.999999770e-03  }
0x197: {  	v5 =	vadd.f32 v7, v5;
	vm3 =	vmand vm0, vm3;
	v46 =	vadd.f32 v45, v6  }
0x198: {  	v6 =	vnsel vm3, $0x0, v47;
	v51 =	vsel vm3, $0x3F800000, v0;
	vm3 =	vlt.f32 v3, $9.999999770e-03;
	v3 =	vld [tilespmem:$0x18F10]  }
0x199: {  	v56 =	vld [tilespmem:$0x18F80];
	v55 =	vand.u32 $0x7FFFFFFF, v52;
	v1 =	vsub.f32 v59, v1;
	v4 =	vadd.f32 v4, v5  }
0x19a: {  	v58 =	vsub.f32 v44, v50;
	v2 =	vand.u32 $0x7FFFFFFF, v2;
	vm3 =	vmand vm0, vm3  }
0x19b: {  	v1 =	vand.u32 $0x7FFFFFFF, v1;
	v4 =	vadd.f32 v6, v4;
	v54 =	vnsel vm3, $0x0, v9  }
0x19c: {  	v60 =	vld [tilespmem:$0x18F90];
	v57 =	vsel vm3, $0x3F800000, v0;
	vm3 =	vlt.f32 v55, $9.999999770e-03;
	v6 =	vand.u32 $0x7FFFFFFF, v58  }
0x19d: {  	vm3 =	vmand vm0, vm3;
	v4 =	vadd.f32 v54, v4;
	v3 =	vsub.f32 v48, v3  }
0x19e: {  	vm15 =	vlt.f32 v2, $9.999999770e-03;
	v2 =	vsub.f32 v53, v56;
	v6 =	vnsel vm3, $0x0, v6  }
0x19f: {  	vm5 =	vmand vm0, vm15;
	v4 =	vadd.f32 v6, v4;
	v3 =	vand.u32 $0x7FFFFFFF, v3  }
0x1a0: {  	v2 =	vand.u32 $0x7FFFFFFF, v2;
	v5 =	vadd.f32 v51, v46;
	v3 =	vnsel vm4, $0x0, v3  }
0x1a1: {  	v61 =	vsub.f32 v59, v60;
	v2 =	vnsel vm5, $0x0, v2;
	v3 =	vadd.f32 v3, v4  }
0x1a2: {  	v5 =	vadd.f32 v57, v5;
	v62 =	vsel vm3, $0x3F800000, v0;
	vm3 =	vlt.f32 v1, $9.999999770e-03  }
0x1a3: {  	vm3 =	vmand vm0, vm3;
	v1 =	vadd.f32 v2, v3;
	v2 =	vand.u32 $0x7FFFFFFF, v61  }
0x1a4: {  	v3 =	vadd.f32 v62, v5;
	v2 =	vnsel vm3, $0x0, v2  }
0x1a5: {  	v63 =	vsel vm4, $0x3F800000, v0;
	v1 =	vadd.f32 v2, v1  }
0x1a6: {  	v2 =	vadd.f32 v63, v3  }
0x1a7: {  	v3 =	vsel vm5, $0x3F800000, v0;
	[tilespmem:$0x19920] =	vst v1  }
0x1a8: {  	v1 =	vadd.f32 v3, v2;
	[spmem:s14] =	stream.linear.scatter [tilespmem:s22], [sflag:$0x4], $0x10, $0x38;
	[tilespmem:$0x199A0] =	vst v63  }
0x1a9: {  	v2 =	vsel vm3, $0x3F800000, v0;
	_ =	swait.ge [sflag:s20], $0x10  }
0x1aa: {  	v1 =	vadd.f32 v2, v1;
	[sflag:s20] =	ssyncset.done $0x0  }
0x1ab: {  	[sflag:s20] =	ssyncadd.s32 $0xFFFFFFF0  }
0x1ac: {  	[tilespmem:$0x19920] =	vst v1  }
0x1ad: {  	[spmem:s15] =	stream.linear.scatter [tilespmem:s22], [sflag:$0x4], $0x10, $0x38;
	[tilespmem:$0x199A0] =	vst v63  }
.Ltmp7:
0x1ae: {  	_ =	swait.ge [sflag:s20], $0x10;
	(pc) =	sbr.rel @p1 .LBB2_9-.Ltmp7, $3  }
0x1af: {  	[sflag:s20] =	ssyncset.done $0x0  }
0x1b0: {  	[sflag:s20] =	ssyncadd.s32 $0xFFFFFFF0  }
0x1b1: {  	[bflag:$0x0] =	sbarrier.arrive $0xFFFF;
	_ =	sdelay $0x1  }
0x1b2: {  	[tilespmem:s21], [sflag:$0x4] =	stream.linear.gather [spmem:s2], $0x100, $0x38;
	[tilespmem:$0x199A0] =	vst v63  }
0x1b3: {  	_ =	swait.ge [sflag:s20], $0x100  }
0x1b4: {  	[sflag:s20] =	ssyncset.done $0x0  }
0x1b5: {  	[sflag:s20] =	ssyncadd.s32 $0xFFFFFF00  }
0x1b6: {  	v1 =	vld [tilespmem:$0x19080]  }
0x1b7: {  	v2 =	vld [tilespmem:$0x19090]  }
0x1b8: {  	v3 =	vld [tilespmem:$0x190A0]  }
0x1b9: {  	v4 =	vld [tilespmem:$0x190B0]  }
0x1ba: {  	v5 =	vld [tilespmem:$0x190C0]  }
0x1bb: {  	v6 =	vld [tilespmem:$0x190D0]  }
0x1bc: {  	v7 =	vld [tilespmem:$0x190E0]  }
0x1bd: {  	v8 =	vld [tilespmem:$0x190F0]  }
0x1be: {  	v9 =	vld [tilespmem:$0x19100]  }
0x1bf: {  	v10 =	vld [tilespmem:$0x19110]  }
0x1c0: {  	v11 =	vld [tilespmem:$0x19120]  }
0x1c1: {  	v12 =	vld [tilespmem:$0x19130]  }
0x1c2: {  	v13 =	vld [tilespmem:$0x19140]  }
0x1c3: {  	v14 =	vld [tilespmem:$0x19150]  }
0x1c4: {  	v15 =	vld [tilespmem:$0x19160]  }
0x1c5: {  	v16 =	vld [tilespmem:$0x19170];
	[tilespmem:s21], [sflag:$0x4] =	stream.linear.gather [spmem:s3], $0x100, $0x38  }
0x1c6: {  	_ =	swait.ge [sflag:s20], $0x100  }
0x1c7: {  	[sflag:s20] =	ssyncset.done $0x0  }
0x1c8: {  	[sflag:s20] =	ssyncadd.s32 $0xFFFFFF00  }
0x1c9: {  	v17 =	vld [tilespmem:$0x19080];
	_ =	sdelay $0x1  }
0x1ca: {  	v18 =	vld [tilespmem:$0x19090];
	_ =	sdelay $0x1  }
0x1cb: {  	v19 =	vld [tilespmem:$0x190A0];
	v1 =	vadd.f32 $0.0e+00, v1  }
0x1cc: {  	v17 =	vadd.f32 $0.0e+00, v17  }
0x1cd: {  	v1 =	vadd.f32 v2, v1;
	v2 =	vld [tilespmem:$0x190B0]  }
0x1ce: {  	v17 =	vadd.f32 v18, v17  }
0x1cf: {  	v1 =	vadd.f32 v3, v1;
	v3 =	vld [tilespmem:$0x190C0]  }
0x1d0: {  	v17 =	vadd.f32 v19, v17  }
0x1d1: {  	v56 =	vld [tilespmem:$0x190D0];
	v1 =	vadd.f32 v4, v1  }
0x1d2: {  	v2 =	vadd.f32 v2, v17  }
0x1d3: {  	v57 =	vld [tilespmem:$0x190E0];
	v1 =	vadd.f32 v5, v1  }
0x1d4: {  	v2 =	vadd.f32 v3, v2  }
0x1d5: {  	v1 =	vadd.f32 v6, v1;
	v3 =	vld [tilespmem:$0x190F0]  }
0x1d6: {  	v2 =	vadd.f32 v56, v2  }
0x1d7: {  	v58 =	vld [tilespmem:$0x19100];
	v1 =	vadd.f32 v7, v1  }
0x1d8: {  	v2 =	vadd.f32 v57, v2  }
0x1d9: {  	v59 =	vld [tilespmem:$0x19110];
	v1 =	vadd.f32 v8, v1  }
0x1da: {  	v2 =	vadd.f32 v3, v2  }
0x1db: {  	v1 =	vadd.f32 v9, v1;
	v3 =	vld [tilespmem:$0x19120]  }
0x1dc: {  	v2 =	vadd.f32 v58, v2  }
0x1dd: {  	v60 =	vld [tilespmem:$0x19130];
	v1 =	vadd.f32 v10, v1  }
0x1de: {  	v2 =	vadd.f32 v59, v2  }
0x1df: {  	v61 =	vld [tilespmem:$0x19140];
	v1 =	vadd.f32 v11, v1  }
0x1e0: {  	v2 =	vadd.f32 v3, v2  }
0x1e1: {  	v1 =	vadd.f32 v12, v1;
	v3 =	vld [tilespmem:$0x19150]  }
0x1e2: {  	v2 =	vadd.f32 v60, v2  }
0x1e3: {  	v62 =	vld [tilespmem:$0x19160];
	v1 =	vadd.f32 v13, v1  }
0x1e4: {  	v2 =	vadd.f32 v61, v2  }
0x1e5: {  	v63 =	vld [tilespmem:$0x19170];
	v1 =	vadd.f32 v14, v1  }
0x1e6: {  	v2 =	vadd.f32 v3, v2  }
0x1e7: {  	v1 =	vadd.f32 v15, v1  }
0x1e8: {  	v2 =	vadd.f32 v62, v2  }
0x1e9: {  	v1 =	vadd.f32 v16, v1  }
0x1ea: {  	v2 =	vadd.f32 v63, v2  }
0x1eb: {  	(xrf2) =	vadd.scan.msk.f32 $0xffff, v1  }
0x1ec: {  	(xrf2) =	vadd.scan.msk.f32 $0xffff, v2;
	_ =	sdelay $0x8  }
0x1ed: {  	v1, _, _ =	vpop (xrf2)  }
0x1ee: {  	v2, _, _ =	vpop (xrf2)  }
0x1ef: {  	v2 =	vbroadcast v2, $0xF  }
0x1f0: {  	v1 =	vbroadcast v1, $0xF  }
0x1f1: {  	v2 =	vnsel vm1, $0x0, v2  }
0x1f2: {  	v1 =	vsel vm2, v2, v1  }
.Ltmp8:
0x1f3: {  	[tilespmem:$0x19920] =	vst v1;
	(pc) =	sbr.rel .LBB2_9-.Ltmp8, $4  }
0x1f4: {  	[hbm4b:s16+s4] =	stream.linear.scatter [tilespmem:s22], [sflag:$0x4], $0x80, $0x38;
	[tilespmem:$0x199A0] =	vst v63  }
0x1f5: {  	_ =	swait.ge [sflag:s20], $0x80  }
0x1f6: {  	[sflag:s20] =	ssyncset.done $0x0  }
0x1f7: {  	[sflag:s20] =	ssyncadd.s32 $0xFFFFFF80  }
.LBB2_10:
0x1f8: {  	_ =	sfence.sel $0x180000  }
0x1f9: {  	[bflag:$0x0] =	sbarrier.arrive $0xFFFF  }
0x1fa: {  	_ =	strace $0x90000047  }
0x1fb: {  	[bflag:$0x2] =	sbarrier.arrive $0xFFFF  }
0x1fc: {  	s0 =	rddreg [dreg:$0x6]  }
0x1fd: {  	s0 =	sadd.s32 @!p1 $0x100000, s0  }
0x1fe: {  	[sflag:s0] =	ssyncadd.tile.s32 @!p1 $0x1;
	_ =	shalt  }
.Lfunc_end2:
_tile_overlayer_lowered:
.L_overlay_start_2:
0x1ff: {  	(tag) =	ssettag $0x2  }
0x200: {  	s0 =	rddreg [dreg:$0x0];
	s2 =	stileid.u32  }
0x201: {  	s1 =	rddreg [dreg:$0x1];
	p0 =	sne.s32 s2, $0x0  }
0x202: {  	s3 =	rddreg [dreg:$0x2];
	[bflag:$0x3] =	sbarrier.arrive $0xFFFF;
	s2 =	simm.s32 @!p0 $0x1C04  }
0x203: {  	[timem:s3], [sflag:s2] =	dma.local @!p0 [hbm:s0], s1  }
0x204: {  	s0 =	simm.s32 @!p0 $0x4  }
0x205: {  	_ =	swait.ge @!p0 [sflag:s0], s1  }
0x206: {  	s1 =	ssub.s32 @!p0 $0x0, s1;
	[sflag:s0] =	ssyncset.done @!p0 $0x0  }
0x207: {  	[sflag:s0] =	ssyncadd.s32 @!p0 s1  }
0x208: {  	[bflag:$0x3] =	sbarrier.arrive $0xFFFF  }
0x209: {  	_ =	shalt  }

</sc_bundles>
